<compile_context>
chip_gen: v7x
topology: tpu7x:2x2x1
jax: 0.10.2.dev20260603
libtpu: 0.0.44.dev20260713+nightly
codegen_flags: <defaults>
</compile_context>

<pallas_src>
import functools

import jax
import jax.numpy as jnp
from jax import lax
from jax.experimental import pallas as pl
from jax.experimental.pallas import tpu as pltpu
from jax.experimental.pallas import tpu_sc as plsc

N = 10000
NPAD = 10112
E_RAW = 320000
E_TOT = E_RAW + N
NC, NS, NW = 2, 16, 32
CHUNK = 128
NCHUNK = 81
EPAD = NW * NCHUNK * CHUNK
ROWS_PER_TILE = NPAD // NS
Z1, Z2 = 312, 320

_MESH = dict(core_axis_name="c", subcore_axis_name="s", num_cores=NC,
             num_subcores=NS)



def _tca_body(x_ref, w1_ref, asm_ref, adm_ref,
              hg0_ref, hg1_ref, hg2_ref, hg3_ref, as1t_ref, ad1t_ref,
              m1_ref):
    h = jnp.dot(x_ref[...], w1_ref[...], preferred_element_type=jnp.float32)
    hg0_ref[...] = h[:, 0:64]
    hg1_ref[...] = h[:, 64:128]
    hg2_ref[...] = h[:, 128:192]
    hg3_ref[...] = h[:, 192:256]
    as1 = jnp.dot(h, asm_ref[...], preferred_element_type=jnp.float32)
    ad1 = jnp.dot(h, adm_ref[...], preferred_element_type=jnp.float32)
    as1t_ref[...] = jnp.concatenate([as1, as1], axis=1)
    ad1t_ref[...] = jnp.concatenate([ad1, ad1], axis=1)
    m = (jnp.max(as1, axis=0, keepdims=True)
         + jnp.max(ad1, axis=0, keepdims=True))
    m = jnp.where(m >= 0, m, 0.2 * m)
    m1_ref[...] = jnp.concatenate([m, m], axis=1)


TCB_BLOCKS = 8
TCB_B = NPAD // TCB_BLOCKS


def _tcb_body(u0_ref, u1_ref, u2_ref, u3_ref, d1_ref, b1_ref, w2_ref,
              r8_ref, as2m_ref, ad2m_ref, h2_ref, as2t_ref, ad2t_ref,
              m2_ref, mscr):
    i = pl.program_id(0)
    d8 = (d1_ref[0] + d1_ref[1])[:, :8]
    rec = 1.0 / (d8 + 1e-16)
    recx = jnp.dot(rec, r8_ref[...], preferred_element_type=jnp.float32)
    u = jnp.concatenate([u0_ref[0] + u0_ref[1], u1_ref[0] + u1_ref[1],
                         u2_ref[0] + u2_ref[1], u3_ref[0] + u3_ref[1]],
                        axis=1)
    h1 = u * recx + b1_ref[...]
    h1 = jnp.where(h1 > 0, h1, jnp.exp(jnp.minimum(h1, 0.0)) - 1.0)
    h2 = jnp.dot(h1, w2_ref[...], preferred_element_type=jnp.float32)
    h2_ref[...] = h2
    as2t = jnp.dot(h2, as2m_ref[...], preferred_element_type=jnp.float32)
    ad2t = jnp.dot(h2, ad2m_ref[...], preferred_element_type=jnp.float32)
    as2t_ref[...] = as2t
    ad2t_ref[...] = ad2t

    @pl.when(i == 0)
    def _():
        mscr[...] = jnp.full((2, 16), -jnp.inf, jnp.float32)

    bs = jnp.maximum(mscr[0:1, :], jnp.max(as2t, axis=0, keepdims=True))
    bd = jnp.maximum(mscr[1:2, :], jnp.max(ad2t, axis=0, keepdims=True))
    mscr[0:1, :] = bs
    mscr[1:2, :] = bd

    @pl.when(i == TCB_BLOCKS - 1)
    def _():
        m = mscr[0:1, :] + mscr[1:2, :]
        m2_ref[...] = jnp.where(m >= 0, m, 0.2 * m)


def _tcc_body(u2_ref, d2_ref, b2_ref, out_ref):
    out_ref[...] = ((u2_ref[0] + u2_ref[1])
                    / (d2_ref[0] + d2_ref[1] + 1e-16) + b2_ref[...])



def _sc1_body(srcr, dstr, as1t, ad1t, hg0, hg1, hg2, hg3, m1,
              u0o, u1o, u2o, u3o, d1o,
              sidx, didx, sA, sB, dA, dB, pbuf, hA, hB, m2v, zu, zd,
              accu, accd, asem, dsem, hsem, ssem):
    cid = lax.axis_index("c")
    sid = lax.axis_index("s")
    w = cid * NS + sid
    pltpu.sync_copy(srcr.at[w], sidx)
    pltpu.sync_copy(dstr.at[w], didx)
    pltpu.sync_copy(m1.at[0], m2v)
    mvec = m2v[...]
    zeros16 = jnp.zeros((16,), jnp.float32)

    def _zu(r, _):
        for k in range(4):
            zu[r, pl.ds(k * 16, 16)] = zeros16
        return 0
    lax.fori_loop(0, Z2, _zu, 0)

    def _zd(r, _):
        zd[r, :] = zeros16
        return 0
    lax.fori_loop(0, ROWS_PER_TILE, _zd, 0)

    r0 = sid * ROWS_PER_TILE
    pltpu.sync_copy(zu.at[pl.ds(0, Z1)], accu.at[pl.ds(r0, Z1)])
    pltpu.sync_copy(zu, accu.at[pl.ds(r0 + Z1, Z2)])
    pltpu.sync_copy(zd, accd.at[pl.ds(r0, ROWS_PER_TILE)])
    plsc.subcore_barrier()

    for g in range(4):
        hg = (hg0, hg1, hg2, hg3)[g]

        def _chunk(j, _):
            @pl.when(j > 0)
            def _():
                pltpu.make_async_copy(hA, accu.at[didx.at[j - 1]],
                                      ssem).wait()
            hd = pltpu.async_copy(hg.at[sidx.at[j]], hA, hsem)
            pltpu.sync_copy(as1t.at[sidx.at[j]], sA)
            pltpu.sync_copy(ad1t.at[didx.at[j]], dA)

            def _pcalc(c, _c):
                e = sA[c, :] + dA[c, :]
                e = jnp.where(e >= 0, e, 0.2 * e)
                pbuf[c, :] = jnp.exp(e - mvec)
                return 0
            lax.fori_loop(0, CHUNK, _pcalc, 0)
            if g == 0:
                pltpu.sync_copy(pbuf, accd.at[didx.at[j]], add=True)
            hd.wait()

            def _mul(c, _c):
                prow = pbuf[c, :]
                for h in range(2):
                    vec = jnp.full((16,), prow[g * 2 + h], jnp.float32)
                    for half in range(2):
                        sl = pl.ds(h * 32 + half * 16, 16)
                        hA[c, sl] = hA[c, sl] * vec
                return 0
            lax.fori_loop(0, CHUNK, _mul, 0)
            pltpu.async_copy(hA, accu.at[didx.at[j]], ssem, add=True)
            return 0
        lax.fori_loop(0, NCHUNK, _chunk, 0)
        pltpu.make_async_copy(hA, accu.at[didx.at[NCHUNK - 1]], ssem).wait()
        plsc.subcore_barrier()

        uo = (u0o, u1o, u2o, u3o)[g]
        pltpu.sync_copy(accu.at[pl.ds(r0, Z1)],
                        uo.at[cid, pl.ds(r0, Z1)])
        pltpu.sync_copy(accu.at[pl.ds(r0 + Z1, Z2)],
                        uo.at[cid, pl.ds(r0 + Z1, Z2)])
        if g == 0:
            pltpu.sync_copy(accd.at[pl.ds(r0, ROWS_PER_TILE)],
                            d1o.at[cid, pl.ds(r0, ROWS_PER_TILE)])
        if g < 3:
            pltpu.sync_copy(zu.at[pl.ds(0, Z1)], accu.at[pl.ds(r0, Z1)])
            pltpu.sync_copy(zu, accu.at[pl.ds(r0 + Z1, Z2)])
            plsc.subcore_barrier()



def _sc2_body(srcr, dstr, h2t, as2t, ad2t, m2,
              u2o, d2o,
              sidx, didx, sA, sB, dA, dB, pbuf, hA, hB, m2v, zd,
              accu, accd, asem, dsem, hsem, ssem):
    cid = lax.axis_index("c")
    sid = lax.axis_index("s")
    w = cid * NS + sid
    pltpu.sync_copy(srcr.at[w], sidx)
    pltpu.sync_copy(dstr.at[w], didx)
    pltpu.sync_copy(m2.at[0], m2v)
    mvec = m2v[...]
    zeros16 = jnp.zeros((16,), jnp.float32)

    def _zd(r, _):
        zd[r, :] = zeros16
        return 0
    lax.fori_loop(0, ROWS_PER_TILE, _zd, 0)

    r0 = sid * ROWS_PER_TILE
    pltpu.sync_copy(zd, accu.at[pl.ds(r0, ROWS_PER_TILE)])
    pltpu.sync_copy(zd, accd.at[pl.ds(r0, ROWS_PER_TILE)])
    plsc.subcore_barrier()

    def _chunk(j, _):
        @pl.when(j > 0)
        def _():
            pltpu.make_async_copy(hA, accu.at[didx.at[j - 1]], ssem).wait()
        hd = pltpu.async_copy(h2t.at[sidx.at[j]], hA, hsem)
        pltpu.sync_copy(as2t.at[sidx.at[j]], sA)
        pltpu.sync_copy(ad2t.at[didx.at[j]], dA)

        def _pcalc(c, _c):
            e = sA[c, :] + dA[c, :]
            e = jnp.where(e >= 0, e, 0.2 * e)
            pbuf[c, :] = jnp.exp(e - mvec)
            return 0
        lax.fori_loop(0, CHUNK, _pcalc, 0)
        pltpu.sync_copy(pbuf, accd.at[didx.at[j]], add=True)
        hd.wait()

        def _mul(c, _c):
            hA[c, :] = hA[c, :] * pbuf[c, :]
            return 0
        lax.fori_loop(0, CHUNK, _mul, 0)
        pltpu.async_copy(hA, accu.at[didx.at[j]], ssem, add=True)
        return 0
    lax.fori_loop(0, NCHUNK, _chunk, 0)
    pltpu.make_async_copy(hA, accu.at[didx.at[NCHUNK - 1]], ssem).wait()
    plsc.subcore_barrier()

    pltpu.sync_copy(accu.at[pl.ds(r0, ROWS_PER_TILE)],
                    u2o.at[cid, pl.ds(r0, ROWS_PER_TILE)])
    pltpu.sync_copy(accd.at[pl.ds(r0, ROWS_PER_TILE)],
                    d2o.at[cid, pl.ds(r0, ROWS_PER_TILE)])



def kernel(x, edge_index, W1, a_src1, a_dst1, b1, W2, a_src2, a_dst2, b2):
    f32 = jnp.float32
    loop = jnp.arange(N, dtype=jnp.int32)
    padi = jnp.full((EPAD - E_TOT,), N, jnp.int32)
    src = jnp.concatenate([edge_index[0].astype(jnp.int32), loop, padi])
    dst = jnp.concatenate([edge_index[1].astype(jnp.int32), loop, padi])
    srcr = src.reshape(NW, NCHUNK, CHUNK)
    dstr = dst.reshape(NW, NCHUNK, CHUNK)

    x_pad = jnp.zeros((NPAD, 128), f32).at[:N].set(x)
    eye8 = jnp.eye(8, dtype=f32)
    asm = (a_src1[:, :, None] * eye8[:, None, :]).reshape(256, 8)
    adm = (a_dst1[:, :, None] * eye8[:, None, :]).reshape(256, 8)
    r8 = jnp.kron(eye8, jnp.ones((1, 32), f32))
    as2m = jnp.broadcast_to(a_src2.reshape(16, 1), (16, 16))
    ad2m = jnp.broadcast_to(a_dst2.reshape(16, 1), (16, 16))

    hg0, hg1, hg2, hg3, as1t, ad1t, m1 = pl.pallas_call(
        _tca_body,
        out_shape=[
            jax.ShapeDtypeStruct((NPAD, 64), f32),
            jax.ShapeDtypeStruct((NPAD, 64), f32),
            jax.ShapeDtypeStruct((NPAD, 64), f32),
            jax.ShapeDtypeStruct((NPAD, 64), f32),
            jax.ShapeDtypeStruct((NPAD, 16), f32),
            jax.ShapeDtypeStruct((NPAD, 16), f32),
            jax.ShapeDtypeStruct((1, 16), f32),
        ],
    )(x_pad, W1, asm, adm)

    sc1 = functools.partial(
        pl.kernel,
        out_type=[
            jax.ShapeDtypeStruct((NC, NPAD, 64), f32),
            jax.ShapeDtypeStruct((NC, NPAD, 64), f32),
            jax.ShapeDtypeStruct((NC, NPAD, 64), f32),
            jax.ShapeDtypeStruct((NC, NPAD, 64), f32),
            jax.ShapeDtypeStruct((NC, NPAD, 16), f32),
        ],
        mesh=plsc.VectorSubcoreMesh(**_MESH),
        compiler_params=pltpu.CompilerParams(use_tc_tiling_on_sc=False),
        scratch_types=[
            pltpu.VMEM((NCHUNK, CHUNK), jnp.int32),
            pltpu.VMEM((NCHUNK, CHUNK), jnp.int32),
            pltpu.VMEM((CHUNK, 16), f32),
            pltpu.VMEM((CHUNK, 16), f32),
            pltpu.VMEM((CHUNK, 16), f32),
            pltpu.VMEM((CHUNK, 16), f32),
            pltpu.VMEM((CHUNK, 16), f32),
            pltpu.VMEM((CHUNK, 64), f32),
            pltpu.VMEM((CHUNK, 64), f32),
            pltpu.VMEM((16,), f32),
            pltpu.VMEM((Z2, 64), f32),
            pltpu.VMEM((ROWS_PER_TILE, 16), f32),
            pltpu.VMEM_SHARED((NPAD, 64), f32),
            pltpu.VMEM_SHARED((NPAD, 16), f32),
            pltpu.SemaphoreType.DMA,
            pltpu.SemaphoreType.DMA,
            pltpu.SemaphoreType.DMA,
            pltpu.SemaphoreType.DMA,
        ],
    )(_sc1_body)
    u0, u1, u2, u3, d1 = sc1(srcr, dstr, as1t, ad1t, hg0, hg1, hg2, hg3,
                             m1)

    ublock = pl.BlockSpec((NC, TCB_B, 64), lambda i: (0, i, 0))
    h2t, as2t, ad2t, m2 = pl.pallas_call(
        _tcb_body,
        grid=(TCB_BLOCKS,),
        in_specs=[
            ublock, ublock, ublock, ublock,
            pl.BlockSpec((NC, TCB_B, 16), lambda i: (0, i, 0)),
            pl.BlockSpec((256,), lambda i: (0,)),
            pl.BlockSpec((256, 16), lambda i: (0, 0)),
            pl.BlockSpec((8, 256), lambda i: (0, 0)),
            pl.BlockSpec((16, 16), lambda i: (0, 0)),
            pl.BlockSpec((16, 16), lambda i: (0, 0)),
        ],
        out_specs=[
            pl.BlockSpec((TCB_B, 16), lambda i: (i, 0)),
            pl.BlockSpec((TCB_B, 16), lambda i: (i, 0)),
            pl.BlockSpec((TCB_B, 16), lambda i: (i, 0)),
            pl.BlockSpec((1, 16), lambda i: (0, 0)),
        ],
        out_shape=[
            jax.ShapeDtypeStruct((NPAD, 16), f32),
            jax.ShapeDtypeStruct((NPAD, 16), f32),
            jax.ShapeDtypeStruct((NPAD, 16), f32),
            jax.ShapeDtypeStruct((1, 16), f32),
        ],
        scratch_shapes=[pltpu.VMEM((2, 16), f32)],
    )(u0, u1, u2, u3, d1, b1, W2, r8, as2m, ad2m)

    sc2 = functools.partial(
        pl.kernel,
        out_type=[
            jax.ShapeDtypeStruct((NC, NPAD, 16), f32),
            jax.ShapeDtypeStruct((NC, NPAD, 16), f32),
        ],
        mesh=plsc.VectorSubcoreMesh(**_MESH),
        compiler_params=pltpu.CompilerParams(use_tc_tiling_on_sc=False),
        scratch_types=[
            pltpu.VMEM((NCHUNK, CHUNK), jnp.int32),
            pltpu.VMEM((NCHUNK, CHUNK), jnp.int32),
            pltpu.VMEM((CHUNK, 16), f32),
            pltpu.VMEM((CHUNK, 16), f32),
            pltpu.VMEM((CHUNK, 16), f32),
            pltpu.VMEM((CHUNK, 16), f32),
            pltpu.VMEM((CHUNK, 16), f32),
            pltpu.VMEM((CHUNK, 16), f32),
            pltpu.VMEM((CHUNK, 16), f32),
            pltpu.VMEM((16,), f32),
            pltpu.VMEM((ROWS_PER_TILE, 16), f32),
            pltpu.VMEM_SHARED((NPAD, 16), f32),
            pltpu.VMEM_SHARED((NPAD, 16), f32),
            pltpu.SemaphoreType.DMA,
            pltpu.SemaphoreType.DMA,
            pltpu.SemaphoreType.DMA,
            pltpu.SemaphoreType.DMA,
        ],
    )(_sc2_body)
    u2, d2 = sc2(srcr, dstr, h2t, as2t, ad2t, m2)

    out = pl.pallas_call(
        _tcc_body,
        out_shape=jax.ShapeDtypeStruct((NPAD, 16), f32),
    )(u2, d2, b2)
    return out[:N]

# --- scband reference (transcript-rebuilt; emitter-appended) ---
"""Pipeline reference for scband-fraud-gat-35046933135711 (READ-ONLY COPY).

The authoritative reference and input builder live on the scoring server;
editing this copy changes nothing except your own understanding.
"""

import jax, jax.numpy as jnp
import numpy as np

N = 10000
E = 320000
IN_CH = 128
HID = 32
HEADS = 8
OUT_CH = 16


def gat_layer(x, src, dst, W, a_src, a_dst, bias, heads, ch, concat, n):
    # Linear projection and reshape into heads: [N, heads, ch]
    h = (x @ W).reshape(-1, heads, ch)
    # Attention logits per node (GATConv style: a^T [Wh_i || Wh_j] split into src/dst parts)
    alpha_src = jnp.sum(h * a_src, axis=-1)  # [N, heads]
    alpha_dst = jnp.sum(h * a_dst, axis=-1)  # [N, heads]
    e = alpha_src[src] + alpha_dst[dst]      # [E, heads]
    e = jax.nn.leaky_relu(e, 0.2)
    # Softmax over incoming edges of each destination node (numerically stable)
    e_max = jax.ops.segment_max(e, dst, num_segments=n)
    e = jnp.exp(e - e_max[dst])
    denom = jax.ops.segment_sum(e, dst, num_segments=n)
    alpha = e / (denom[dst] + 1e-16)
    # Weighted message aggregation (scatter-add over dst)
    out = jax.ops.segment_sum(h[src] * alpha[:, :, None], dst, num_segments=n)
    if concat:
        out = out.reshape(n, heads * ch)
    else:
        out = out.mean(axis=1)
    return out + bias


def setup_inputs(seed: int = 0) -> dict:
    key = jax.random.key(seed)
    ks = jax.random.split(key, 10)
    x = jax.random.normal(ks[0], (N, IN_CH), dtype=jnp.float32)
    edge_index = jax.random.randint(ks[1], (2, E), 0, N, dtype=jnp.int32)
    # Layer 1: GATConv(128 -> 32, heads=8, concat=True)
    W1 = jax.random.normal(ks[2], (IN_CH, HEADS * HID), dtype=jnp.float32) * 0.05
    a_src1 = jax.random.normal(ks[3], (HEADS, HID), dtype=jnp.float32) * 0.05
    a_dst1 = jax.random.normal(ks[4], (HEADS, HID), dtype=jnp.float32) * 0.05
    b1 = jnp.zeros((HEADS * HID,), dtype=jnp.float32)
    # Layer 2: GATConv(256 -> 16, heads=1, concat=False)
    W2 = jax.random.normal(ks[5], (HEADS * HID, 1 * OUT_CH), dtype=jnp.float32) * 0.05
    a_src2 = jax.random.normal(ks[6], (1, OUT_CH), dtype=jnp.float32) * 0.05
    a_dst2 = jax.random.normal(ks[7], (1, OUT_CH), dtype=jnp.float32) * 0.05
    b2 = jnp.zeros((OUT_CH,), dtype=jnp.float32)
    return {"x": x, "edge_index": edge_index, "W1": W1, "a_src1": a_src1, "a_dst1": a_dst1, "b1": b1, "W2": W2, "a_src2": a_src2, "a_dst2": a_dst2, "b2": b2}


def reference(x, edge_index, W1, a_src1, a_dst1, b1, W2, a_src2, a_dst2, b2):
    n = x.shape[0]
    # PyG GATConv adds self-loops by default
    loop = jnp.arange(n, dtype=edge_index.dtype)
    src = jnp.concatenate([edge_index[0], loop])
    dst = jnp.concatenate([edge_index[1], loop])
    h = gat_layer(x, src, dst, W1, a_src1, a_dst1, b1, HEADS, HID, True, n)
    h = jax.nn.elu(h)
    # dropout p=0.2 is identity in eval mode
    out = gat_layer(h, src, dst, W2, a_src2, a_dst2, b2, 1, OUT_CH, False, n)
    return out

if __name__ == "__main__":
    import jax
    _d = setup_inputs()
    print(jax.jit(kernel)(*tuple(_d.values())))

</pallas_src>

<mosaic_0001>
#map = affine_map<(d0, d1) -> (0, 0, 0)>
#map1 = affine_map<(d0, d1) -> (0, 0)>
module attributes {stable_mosaic.version = 14 : i64} {
  func.func @_sc1_body(%arg0: i32, %arg1: i32, %arg2: memref<32x81x128xi32, #tpu.memory_space<hbm>>, %arg3: memref<32x81x128xi32, #tpu.memory_space<hbm>>, %arg4: memref<10112x16xf32, #tpu.memory_space<hbm>>, %arg5: memref<10112x16xf32, #tpu.memory_space<hbm>>, %arg6: memref<10112x64xf32, #tpu.memory_space<hbm>>, %arg7: memref<10112x64xf32, #tpu.memory_space<hbm>>, %arg8: memref<10112x64xf32, #tpu.memory_space<hbm>>, %arg9: memref<10112x64xf32, #tpu.memory_space<hbm>>, %arg10: memref<1x16xf32, #tpu.memory_space<hbm>>, %arg11: memref<2x10112x64xf32, #tpu.memory_space<hbm>>, %arg12: memref<2x10112x64xf32, #tpu.memory_space<hbm>>, %arg13: memref<2x10112x64xf32, #tpu.memory_space<hbm>>, %arg14: memref<2x10112x64xf32, #tpu.memory_space<hbm>>, %arg15: memref<2x10112x16xf32, #tpu.memory_space<hbm>>, %arg16: memref<81x128xi32, #tpu.memory_space<vmem>>, %arg17: memref<81x128xi32, #tpu.memory_space<vmem>>, %arg18: memref<128x16xf32, #tpu.memory_space<vmem>>, %arg19: memref<128x16xf32, #tpu.memory_space<vmem>>, %arg20: memref<128x16xf32, #tpu.memory_space<vmem>>, %arg21: memref<128x16xf32, #tpu.memory_space<vmem>>, %arg22: memref<128x16xf32, #tpu.memory_space<vmem>>, %arg23: memref<128x64xf32, #tpu.memory_space<vmem>>, %arg24: memref<128x64xf32, #tpu.memory_space<vmem>>, %arg25: memref<16xf32, #tpu.memory_space<vmem>>, %arg26: memref<320x64xf32, #tpu.memory_space<vmem>>, %arg27: memref<632x16xf32, #tpu.memory_space<vmem>>, %arg28: memref<10112x64xf32, #tpu.memory_space<vmem_shared>>, %arg29: memref<10112x16xf32, #tpu.memory_space<vmem_shared>>, %arg30: memref<!tpu.dma_semaphore, #tpu.memory_space<semaphore_mem>>, %arg31: memref<!tpu.dma_semaphore, #tpu.memory_space<semaphore_mem>>, %arg32: memref<!tpu.dma_semaphore, #tpu.memory_space<semaphore_mem>>, %arg33: memref<!tpu.dma_semaphore, #tpu.memory_space<semaphore_mem>>) attributes {dimension_semantics = [#tpu.dimension_semantics<core_parallel>, #tpu.dimension_semantics<subcore_parallel>], iteration_bounds = array<i64: 2, 16>, scalar_prefetch = 0 : i64, scratch_operands = 18 : i64, tpu.core_type = #tpu.core_type<sc_vector_subcore>, window_params = [{transform_indices = #map}, {transform_indices = #map}, {transform_indices = #map1}, {transform_indices = #map1}, {transform_indices = #map1}, {transform_indices = #map1}, {transform_indices = #map1}, {transform_indices = #map1}, {transform_indices = #map1}, {transform_indices = #map}, {transform_indices = #map}, {transform_indices = #map}, {transform_indices = #map}, {transform_indices = #map}]} {
    %mul3A = arith.constant 16 : i32
    %mul3A_0 = arith.muli %arg0, %mul3A : i32
    %add3A = arith.addi %mul3A_0, %arg1 : i32
    "tpu.region"() ({
      %run_scoped3A_105 = tpu.sem_alloc : memref<!tpu.dma_semaphore, #tpu.memory_space<semaphore_mem>>
      %dma_start3A = arith.constant 0 : i32
      %dma_start3A_106 = arith.constant 0 : i32
      %dma_start3A_107 = tpu.memref_slice %arg2[%add3A, %dma_start3A, %dma_start3A_106] : memref<32x81x128xi32, #tpu.memory_space<hbm>> -> memref<1x81x128xi32, #tpu.memory_space<hbm>>
      %dma_start3A_108 = tpu.memref_squeeze %dma_start3A_107 : memref<1x81x128xi32, #tpu.memory_space<hbm>> -> memref<81x128xi32, #tpu.memory_space<hbm>>
      %dma_start3A_109 = arith.constant 0 : i32
      %dma_start3A_110 = arith.constant 0 : i32
      %dma_start3A_111 = tpu.memref_slice %arg2[%add3A, %dma_start3A_109, %dma_start3A_110] : memref<32x81x128xi32, #tpu.memory_space<hbm>> -> memref<1x81x128xi32, #tpu.memory_space<hbm>>
      %dma_start3A_112 = tpu.memref_squeeze %dma_start3A_111 : memref<1x81x128xi32, #tpu.memory_space<hbm>> -> memref<81x128xi32, #tpu.memory_space<hbm>>
      tpu.enqueue_dma source(%dma_start3A_112 : memref<81x128xi32, #tpu.memory_space<hbm>>) target(%arg16 : memref<81x128xi32, #tpu.memory_space<vmem>>) target_semaphore(%run_scoped3A_105 : memref<!tpu.dma_semaphore, #tpu.memory_space<semaphore_mem>>)
      %dma_wait3A_113 = arith.constant 0 : i32
      %dma_wait3A_114 = arith.constant 0 : i32
      %dma_wait3A_115 = tpu.memref_slice %arg2[%add3A, %dma_wait3A_113, %dma_wait3A_114] : memref<32x81x128xi32, #tpu.memory_space<hbm>> -> memref<1x81x128xi32, #tpu.memory_space<hbm>>
      %dma_wait3A_116 = tpu.memref_squeeze %dma_wait3A_115 : memref<1x81x128xi32, #tpu.memory_space<hbm>> -> memref<81x128xi32, #tpu.memory_space<hbm>>
      %dma_wait3A_117 = arith.constant 0 : i32
      %dma_wait3A_118 = arith.constant 0 : i32
      %dma_wait3A_119 = tpu.memref_slice %arg2[%add3A, %dma_wait3A_117, %dma_wait3A_118] : memref<32x81x128xi32, #tpu.memory_space<hbm>> -> memref<1x81x128xi32, #tpu.memory_space<hbm>>
      %dma_wait3A_120 = tpu.memref_squeeze %dma_wait3A_119 : memref<1x81x128xi32, #tpu.memory_space<hbm>> -> memref<81x128xi32, #tpu.memory_space<hbm>>
      tpu.wait_dma2 semaphore(%run_scoped3A_105 : memref<!tpu.dma_semaphore, #tpu.memory_space<semaphore_mem>>) src(%dma_wait3A_120 : memref<81x128xi32, #tpu.memory_space<hbm>>) dst(%arg16 : memref<81x128xi32, #tpu.memory_space<vmem>>)
      tpu.yield
    }) : () -> ()
    "tpu.region"() ({
      %run_scoped3A_105 = tpu.sem_alloc : memref<!tpu.dma_semaphore, #tpu.memory_space<semaphore_mem>>
      %dma_start3A = arith.constant 0 : i32
      %dma_start3A_106 = arith.constant 0 : i32
      %dma_start3A_107 = tpu.memref_slice %arg3[%add3A, %dma_start3A, %dma_start3A_106] : memref<32x81x128xi32, #tpu.memory_space<hbm>> -> memref<1x81x128xi32, #tpu.memory_space<hbm>>
      %dma_start3A_108 = tpu.memref_squeeze %dma_start3A_107 : memref<1x81x128xi32, #tpu.memory_space<hbm>> -> memref<81x128xi32, #tpu.memory_space<hbm>>
      %dma_start3A_109 = arith.constant 0 : i32
      %dma_start3A_110 = arith.constant 0 : i32
      %dma_start3A_111 = tpu.memref_slice %arg3[%add3A, %dma_start3A_109, %dma_start3A_110] : memref<32x81x128xi32, #tpu.memory_space<hbm>> -> memref<1x81x128xi32, #tpu.memory_space<hbm>>
      %dma_start3A_112 = tpu.memref_squeeze %dma_start3A_111 : memref<1x81x128xi32, #tpu.memory_space<hbm>> -> memref<81x128xi32, #tpu.memory_space<hbm>>
      tpu.enqueue_dma source(%dma_start3A_112 : memref<81x128xi32, #tpu.memory_space<hbm>>) target(%arg17 : memref<81x128xi32, #tpu.memory_space<vmem>>) target_semaphore(%run_scoped3A_105 : memref<!tpu.dma_semaphore, #tpu.memory_space<semaphore_mem>>)
      %dma_wait3A_113 = arith.constant 0 : i32
      %dma_wait3A_114 = arith.constant 0 : i32
      %dma_wait3A_115 = tpu.memref_slice %arg3[%add3A, %dma_wait3A_113, %dma_wait3A_114] : memref<32x81x128xi32, #tpu.memory_space<hbm>> -> memref<1x81x128xi32, #tpu.memory_space<hbm>>
      %dma_wait3A_116 = tpu.memref_squeeze %dma_wait3A_115 : memref<1x81x128xi32, #tpu.memory_space<hbm>> -> memref<81x128xi32, #tpu.memory_space<hbm>>
      %dma_wait3A_117 = arith.constant 0 : i32
      %dma_wait3A_118 = arith.constant 0 : i32
      %dma_wait3A_119 = tpu.memref_slice %arg3[%add3A, %dma_wait3A_117, %dma_wait3A_118] : memref<32x81x128xi32, #tpu.memory_space<hbm>> -> memref<1x81x128xi32, #tpu.memory_space<hbm>>
      %dma_wait3A_120 = tpu.memref_squeeze %dma_wait3A_119 : memref<1x81x128xi32, #tpu.memory_space<hbm>> -> memref<81x128xi32, #tpu.memory_space<hbm>>
      tpu.wait_dma2 semaphore(%run_scoped3A_105 : memref<!tpu.dma_semaphore, #tpu.memory_space<semaphore_mem>>) src(%dma_wait3A_120 : memref<81x128xi32, #tpu.memory_space<hbm>>) dst(%arg17 : memref<81x128xi32, #tpu.memory_space<vmem>>)
      tpu.yield
    }) : () -> ()
    %run_scoped3A = arith.constant 0 : i32
    "tpu.region"() ({
      %run_scoped3A_105 = tpu.sem_alloc : memref<!tpu.dma_semaphore, #tpu.memory_space<semaphore_mem>>
      %dma_start3A = arith.constant 0 : i32
      %dma_start3A_106 = tpu.memref_slice %arg10[%run_scoped3A, %dma_start3A] : memref<1x16xf32, #tpu.memory_space<hbm>> -> memref<1x16xf32, #tpu.memory_space<hbm>>
      %dma_start3A_107 = tpu.memref_squeeze %dma_start3A_106 : memref<1x16xf32, #tpu.memory_space<hbm>> -> memref<16xf32, #tpu.memory_space<hbm>>
      %dma_start3A_108 = arith.constant 0 : i32
      %dma_start3A_109 = tpu.memref_slice %arg10[%run_scoped3A, %dma_start3A_108] : memref<1x16xf32, #tpu.memory_space<hbm>> -> memref<1x16xf32, #tpu.memory_space<hbm>>
      %dma_start3A_110 = tpu.memref_squeeze %dma_start3A_109 : memref<1x16xf32, #tpu.memory_space<hbm>> -> memref<16xf32, #tpu.memory_space<hbm>>
      tpu.enqueue_dma source(%dma_start3A_110 : memref<16xf32, #tpu.memory_space<hbm>>) target(%arg25 : memref<16xf32, #tpu.memory_space<vmem>>) target_semaphore(%run_scoped3A_105 : memref<!tpu.dma_semaphore, #tpu.memory_space<semaphore_mem>>)
      %dma_wait3A_111 = arith.constant 0 : i32
      %dma_wait3A_112 = tpu.memref_slice %arg10[%run_scoped3A, %dma_wait3A_111] : memref<1x16xf32, #tpu.memory_space<hbm>> -> memref<1x16xf32, #tpu.memory_space<hbm>>
      %dma_wait3A_113 = tpu.memref_squeeze %dma_wait3A_112 : memref<1x16xf32, #tpu.memory_space<hbm>> -> memref<16xf32, #tpu.memory_space<hbm>>
      %dma_wait3A_114 = arith.constant 0 : i32
      %dma_wait3A_115 = tpu.memref_slice %arg10[%run_scoped3A, %dma_wait3A_114] : memref<1x16xf32, #tpu.memory_space<hbm>> -> memref<1x16xf32, #tpu.memory_space<hbm>>
      %dma_wait3A_116 = tpu.memref_squeeze %dma_wait3A_115 : memref<1x16xf32, #tpu.memory_space<hbm>> -> memref<16xf32, #tpu.memory_space<hbm>>
      tpu.wait_dma2 semaphore(%run_scoped3A_105 : memref<!tpu.dma_semaphore, #tpu.memory_space<semaphore_mem>>) src(%dma_wait3A_116 : memref<16xf32, #tpu.memory_space<hbm>>) dst(%arg25 : memref<16xf32, #tpu.memory_space<vmem>>)
      tpu.yield
    }) : () -> ()
    %get3A = arith.constant 0 : index
    %get3A_1 = tpu.vector_load %arg25[%get3A] {strides = array<i32>} : memref<16xf32, #tpu.memory_space<vmem>>, vector<16xf32>,
    %get3A_2 = vector.shape_cast %get3A_1 : vector<16xf32> to vector<16xf32>
    %broadcast_in_dim3A = arith.constant 0.000000e+00 : f32
    %broadcast_in_dim3A_3 = vector.broadcast %broadcast_in_dim3A : f32 to vector<16xf32>
    %scan3A = arith.constant 0 : i32
    %scan3A_4 = arith.constant 0 : i32
    %scan3A_5 = arith.constant 320 : i32
    %scan3A_6 = arith.addi %scan3A_4, %scan3A_5 : i32
    %scan3A_7 = arith.constant 1 : i32
    %scan3A_8 = scf.for %scan3A_105 = %scan3A_4 to %scan3A_6 step %scan3A_7 iter_args(%scan3A_106 = %scan3A) -> (i32)  : i32 {
      %swap3A = arith.index_cast %scan3A_105 : i32 to index
      %swap3A_107 = arith.constant 0 : index
      %swap3A_108 = tpu.vector_load %arg26[%swap3A, %swap3A_107] {strides = array<i32>} : memref<320x64xf32, #tpu.memory_space<vmem>>, vector<1x16xf32>,
      %swap3A_109 = vector.shape_cast %swap3A_108 : vector<1x16xf32> to vector<16xf32>
      %swap3A_110 = vector.shape_cast %broadcast_in_dim3A_3 : vector<16xf32> to vector<1x16xf32>
      tpu.vector_store %arg26[%swap3A, %swap3A_107], %swap3A_110 {strides = array<i32>} : memref<320x64xf32, #tpu.memory_space<vmem>>, vector<1x16xf32>,
      %swap3A_111 = arith.index_cast %scan3A_105 : i32 to index
      %swap3A_112 = arith.constant 16 : index
      %swap3A_113 = tpu.vector_load %arg26[%swap3A_111, %swap3A_112] {strides = array<i32>} : memref<320x64xf32, #tpu.memory_space<vmem>>, vector<1x16xf32>,
      %swap3A_114 = vector.shape_cast %swap3A_113 : vector<1x16xf32> to vector<16xf32>
      %swap3A_115 = vector.shape_cast %broadcast_in_dim3A_3 : vector<16xf32> to vector<1x16xf32>
      tpu.vector_store %arg26[%swap3A_111, %swap3A_112], %swap3A_115 {strides = array<i32>} : memref<320x64xf32, #tpu.memory_space<vmem>>, vector<1x16xf32>,
      %swap3A_116 = arith.index_cast %scan3A_105 : i32 to index
      %swap3A_117 = arith.constant 32 : index
      %swap3A_118 = tpu.vector_load %arg26[%swap3A_116, %swap3A_117] {strides = array<i32>} : memref<320x64xf32, #tpu.memory_space<vmem>>, vector<1x16xf32>,
      %swap3A_119 = vector.shape_cast %swap3A_118 : vector<1x16xf32> to vector<16xf32>
      %swap3A_120 = vector.shape_cast %broadcast_in_dim3A_3 : vector<16xf32> to vector<1x16xf32>
      tpu.vector_store %arg26[%swap3A_116, %swap3A_117], %swap3A_120 {strides = array<i32>} : memref<320x64xf32, #tpu.memory_space<vmem>>, vector<1x16xf32>,
      %swap3A_121 = arith.index_cast %scan3A_105 : i32 to index
      %swap3A_122 = arith.constant 48 : index
      %swap3A_123 = tpu.vector_load %arg26[%swap3A_121, %swap3A_122] {strides = array<i32>} : memref<320x64xf32, #tpu.memory_space<vmem>>, vector<1x16xf32>,
      %swap3A_124 = vector.shape_cast %swap3A_123 : vector<1x16xf32> to vector<16xf32>
      %swap3A_125 = vector.shape_cast %broadcast_in_dim3A_3 : vector<16xf32> to vector<1x16xf32>
      tpu.vector_store %arg26[%swap3A_121, %swap3A_122], %swap3A_125 {strides = array<i32>} : memref<320x64xf32, #tpu.memory_space<vmem>>, vector<1x16xf32>,
      %scan3A_126 = arith.constant 0 : i32
      scf.yield %scan3A_126 : i32
    }
    %scan3A_9 = arith.constant 320 : i32
    %scan3A_10 = arith.constant 0 : i32
    %scan3A_11 = arith.constant 0 : i32
    %scan3A_12 = arith.constant 632 : i32
    %scan3A_13 = arith.addi %scan3A_11, %scan3A_12 : i32
    %scan3A_14 = arith.constant 1 : i32
    %scan3A_15 = scf.for %scan3A_105 = %scan3A_11 to %scan3A_13 step %scan3A_14 iter_args(%scan3A_106 = %scan3A_10) -> (i32)  : i32 {
      %swap3A = arith.index_cast %scan3A_105 : i32 to index
      %swap3A_107 = arith.constant 0 : index
      %swap3A_108 = tpu.vector_load %arg27[%swap3A, %swap3A_107] {strides = array<i32>} : memref<632x16xf32, #tpu.memory_space<vmem>>, vector<1x16xf32>,
      %swap3A_109 = vector.shape_cast %swap3A_108 : vector<1x16xf32> to vector<16xf32>
      %swap3A_110 = vector.shape_cast %broadcast_in_dim3A_3 : vector<16xf32> to vector<1x16xf32>
      tpu.vector_store %arg27[%swap3A, %swap3A_107], %swap3A_110 {strides = array<i32>} : memref<632x16xf32, #tpu.memory_space<vmem>>, vector<1x16xf32>,
      %scan3A_111 = arith.constant 0 : i32
      scf.yield %scan3A_111 : i32
    }
    %scan3A_16 = arith.constant 632 : i32
    %mul3A_17 = arith.constant 632 : i32
    %mul3A_18 = arith.muli %arg1, %mul3A_17 : i32
    "tpu.region"() ({
      %run_scoped3A_105 = tpu.sem_alloc : memref<!tpu.dma_semaphore, #tpu.memory_space<semaphore_mem>>
      %dma_start3A = arith.constant 0 : i32
      %dma_start3A_106 = arith.constant 0 : i32
      %dma_start3A_107 = tpu.memref_slice %arg26[%dma_start3A, %dma_start3A_106] : memref<320x64xf32, #tpu.memory_space<vmem>> -> memref<312x64xf32, #tpu.memory_space<vmem>>
      %dma_start3A_108 = arith.constant 0 : i32
      %dma_start3A_109 = tpu.memref_slice %arg28[%mul3A_18, %dma_start3A_108] : memref<10112x64xf32, #tpu.memory_space<vmem_shared>> -> memref<312x64xf32, #tpu.memory_space<vmem_shared>>
      %dma_start3A_110 = arith.constant 0 : i32
      %dma_start3A_111 = tpu.memref_slice %arg28[%mul3A_18, %dma_start3A_110] : memref<10112x64xf32, #tpu.memory_space<vmem_shared>> -> memref<312x64xf32, #tpu.memory_space<vmem_shared>>
      %dma_start3A_112 = arith.constant 0 : i32
      %dma_start3A_113 = arith.constant 0 : i32
      %dma_start3A_114 = tpu.memref_slice %arg26[%dma_start3A_112, %dma_start3A_113] : memref<320x64xf32, #tpu.memory_space<vmem>> -> memref<312x64xf32, #tpu.memory_space<vmem>>
      tpu.enqueue_dma source(%dma_start3A_114 : memref<312x64xf32, #tpu.memory_space<vmem>>) target(%dma_start3A_111 : memref<312x64xf32, #tpu.memory_space<vmem_shared>>) target_semaphore(%run_scoped3A_105 : memref<!tpu.dma_semaphore, #tpu.memory_space<semaphore_mem>>)
      %dma_wait3A_115 = arith.constant 0 : i32
      %dma_wait3A_116 = arith.constant 0 : i32
      %dma_wait3A_117 = tpu.memref_slice %arg26[%dma_wait3A_115, %dma_wait3A_116] : memref<320x64xf32, #tpu.memory_space<vmem>> -> memref<312x64xf32, #tpu.memory_space<vmem>>
      %dma_wait3A_118 = arith.constant 0 : i32
      %dma_wait3A_119 = tpu.memref_slice %arg28[%mul3A_18, %dma_wait3A_118] : memref<10112x64xf32, #tpu.memory_space<vmem_shared>> -> memref<312x64xf32, #tpu.memory_space<vmem_shared>>
      %dma_wait3A_120 = arith.constant 0 : i32
      %dma_wait3A_121 = tpu.memref_slice %arg28[%mul3A_18, %dma_wait3A_120] : memref<10112x64xf32, #tpu.memory_space<vmem_shared>> -> memref<312x64xf32, #tpu.memory_space<vmem_shared>>
      %dma_wait3A_122 = arith.constant 0 : i32
      %dma_wait3A_123 = arith.constant 0 : i32
      %dma_wait3A_124 = tpu.memref_slice %arg26[%dma_wait3A_122, %dma_wait3A_123] : memref<320x64xf32, #tpu.memory_space<vmem>> -> memref<312x64xf32, #tpu.memory_space<vmem>>
      tpu.wait_dma2 semaphore(%run_scoped3A_105 : memref<!tpu.dma_semaphore, #tpu.memory_space<semaphore_mem>>) src(%dma_wait3A_124 : memref<312x64xf32, #tpu.memory_space<vmem>>) dst(%dma_wait3A_121 : memref<312x64xf32, #tpu.memory_space<vmem_shared>>)
      tpu.yield
    }) : () -> ()
    %add3A_19 = arith.constant 312 : i32
    %add3A_20 = arith.addi %mul3A_18, %add3A_19 : i32
    "tpu.region"() ({
      %run_scoped3A_105 = tpu.sem_alloc : memref<!tpu.dma_semaphore, #tpu.memory_space<semaphore_mem>>
      %dma_start3A = arith.constant 0 : i32
      %dma_start3A_106 = tpu.memref_slice %arg28[%add3A_20, %dma_start3A] : memref<10112x64xf32, #tpu.memory_space<vmem_shared>> -> memref<320x64xf32, #tpu.memory_space<vmem_shared>>
      %dma_start3A_107 = arith.constant 0 : i32
      %dma_start3A_108 = tpu.memref_slice %arg28[%add3A_20, %dma_start3A_107] : memref<10112x64xf32, #tpu.memory_space<vmem_shared>> -> memref<320x64xf32, #tpu.memory_space<vmem_shared>>
      tpu.enqueue_dma source(%arg26 : memref<320x64xf32, #tpu.memory_space<vmem>>) target(%dma_start3A_108 : memref<320x64xf32, #tpu.memory_space<vmem_shared>>) target_semaphore(%run_scoped3A_105 : memref<!tpu.dma_semaphore, #tpu.memory_space<semaphore_mem>>)
      %dma_wait3A_109 = arith.constant 0 : i32
      %dma_wait3A_110 = tpu.memref_slice %arg28[%add3A_20, %dma_wait3A_109] : memref<10112x64xf32, #tpu.memory_space<vmem_shared>> -> memref<320x64xf32, #tpu.memory_space<vmem_shared>>
      %dma_wait3A_111 = arith.constant 0 : i32
      %dma_wait3A_112 = tpu.memref_slice %arg28[%add3A_20, %dma_wait3A_111] : memref<10112x64xf32, #tpu.memory_space<vmem_shared>> -> memref<320x64xf32, #tpu.memory_space<vmem_shared>>
      tpu.wait_dma2 semaphore(%run_scoped3A_105 : memref<!tpu.dma_semaphore, #tpu.memory_space<semaphore_mem>>) src(%arg26 : memref<320x64xf32, #tpu.memory_space<vmem>>) dst(%dma_wait3A_112 : memref<320x64xf32, #tpu.memory_space<vmem_shared>>)
      tpu.yield
    }) : () -> ()
    "tpu.region"() ({
      %run_scoped3A_105 = tpu.sem_alloc : memref<!tpu.dma_semaphore, #tpu.memory_space<semaphore_mem>>
      %dma_start3A = arith.constant 0 : i32
      %dma_start3A_106 = tpu.memref_slice %arg29[%mul3A_18, %dma_start3A] : memref<10112x16xf32, #tpu.memory_space<vmem_shared>> -> memref<632x16xf32, #tpu.memory_space<vmem_shared>>
      %dma_start3A_107 = arith.constant 0 : i32
      %dma_start3A_108 = tpu.memref_slice %arg29[%mul3A_18, %dma_start3A_107] : memref<10112x16xf32, #tpu.memory_space<vmem_shared>> -> memref<632x16xf32, #tpu.memory_space<vmem_shared>>
      tpu.enqueue_dma source(%arg27 : memref<632x16xf32, #tpu.memory_space<vmem>>) target(%dma_start3A_108 : memref<632x16xf32, #tpu.memory_space<vmem_shared>>) target_semaphore(%run_scoped3A_105 : memref<!tpu.dma_semaphore, #tpu.memory_space<semaphore_mem>>)
      %dma_wait3A_109 = arith.constant 0 : i32
      %dma_wait3A_110 = tpu.memref_slice %arg29[%mul3A_18, %dma_wait3A_109] : memref<10112x16xf32, #tpu.memory_space<vmem_shared>> -> memref<632x16xf32, #tpu.memory_space<vmem_shared>>
      %dma_wait3A_111 = arith.constant 0 : i32
      %dma_wait3A_112 = tpu.memref_slice %arg29[%mul3A_18, %dma_wait3A_111] : memref<10112x16xf32, #tpu.memory_space<vmem_shared>> -> memref<632x16xf32, #tpu.memory_space<vmem_shared>>
      tpu.wait_dma2 semaphore(%run_scoped3A_105 : memref<!tpu.dma_semaphore, #tpu.memory_space<semaphore_mem>>) src(%arg27 : memref<632x16xf32, #tpu.memory_space<vmem>>) dst(%dma_wait3A_112 : memref<632x16xf32, #tpu.memory_space<vmem_shared>>)
      tpu.yield
    }) : () -> ()
    %barrier3A = arith.constant 0 : index
    tpu.barrier barrier_id(%barrier3A)
    %scan3A_21 = arith.constant 0 : i32
    %scan3A_22 = arith.constant 0 : i32
    %scan3A_23 = arith.constant 81 : i32
    %scan3A_24 = arith.addi %scan3A_22, %scan3A_23 : i32
    %scan3A_25 = arith.constant 1 : i32
    %scan3A_26 = scf.for %scan3A_105 = %scan3A_22 to %scan3A_24 step %scan3A_25 iter_args(%scan3A_106 = %scan3A_21) -> (i32)  : i32 {
      %gt3A = arith.constant 0 : i32
      %gt3A_107 = arith.cmpi sgt, %scan3A_105, %gt3A : i32
      %convert_element_type3A = arith.extui %gt3A_107 : i1 to i32
      %cond3A = arith.constant 0 : i32
      %cond3A_108 = arith.cmpi ne, %convert_element_type3A, %cond3A : i32
      scf.if %cond3A_108 {
        %sub3A = arith.constant 1 : i32
        %sub3A_141 = arith.subi %scan3A_105, %sub3A : i32
        %dma_wait3A_142 = arith.constant 0 : i32
        %dma_wait3A_143 = tpu.memref_slice %arg17[%sub3A_141, %dma_wait3A_142] : memref<81x128xi32, #tpu.memory_space<vmem>> -> memref<1x128xi32, #tpu.memory_space<vmem>>
        %dma_wait3A_144 = tpu.memref_squeeze %dma_wait3A_143 : memref<1x128xi32, #tpu.memory_space<vmem>> -> memref<128xi32, #tpu.memory_space<vmem>>
        %dma_wait3A_145 = arith.constant 0 : i32
        %dma_wait3A_146 = arith.constant 0 : i32
        %dma_wait3A_147 = tpu.memref_slice %arg28[%dma_wait3A_145, %dma_wait3A_146] : memref<10112x64xf32, #tpu.memory_space<vmem_shared>> -> memref<10112x64xf32, #tpu.memory_space<vmem_shared>>
        tpu.wait_indirect_dma semaphore(%arg33 : memref<!tpu.dma_semaphore, #tpu.memory_space<semaphore_mem>>) src(%arg23 : memref<128x64xf32, #tpu.memory_space<vmem>>) dst(%dma_wait3A_147 : memref<10112x64xf32, #tpu.memory_space<vmem_shared>>)
      } else {
      }
      %dma_start3A = arith.constant 0 : i32
      %dma_start3A_109 = tpu.memref_slice %arg16[%scan3A_105, %dma_start3A] : memref<81x128xi32, #tpu.memory_space<vmem>> -> memref<1x128xi32, #tpu.memory_space<vmem>>
      %dma_start3A_110 = tpu.memref_squeeze %dma_start3A_109 : memref<1x128xi32, #tpu.memory_space<vmem>> -> memref<128xi32, #tpu.memory_space<vmem>>
      %dma_start3A_111 = arith.constant 0 : i32
      %dma_start3A_112 = arith.constant 0 : i32
      %dma_start3A_113 = tpu.memref_slice %arg6[%dma_start3A_111, %dma_start3A_112] : memref<10112x64xf32, #tpu.memory_space<hbm>> -> memref<10112x64xf32, #tpu.memory_space<hbm>>
      tpu.enqueue_indirect_dma source(%dma_start3A_113 : memref<10112x64xf32, #tpu.memory_space<hbm>>) target(%arg23 : memref<128x64xf32, #tpu.memory_space<vmem>>) offsets(%dma_start3A_110 : memref<128xi32, #tpu.memory_space<vmem>>) semaphore(%arg32 : memref<!tpu.dma_semaphore, #tpu.memory_space<semaphore_mem>>)
      "tpu.region"() ({
        %run_scoped3A_141 = tpu.sem_alloc : memref<!tpu.dma_semaphore, #tpu.memory_space<semaphore_mem>>
        %dma_start3A_142 = arith.constant 0 : i32
        %dma_start3A_143 = tpu.memref_slice %arg16[%scan3A_105, %dma_start3A_142] : memref<81x128xi32, #tpu.memory_space<vmem>> -> memref<1x128xi32, #tpu.memory_space<vmem>>
        %dma_start3A_144 = tpu.memref_squeeze %dma_start3A_143 : memref<1x128xi32, #tpu.memory_space<vmem>> -> memref<128xi32, #tpu.memory_space<vmem>>
        %dma_start3A_145 = arith.constant 0 : i32
        %dma_start3A_146 = arith.constant 0 : i32
        %dma_start3A_147 = tpu.memref_slice %arg4[%dma_start3A_145, %dma_start3A_146] : memref<10112x16xf32, #tpu.memory_space<hbm>> -> memref<10112x16xf32, #tpu.memory_space<hbm>>
        tpu.enqueue_indirect_dma source(%dma_start3A_147 : memref<10112x16xf32, #tpu.memory_space<hbm>>) target(%arg18 : memref<128x16xf32, #tpu.memory_space<vmem>>) offsets(%dma_start3A_144 : memref<128xi32, #tpu.memory_space<vmem>>) semaphore(%run_scoped3A_141 : memref<!tpu.dma_semaphore, #tpu.memory_space<semaphore_mem>>)
        %dma_wait3A_148 = arith.constant 0 : i32
        %dma_wait3A_149 = tpu.memref_slice %arg16[%scan3A_105, %dma_wait3A_148] : memref<81x128xi32, #tpu.memory_space<vmem>> -> memref<1x128xi32, #tpu.memory_space<vmem>>
        %dma_wait3A_150 = tpu.memref_squeeze %dma_wait3A_149 : memref<1x128xi32, #tpu.memory_space<vmem>> -> memref<128xi32, #tpu.memory_space<vmem>>
        %dma_wait3A_151 = arith.constant 0 : i32
        %dma_wait3A_152 = arith.constant 0 : i32
        %dma_wait3A_153 = tpu.memref_slice %arg4[%dma_wait3A_151, %dma_wait3A_152] : memref<10112x16xf32, #tpu.memory_space<hbm>> -> memref<10112x16xf32, #tpu.memory_space<hbm>>
        tpu.wait_indirect_dma semaphore(%run_scoped3A_141 : memref<!tpu.dma_semaphore, #tpu.memory_space<semaphore_mem>>) src(%dma_wait3A_153 : memref<10112x16xf32, #tpu.memory_space<hbm>>) dst(%arg18 : memref<128x16xf32, #tpu.memory_space<vmem>>)
        tpu.yield
      }) : () -> ()
      "tpu.region"() ({
        %run_scoped3A_141 = tpu.sem_alloc : memref<!tpu.dma_semaphore, #tpu.memory_space<semaphore_mem>>
        %dma_start3A_142 = arith.constant 0 : i32
        %dma_start3A_143 = tpu.memref_slice %arg17[%scan3A_105, %dma_start3A_142] : memref<81x128xi32, #tpu.memory_space<vmem>> -> memref<1x128xi32, #tpu.memory_space<vmem>>
        %dma_start3A_144 = tpu.memref_squeeze %dma_start3A_143 : memref<1x128xi32, #tpu.memory_space<vmem>> -> memref<128xi32, #tpu.memory_space<vmem>>
        %dma_start3A_145 = arith.constant 0 : i32
        %dma_start3A_146 = arith.constant 0 : i32
        %dma_start3A_147 = tpu.memref_slice %arg5[%dma_start3A_145, %dma_start3A_146] : memref<10112x16xf32, #tpu.memory_space<hbm>> -> memref<10112x16xf32, #tpu.memory_space<hbm>>
        tpu.enqueue_indirect_dma source(%dma_start3A_147 : memref<10112x16xf32, #tpu.memory_space<hbm>>) target(%arg20 : memref<128x16xf32, #tpu.memory_space<vmem>>) offsets(%dma_start3A_144 : memref<128xi32, #tpu.memory_space<vmem>>) semaphore(%run_scoped3A_141 : memref<!tpu.dma_semaphore, #tpu.memory_space<semaphore_mem>>)
        %dma_wait3A_148 = arith.constant 0 : i32
        %dma_wait3A_149 = tpu.memref_slice %arg17[%scan3A_105, %dma_wait3A_148] : memref<81x128xi32, #tpu.memory_space<vmem>> -> memref<1x128xi32, #tpu.memory_space<vmem>>
        %dma_wait3A_150 = tpu.memref_squeeze %dma_wait3A_149 : memref<1x128xi32, #tpu.memory_space<vmem>> -> memref<128xi32, #tpu.memory_space<vmem>>
        %dma_wait3A_151 = arith.constant 0 : i32
        %dma_wait3A_152 = arith.constant 0 : i32
        %dma_wait3A_153 = tpu.memref_slice %arg5[%dma_wait3A_151, %dma_wait3A_152] : memref<10112x16xf32, #tpu.memory_space<hbm>> -> memref<10112x16xf32, #tpu.memory_space<hbm>>
        tpu.wait_indirect_dma semaphore(%run_scoped3A_141 : memref<!tpu.dma_semaphore, #tpu.memory_space<semaphore_mem>>) src(%dma_wait3A_153 : memref<10112x16xf32, #tpu.memory_space<hbm>>) dst(%arg20 : memref<128x16xf32, #tpu.memory_space<vmem>>)
        tpu.yield
      }) : () -> ()
      %scan3A_114 = arith.constant 0 : i32
      %scan3A_115 = arith.constant 0 : i32
      %scan3A_116 = arith.constant 128 : i32
      %scan3A_117 = arith.addi %scan3A_115, %scan3A_116 : i32
      %scan3A_118 = arith.constant 1 : i32
      %scan3A_119 = scf.for %scan3A_141 = %scan3A_115 to %scan3A_117 step %scan3A_118 iter_args(%scan3A_142 = %scan3A_114) -> (i32)  : i32 {
        %get3A_143 = arith.index_cast %scan3A_141 : i32 to index
        %get3A_144 = arith.constant 0 : index
        %get3A_145 = tpu.vector_load %arg18[%get3A_143, %get3A_144] {strides = array<i32>} : memref<128x16xf32, #tpu.memory_space<vmem>>, vector<1x16xf32>,
        %get3A_146 = vector.shape_cast %get3A_145 : vector<1x16xf32> to vector<16xf32>
        %get3A_147 = arith.index_cast %scan3A_141 : i32 to index
        %get3A_148 = arith.constant 0 : index
        %get3A_149 = tpu.vector_load %arg20[%get3A_147, %get3A_148] {strides = array<i32>} : memref<128x16xf32, #tpu.memory_space<vmem>>, vector<1x16xf32>,
        %get3A_150 = vector.shape_cast %get3A_149 : vector<1x16xf32> to vector<16xf32>
        %add3A_151 = arith.addf %get3A_146, %get3A_150 : vector<16xf32>
        %ge3A = arith.constant 0.000000e+00 : f32
        %ge3A_152 = vector.broadcast %ge3A : f32 to vector<16xf32>
        %ge3A_153 = arith.cmpf oge, %add3A_151, %ge3A_152 : vector<16xf32>
        %mul3A_154 = arith.constant 2.000000e-01 : f32
        %mul3A_155 = vector.broadcast %mul3A_154 : f32 to vector<16xf32>
        %mul3A_156 = arith.mulf %mul3A_155, %add3A_151 : vector<16xf32>
        %select_n3A = arith.select %ge3A_153, %add3A_151, %mul3A_156 : vector<16xi1>, vector<16xf32>
        %sub3A = arith.subf %select_n3A, %get3A_2 : vector<16xf32>
        %exp3A = math.exp %sub3A : vector<16xf32>
        %swap3A = arith.index_cast %scan3A_141 : i32 to index
        %swap3A_157 = arith.constant 0 : index
        %swap3A_158 = tpu.vector_load %arg22[%swap3A, %swap3A_157] {strides = array<i32>} : memref<128x16xf32, #tpu.memory_space<vmem>>, vector<1x16xf32>,
        %swap3A_159 = vector.shape_cast %swap3A_158 : vector<1x16xf32> to vector<16xf32>
        %swap3A_160 = vector.shape_cast %exp3A : vector<16xf32> to vector<1x16xf32>
        tpu.vector_store %arg22[%swap3A, %swap3A_157], %swap3A_160 {strides = array<i32>} : memref<128x16xf32, #tpu.memory_space<vmem>>, vector<1x16xf32>,
        %scan3A_161 = arith.constant 0 : i32
        scf.yield %scan3A_161 : i32
      }
      %scan3A_120 = arith.constant 128 : i32
      "tpu.region"() ({
        %run_scoped3A_141 = tpu.sem_alloc : memref<!tpu.dma_semaphore, #tpu.memory_space<semaphore_mem>>
        %dma_start3A_142 = arith.constant 0 : i32
        %dma_start3A_143 = tpu.memref_slice %arg17[%scan3A_105, %dma_start3A_142] : memref<81x128xi32, #tpu.memory_space<vmem>> -> memref<1x128xi32, #tpu.memory_space<vmem>>
        %dma_start3A_144 = tpu.memref_squeeze %dma_start3A_143 : memref<1x128xi32, #tpu.memory_space<vmem>> -> memref<128xi32, #tpu.memory_space<vmem>>
        %dma_start3A_145 = arith.constant 0 : i32
        %dma_start3A_146 = arith.constant 0 : i32
        %dma_start3A_147 = tpu.memref_slice %arg29[%dma_start3A_145, %dma_start3A_146] : memref<10112x16xf32, #tpu.memory_space<vmem_shared>> -> memref<10112x16xf32, #tpu.memory_space<vmem_shared>>
        tpu.enqueue_indirect_dma source(%arg22 : memref<128x16xf32, #tpu.memory_space<vmem>>) target(%dma_start3A_147 : memref<10112x16xf32, #tpu.memory_space<vmem_shared>>) offsets(%dma_start3A_144 : memref<128xi32, #tpu.memory_space<vmem>>) semaphore(%run_scoped3A_141 : memref<!tpu.dma_semaphore, #tpu.memory_space<semaphore_mem>>) {add = true}
        %dma_wait3A_148 = arith.constant 0 : i32
        %dma_wait3A_149 = tpu.memref_slice %arg17[%scan3A_105, %dma_wait3A_148] : memref<81x128xi32, #tpu.memory_space<vmem>> -> memref<1x128xi32, #tpu.memory_space<vmem>>
        %dma_wait3A_150 = tpu.memref_squeeze %dma_wait3A_149 : memref<1x128xi32, #tpu.memory_space<vmem>> -> memref<128xi32, #tpu.memory_space<vmem>>
        %dma_wait3A_151 = arith.constant 0 : i32
        %dma_wait3A_152 = arith.constant 0 : i32
        %dma_wait3A_153 = tpu.memref_slice %arg29[%dma_wait3A_151, %dma_wait3A_152] : memref<10112x16xf32, #tpu.memory_space<vmem_shared>> -> memref<10112x16xf32, #tpu.memory_space<vmem_shared>>
        tpu.wait_indirect_dma semaphore(%run_scoped3A_141 : memref<!tpu.dma_semaphore, #tpu.memory_space<semaphore_mem>>) src(%arg22 : memref<128x16xf32, #tpu.memory_space<vmem>>) dst(%dma_wait3A_153 : memref<10112x16xf32, #tpu.memory_space<vmem_shared>>)
        tpu.yield
      }) : () -> ()
      %dma_wait3A_121 = arith.constant 0 : i32
      %dma_wait3A_122 = tpu.memref_slice %arg16[%scan3A_105, %dma_wait3A_121] : memref<81x128xi32, #tpu.memory_space<vmem>> -> memref<1x128xi32, #tpu.memory_space<vmem>>
      %dma_wait3A_123 = tpu.memref_squeeze %dma_wait3A_122 : memref<1x128xi32, #tpu.memory_space<vmem>> -> memref<128xi32, #tpu.memory_space<vmem>>
      %dma_wait3A_124 = arith.constant 0 : i32
      %dma_wait3A_125 = arith.constant 0 : i32
      %dma_wait3A_126 = tpu.memref_slice %arg6[%dma_wait3A_124, %dma_wait3A_125] : memref<10112x64xf32, #tpu.memory_space<hbm>> -> memref<10112x64xf32, #tpu.memory_space<hbm>>
      tpu.wait_indirect_dma semaphore(%arg32 : memref<!tpu.dma_semaphore, #tpu.memory_space<semaphore_mem>>) src(%dma_wait3A_126 : memref<10112x64xf32, #tpu.memory_space<hbm>>) dst(%arg23 : memref<128x64xf32, #tpu.memory_space<vmem>>)
      %scan3A_127 = arith.constant 0 : i32
      %scan3A_128 = arith.constant 0 : i32
      %scan3A_129 = arith.constant 128 : i32
      %scan3A_130 = arith.addi %scan3A_128, %scan3A_129 : i32
      %scan3A_131 = arith.constant 1 : i32
      %scan3A_132 = scf.for %scan3A_141 = %scan3A_128 to %scan3A_130 step %scan3A_131 iter_args(%scan3A_142 = %scan3A_127) -> (i32)  : i32 {
        %get3A_143 = arith.index_cast %scan3A_141 : i32 to index
        %get3A_144 = arith.constant 0 : index
        %get3A_145 = tpu.vector_load %arg22[%get3A_143, %get3A_144] {strides = array<i32>} : memref<128x16xf32, #tpu.memory_space<vmem>>, vector<1x16xf32>,
        %get3A_146 = vector.shape_cast %get3A_145 : vector<1x16xf32> to vector<16xf32>
        %slice3A = vector.extract_strided_slice %get3A_146 {offsets = [0], sizes = [1], strides = [1]} : vector<16xf32> to vector<1xf32>
        %squeeze3A = vector.extract %slice3A[0] : f32 from vector<1xf32>
        %broadcast_in_dim3A_147 = vector.broadcast %squeeze3A : f32 to vector<16xf32>
        %get3A_148 = arith.index_cast %scan3A_141 : i32 to index
        %get3A_149 = arith.constant 0 : index
        %get3A_150 = tpu.vector_load %arg23[%get3A_148, %get3A_149] {strides = array<i32>} : memref<128x64xf32, #tpu.memory_space<vmem>>, vector<1x16xf32>,
        %get3A_151 = vector.shape_cast %get3A_150 : vector<1x16xf32> to vector<16xf32>
        %mul3A_152 = arith.mulf %get3A_151, %broadcast_in_dim3A_147 : vector<16xf32>
        %swap3A = arith.index_cast %scan3A_141 : i32 to index
        %swap3A_153 = arith.constant 0 : index
        %swap3A_154 = tpu.vector_load %arg23[%swap3A, %swap3A_153] {strides = array<i32>} : memref<128x64xf32, #tpu.memory_space<vmem>>, vector<1x16xf32>,
        %swap3A_155 = vector.shape_cast %swap3A_154 : vector<1x16xf32> to vector<16xf32>
        %swap3A_156 = vector.shape_cast %mul3A_152 : vector<16xf32> to vector<1x16xf32>
        tpu.vector_store %arg23[%swap3A, %swap3A_153], %swap3A_156 {strides = array<i32>} : memref<128x64xf32, #tpu.memory_space<vmem>>, vector<1x16xf32>,
        %get3A_157 = arith.index_cast %scan3A_141 : i32 to index
        %get3A_158 = arith.constant 16 : index
        %get3A_159 = tpu.vector_load %arg23[%get3A_157, %get3A_158] {strides = array<i32>} : memref<128x64xf32, #tpu.memory_space<vmem>>, vector<1x16xf32>,
        %get3A_160 = vector.shape_cast %get3A_159 : vector<1x16xf32> to vector<16xf32>
        %mul3A_161 = arith.mulf %get3A_160, %broadcast_in_dim3A_147 : vector<16xf32>
        %swap3A_162 = arith.index_cast %scan3A_141 : i32 to index
        %swap3A_163 = arith.constant 16 : index
        %swap3A_164 = tpu.vector_load %arg23[%swap3A_162, %swap3A_163] {strides = array<i32>} : memref<128x64xf32, #tpu.memory_space<vmem>>, vector<1x16xf32>,
        %swap3A_165 = vector.shape_cast %swap3A_164 : vector<1x16xf32> to vector<16xf32>
        %swap3A_166 = vector.shape_cast %mul3A_161 : vector<16xf32> to vector<1x16xf32>
        tpu.vector_store %arg23[%swap3A_162, %swap3A_163], %swap3A_166 {strides = array<i32>} : memref<128x64xf32, #tpu.memory_space<vmem>>, vector<1x16xf32>,
        %slice3A_167 = vector.extract_strided_slice %get3A_146 {offsets = [1], sizes = [1], strides = [1]} : vector<16xf32> to vector<1xf32>
        %squeeze3A_168 = vector.extract %slice3A_167[0] : f32 from vector<1xf32>
        %broadcast_in_dim3A_169 = vector.broadcast %squeeze3A_168 : f32 to vector<16xf32>
        %get3A_170 = arith.index_cast %scan3A_141 : i32 to index
        %get3A_171 = arith.constant 32 : index
        %get3A_172 = tpu.vector_load %arg23[%get3A_170, %get3A_171] {strides = array<i32>} : memref<128x64xf32, #tpu.memory_space<vmem>>, vector<1x16xf32>,
        %get3A_173 = vector.shape_cast %get3A_172 : vector<1x16xf32> to vector<16xf32>
        %mul3A_174 = arith.mulf %get3A_173, %broadcast_in_dim3A_169 : vector<16xf32>
        %swap3A_175 = arith.index_cast %scan3A_141 : i32 to index
        %swap3A_176 = arith.constant 32 : index
        %swap3A_177 = tpu.vector_load %arg23[%swap3A_175, %swap3A_176] {strides = array<i32>} : memref<128x64xf32, #tpu.memory_space<vmem>>, vector<1x16xf32>,
        %swap3A_178 = vector.shape_cast %swap3A_177 : vector<1x16xf32> to vector<16xf32>
        %swap3A_179 = vector.shape_cast %mul3A_174 : vector<16xf32> to vector<1x16xf32>
        tpu.vector_store %arg23[%swap3A_175, %swap3A_176], %swap3A_179 {strides = array<i32>} : memref<128x64xf32, #tpu.memory_space<vmem>>, vector<1x16xf32>,
        %get3A_180 = arith.index_cast %scan3A_141 : i32 to index
        %get3A_181 = arith.constant 48 : index
        %get3A_182 = tpu.vector_load %arg23[%get3A_180, %get3A_181] {strides = array<i32>} : memref<128x64xf32, #tpu.memory_space<vmem>>, vector<1x16xf32>,
        %get3A_183 = vector.shape_cast %get3A_182 : vector<1x16xf32> to vector<16xf32>
        %mul3A_184 = arith.mulf %get3A_183, %broadcast_in_dim3A_169 : vector<16xf32>
        %swap3A_185 = arith.index_cast %scan3A_141 : i32 to index
        %swap3A_186 = arith.constant 48 : index
        %swap3A_187 = tpu.vector_load %arg23[%swap3A_185, %swap3A_186] {strides = array<i32>} : memref<128x64xf32, #tpu.memory_space<vmem>>, vector<1x16xf32>,
        %swap3A_188 = vector.shape_cast %swap3A_187 : vector<1x16xf32> to vector<16xf32>
        %swap3A_189 = vector.shape_cast %mul3A_184 : vector<16xf32> to vector<1x16xf32>
        tpu.vector_store %arg23[%swap3A_185, %swap3A_186], %swap3A_189 {strides = array<i32>} : memref<128x64xf32, #tpu.memory_space<vmem>>, vector<1x16xf32>,
        %scan3A_190 = arith.constant 0 : i32
        scf.yield %scan3A_190 : i32
      }
      %scan3A_133 = arith.constant 128 : i32
      %dma_start3A_134 = arith.constant 0 : i32
      %dma_start3A_135 = tpu.memref_slice %arg17[%scan3A_105, %dma_start3A_134] : memref<81x128xi32, #tpu.memory_space<vmem>> -> memref<1x128xi32, #tpu.memory_space<vmem>>
      %dma_start3A_136 = tpu.memref_squeeze %dma_start3A_135 : memref<1x128xi32, #tpu.memory_space<vmem>> -> memref<128xi32, #tpu.memory_space<vmem>>
      %dma_start3A_137 = arith.constant 0 : i32
      %dma_start3A_138 = arith.constant 0 : i32
      %dma_start3A_139 = tpu.memref_slice %arg28[%dma_start3A_137, %dma_start3A_138] : memref<10112x64xf32, #tpu.memory_space<vmem_shared>> -> memref<10112x64xf32, #tpu.memory_space<vmem_shared>>
      tpu.enqueue_indirect_dma source(%arg23 : memref<128x64xf32, #tpu.memory_space<vmem>>) target(%dma_start3A_139 : memref<10112x64xf32, #tpu.memory_space<vmem_shared>>) offsets(%dma_start3A_136 : memref<128xi32, #tpu.memory_space<vmem>>) semaphore(%arg33 : memref<!tpu.dma_semaphore, #tpu.memory_space<semaphore_mem>>) {add = true}
      %scan3A_140 = arith.constant 0 : i32
      scf.yield %scan3A_140 : i32
    }
    %scan3A_27 = arith.constant 81 : i32
    %dma_wait3A = arith.constant 80 : i32
    %dma_wait3A_28 = arith.constant 0 : i32
    %dma_wait3A_29 = tpu.memref_slice %arg17[%dma_wait3A, %dma_wait3A_28] : memref<81x128xi32, #tpu.memory_space<vmem>> -> memref<1x128xi32, #tpu.memory_space<vmem>>
    %dma_wait3A_30 = tpu.memref_squeeze %dma_wait3A_29 : memref<1x128xi32, #tpu.memory_space<vmem>> -> memref<128xi32, #tpu.memory_space<vmem>>
    %dma_wait3A_31 = arith.constant 0 : i32
    %dma_wait3A_32 = arith.constant 0 : i32
    %dma_wait3A_33 = tpu.memref_slice %arg28[%dma_wait3A_31, %dma_wait3A_32] : memref<10112x64xf32, #tpu.memory_space<vmem_shared>> -> memref<10112x64xf32, #tpu.memory_space<vmem_shared>>
    tpu.wait_indirect_dma semaphore(%arg33 : memref<!tpu.dma_semaphore, #tpu.memory_space<semaphore_mem>>) src(%arg23 : memref<128x64xf32, #tpu.memory_space<vmem>>) dst(%dma_wait3A_33 : memref<10112x64xf32, #tpu.memory_space<vmem_shared>>)
    %barrier3A_34 = arith.constant 0 : index
    tpu.barrier barrier_id(%barrier3A_34)
    "tpu.region"() ({
      %run_scoped3A_105 = tpu.sem_alloc : memref<!tpu.dma_semaphore, #tpu.memory_space<semaphore_mem>>
      %dma_start3A = arith.constant 0 : i32
      %dma_start3A_106 = tpu.memref_slice %arg11[%arg0, %mul3A_18, %dma_start3A] : memref<2x10112x64xf32, #tpu.memory_space<hbm>> -> memref<1x312x64xf32, #tpu.memory_space<hbm>>
      %dma_start3A_107 = tpu.memref_squeeze %dma_start3A_106 : memref<1x312x64xf32, #tpu.memory_space<hbm>> -> memref<312x64xf32, #tpu.memory_space<hbm>>
      %dma_start3A_108 = arith.constant 0 : i32
      %dma_start3A_109 = tpu.memref_slice %arg28[%mul3A_18, %dma_start3A_108] : memref<10112x64xf32, #tpu.memory_space<vmem_shared>> -> memref<312x64xf32, #tpu.memory_space<vmem_shared>>
      tpu.enqueue_dma source(%dma_start3A_109 : memref<312x64xf32, #tpu.memory_space<vmem_shared>>) target(%dma_start3A_107 : memref<312x64xf32, #tpu.memory_space<hbm>>) target_semaphore(%run_scoped3A_105 : memref<!tpu.dma_semaphore, #tpu.memory_space<semaphore_mem>>)
      %dma_wait3A_110 = arith.constant 0 : i32
      %dma_wait3A_111 = tpu.memref_slice %arg11[%arg0, %mul3A_18, %dma_wait3A_110] : memref<2x10112x64xf32, #tpu.memory_space<hbm>> -> memref<1x312x64xf32, #tpu.memory_space<hbm>>
      %dma_wait3A_112 = tpu.memref_squeeze %dma_wait3A_111 : memref<1x312x64xf32, #tpu.memory_space<hbm>> -> memref<312x64xf32, #tpu.memory_space<hbm>>
      %dma_wait3A_113 = arith.constant 0 : i32
      %dma_wait3A_114 = tpu.memref_slice %arg28[%mul3A_18, %dma_wait3A_113] : memref<10112x64xf32, #tpu.memory_space<vmem_shared>> -> memref<312x64xf32, #tpu.memory_space<vmem_shared>>
      tpu.wait_dma2 semaphore(%run_scoped3A_105 : memref<!tpu.dma_semaphore, #tpu.memory_space<semaphore_mem>>) src(%dma_wait3A_114 : memref<312x64xf32, #tpu.memory_space<vmem_shared>>) dst(%dma_wait3A_112 : memref<312x64xf32, #tpu.memory_space<hbm>>)
      tpu.yield
    }) : () -> ()
    %add3A_35 = arith.constant 312 : i32
    %add3A_36 = arith.addi %mul3A_18, %add3A_35 : i32
    %add3A_37 = arith.constant 312 : i32
    %add3A_38 = arith.addi %mul3A_18, %add3A_37 : i32
    "tpu.region"() ({
      %run_scoped3A_105 = tpu.sem_alloc : memref<!tpu.dma_semaphore, #tpu.memory_space<semaphore_mem>>
      %dma_start3A = arith.constant 0 : i32
      %dma_start3A_106 = tpu.memref_slice %arg11[%arg0, %add3A_38, %dma_start3A] : memref<2x10112x64xf32, #tpu.memory_space<hbm>> -> memref<1x320x64xf32, #tpu.memory_space<hbm>>
      %dma_start3A_107 = tpu.memref_squeeze %dma_start3A_106 : memref<1x320x64xf32, #tpu.memory_space<hbm>> -> memref<320x64xf32, #tpu.memory_space<hbm>>
      %dma_start3A_108 = arith.constant 0 : i32
      %dma_start3A_109 = tpu.memref_slice %arg28[%add3A_36, %dma_start3A_108] : memref<10112x64xf32, #tpu.memory_space<vmem_shared>> -> memref<320x64xf32, #tpu.memory_space<vmem_shared>>
      tpu.enqueue_dma source(%dma_start3A_109 : memref<320x64xf32, #tpu.memory_space<vmem_shared>>) target(%dma_start3A_107 : memref<320x64xf32, #tpu.memory_space<hbm>>) target_semaphore(%run_scoped3A_105 : memref<!tpu.dma_semaphore, #tpu.memory_space<semaphore_mem>>)
      %dma_wait3A_110 = arith.constant 0 : i32
      %dma_wait3A_111 = tpu.memref_slice %arg11[%arg0, %add3A_38, %dma_wait3A_110] : memref<2x10112x64xf32, #tpu.memory_space<hbm>> -> memref<1x320x64xf32, #tpu.memory_space<hbm>>
      %dma_wait3A_112 = tpu.memref_squeeze %dma_wait3A_111 : memref<1x320x64xf32, #tpu.memory_space<hbm>> -> memref<320x64xf32, #tpu.memory_space<hbm>>
      %dma_wait3A_113 = arith.constant 0 : i32
      %dma_wait3A_114 = tpu.memref_slice %arg28[%add3A_36, %dma_wait3A_113] : memref<10112x64xf32, #tpu.memory_space<vmem_shared>> -> memref<320x64xf32, #tpu.memory_space<vmem_shared>>
      tpu.wait_dma2 semaphore(%run_scoped3A_105 : memref<!tpu.dma_semaphore, #tpu.memory_space<semaphore_mem>>) src(%dma_wait3A_114 : memref<320x64xf32, #tpu.memory_space<vmem_shared>>) dst(%dma_wait3A_112 : memref<320x64xf32, #tpu.memory_space<hbm>>)
      tpu.yield
    }) : () -> ()
    "tpu.region"() ({
      %run_scoped3A_105 = tpu.sem_alloc : memref<!tpu.dma_semaphore, #tpu.memory_space<semaphore_mem>>
      %dma_start3A = arith.constant 0 : i32
      %dma_start3A_106 = tpu.memref_slice %arg15[%arg0, %mul3A_18, %dma_start3A] : memref<2x10112x16xf32, #tpu.memory_space<hbm>> -> memref<1x632x16xf32, #tpu.memory_space<hbm>>
      %dma_start3A_107 = tpu.memref_squeeze %dma_start3A_106 : memref<1x632x16xf32, #tpu.memory_space<hbm>> -> memref<632x16xf32, #tpu.memory_space<hbm>>
      %dma_start3A_108 = arith.constant 0 : i32
      %dma_start3A_109 = tpu.memref_slice %arg29[%mul3A_18, %dma_start3A_108] : memref<10112x16xf32, #tpu.memory_space<vmem_shared>> -> memref<632x16xf32, #tpu.memory_space<vmem_shared>>
      tpu.enqueue_dma source(%dma_start3A_109 : memref<632x16xf32, #tpu.memory_space<vmem_shared>>) target(%dma_start3A_107 : memref<632x16xf32, #tpu.memory_space<hbm>>) target_semaphore(%run_scoped3A_105 : memref<!tpu.dma_semaphore, #tpu.memory_space<semaphore_mem>>)
      %dma_wait3A_110 = arith.constant 0 : i32
      %dma_wait3A_111 = tpu.memref_slice %arg15[%arg0, %mul3A_18, %dma_wait3A_110] : memref<2x10112x16xf32, #tpu.memory_space<hbm>> -> memref<1x632x16xf32, #tpu.memory_space<hbm>>
      %dma_wait3A_112 = tpu.memref_squeeze %dma_wait3A_111 : memref<1x632x16xf32, #tpu.memory_space<hbm>> -> memref<632x16xf32, #tpu.memory_space<hbm>>
      %dma_wait3A_113 = arith.constant 0 : i32
      %dma_wait3A_114 = tpu.memref_slice %arg29[%mul3A_18, %dma_wait3A_113] : memref<10112x16xf32, #tpu.memory_space<vmem_shared>> -> memref<632x16xf32, #tpu.memory_space<vmem_shared>>
      tpu.wait_dma2 semaphore(%run_scoped3A_105 : memref<!tpu.dma_semaphore, #tpu.memory_space<semaphore_mem>>) src(%dma_wait3A_114 : memref<632x16xf32, #tpu.memory_space<vmem_shared>>) dst(%dma_wait3A_112 : memref<632x16xf32, #tpu.memory_space<hbm>>)
      tpu.yield
    }) : () -> ()
    "tpu.region"() ({
      %run_scoped3A_105 = tpu.sem_alloc : memref<!tpu.dma_semaphore, #tpu.memory_space<semaphore_mem>>
      %dma_start3A = arith.constant 0 : i32
      %dma_start3A_106 = arith.constant 0 : i32
      %dma_start3A_107 = tpu.memref_slice %arg26[%dma_start3A, %dma_start3A_106] : memref<320x64xf32, #tpu.memory_space<vmem>> -> memref<312x64xf32, #tpu.memory_space<vmem>>
      %dma_start3A_108 = arith.constant 0 : i32
      %dma_start3A_109 = tpu.memref_slice %arg28[%mul3A_18, %dma_start3A_108] : memref<10112x64xf32, #tpu.memory_space<vmem_shared>> -> memref<312x64xf32, #tpu.memory_space<vmem_shared>>
      %dma_start3A_110 = arith.constant 0 : i32
      %dma_start3A_111 = tpu.memref_slice %arg28[%mul3A_18, %dma_start3A_110] : memref<10112x64xf32, #tpu.memory_space<vmem_shared>> -> memref<312x64xf32, #tpu.memory_space<vmem_shared>>
      %dma_start3A_112 = arith.constant 0 : i32
      %dma_start3A_113 = arith.constant 0 : i32
      %dma_start3A_114 = tpu.memref_slice %arg26[%dma_start3A_112, %dma_start3A_113] : memref<320x64xf32, #tpu.memory_space<vmem>> -> memref<312x64xf32, #tpu.memory_space<vmem>>
      tpu.enqueue_dma source(%dma_start3A_114 : memref<312x64xf32, #tpu.memory_space<vmem>>) target(%dma_start3A_111 : memref<312x64xf32, #tpu.memory_space<vmem_shared>>) target_semaphore(%run_scoped3A_105 : memref<!tpu.dma_semaphore, #tpu.memory_space<semaphore_mem>>)
      %dma_wait3A_115 = arith.constant 0 : i32
      %dma_wait3A_116 = arith.constant 0 : i32
      %dma_wait3A_117 = tpu.memref_slice %arg26[%dma_wait3A_115, %dma_wait3A_116] : memref<320x64xf32, #tpu.memory_space<vmem>> -> memref<312x64xf32, #tpu.memory_space<vmem>>
      %dma_wait3A_118 = arith.constant 0 : i32
      %dma_wait3A_119 = tpu.memref_slice %arg28[%mul3A_18, %dma_wait3A_118] : memref<10112x64xf32, #tpu.memory_space<vmem_shared>> -> memref<312x64xf32, #tpu.memory_space<vmem_shared>>
      %dma_wait3A_120 = arith.constant 0 : i32
      %dma_wait3A_121 = tpu.memref_slice %arg28[%mul3A_18, %dma_wait3A_120] : memref<10112x64xf32, #tpu.memory_space<vmem_shared>> -> memref<312x64xf32, #tpu.memory_space<vmem_shared>>
      %dma_wait3A_122 = arith.constant 0 : i32
      %dma_wait3A_123 = arith.constant 0 : i32
      %dma_wait3A_124 = tpu.memref_slice %arg26[%dma_wait3A_122, %dma_wait3A_123] : memref<320x64xf32, #tpu.memory_space<vmem>> -> memref<312x64xf32, #tpu.memory_space<vmem>>
      tpu.wait_dma2 semaphore(%run_scoped3A_105 : memref<!tpu.dma_semaphore, #tpu.memory_space<semaphore_mem>>) src(%dma_wait3A_124 : memref<312x64xf32, #tpu.memory_space<vmem>>) dst(%dma_wait3A_121 : memref<312x64xf32, #tpu.memory_space<vmem_shared>>)
      tpu.yield
    }) : () -> ()
    %add3A_39 = arith.constant 312 : i32
    %add3A_40 = arith.addi %mul3A_18, %add3A_39 : i32
    "tpu.region"() ({
      %run_scoped3A_105 = tpu.sem_alloc : memref<!tpu.dma_semaphore, #tpu.memory_space<semaphore_mem>>
      %dma_start3A = arith.constant 0 : i32
      %dma_start3A_106 = tpu.memref_slice %arg28[%add3A_40, %dma_start3A] : memref<10112x64xf32, #tpu.memory_space<vmem_shared>> -> memref<320x64xf32, #tpu.memory_space<vmem_shared>>
      %dma_start3A_107 = arith.constant 0 : i32
      %dma_start3A_108 = tpu.memref_slice %arg28[%add3A_40, %dma_start3A_107] : memref<10112x64xf32, #tpu.memory_space<vmem_shared>> -> memref<320x64xf32, #tpu.memory_space<vmem_shared>>
      tpu.enqueue_dma source(%arg26 : memref<320x64xf32, #tpu.memory_space<vmem>>) target(%dma_start3A_108 : memref<320x64xf32, #tpu.memory_space<vmem_shared>>) target_semaphore(%run_scoped3A_105 : memref<!tpu.dma_semaphore, #tpu.memory_space<semaphore_mem>>)
      %dma_wait3A_109 = arith.constant 0 : i32
      %dma_wait3A_110 = tpu.memref_slice %arg28[%add3A_40, %dma_wait3A_109] : memref<10112x64xf32, #tpu.memory_space<vmem_shared>> -> memref<320x64xf32, #tpu.memory_space<vmem_shared>>
      %dma_wait3A_111 = arith.constant 0 : i32
      %dma_wait3A_112 = tpu.memref_slice %arg28[%add3A_40, %dma_wait3A_111] : memref<10112x64xf32, #tpu.memory_space<vmem_shared>> -> memref<320x64xf32, #tpu.memory_space<vmem_shared>>
      tpu.wait_dma2 semaphore(%run_scoped3A_105 : memref<!tpu.dma_semaphore, #tpu.memory_space<semaphore_mem>>) src(%arg26 : memref<320x64xf32, #tpu.memory_space<vmem>>) dst(%dma_wait3A_112 : memref<320x64xf32, #tpu.memory_space<vmem_shared>>)
      tpu.yield
    }) : () -> ()
    %barrier3A_41 = arith.constant 0 : index
    tpu.barrier barrier_id(%barrier3A_41)
    %scan3A_42 = arith.constant 0 : i32
    %scan3A_43 = arith.constant 0 : i32
    %scan3A_44 = arith.constant 81 : i32
    %scan3A_45 = arith.addi %scan3A_43, %scan3A_44 : i32
    %scan3A_46 = arith.constant 1 : i32
    %scan3A_47 = scf.for %scan3A_105 = %scan3A_43 to %scan3A_45 step %scan3A_46 iter_args(%scan3A_106 = %scan3A_42) -> (i32)  : i32 {
      %gt3A = arith.constant 0 : i32
      %gt3A_107 = arith.cmpi sgt, %scan3A_105, %gt3A : i32
      %convert_element_type3A = arith.extui %gt3A_107 : i1 to i32
      %cond3A = arith.constant 0 : i32
      %cond3A_108 = arith.cmpi ne, %convert_element_type3A, %cond3A : i32
      scf.if %cond3A_108 {
        %sub3A = arith.constant 1 : i32
        %sub3A_141 = arith.subi %scan3A_105, %sub3A : i32
        %dma_wait3A_142 = arith.constant 0 : i32
        %dma_wait3A_143 = tpu.memref_slice %arg17[%sub3A_141, %dma_wait3A_142] : memref<81x128xi32, #tpu.memory_space<vmem>> -> memref<1x128xi32, #tpu.memory_space<vmem>>
        %dma_wait3A_144 = tpu.memref_squeeze %dma_wait3A_143 : memref<1x128xi32, #tpu.memory_space<vmem>> -> memref<128xi32, #tpu.memory_space<vmem>>
        %dma_wait3A_145 = arith.constant 0 : i32
        %dma_wait3A_146 = arith.constant 0 : i32
        %dma_wait3A_147 = tpu.memref_slice %arg28[%dma_wait3A_145, %dma_wait3A_146] : memref<10112x64xf32, #tpu.memory_space<vmem_shared>> -> memref<10112x64xf32, #tpu.memory_space<vmem_shared>>
        tpu.wait_indirect_dma semaphore(%arg33 : memref<!tpu.dma_semaphore, #tpu.memory_space<semaphore_mem>>) src(%arg23 : memref<128x64xf32, #tpu.memory_space<vmem>>) dst(%dma_wait3A_147 : memref<10112x64xf32, #tpu.memory_space<vmem_shared>>)
      } else {
      }
      %dma_start3A = arith.constant 0 : i32
      %dma_start3A_109 = tpu.memref_slice %arg16[%scan3A_105, %dma_start3A] : memref<81x128xi32, #tpu.memory_space<vmem>> -> memref<1x128xi32, #tpu.memory_space<vmem>>
      %dma_start3A_110 = tpu.memref_squeeze %dma_start3A_109 : memref<1x128xi32, #tpu.memory_space<vmem>> -> memref<128xi32, #tpu.memory_space<vmem>>
      %dma_start3A_111 = arith.constant 0 : i32
      %dma_start3A_112 = arith.constant 0 : i32
      %dma_start3A_113 = tpu.memref_slice %arg7[%dma_start3A_111, %dma_start3A_112] : memref<10112x64xf32, #tpu.memory_space<hbm>> -> memref<10112x64xf32, #tpu.memory_space<hbm>>
      tpu.enqueue_indirect_dma source(%dma_start3A_113 : memref<10112x64xf32, #tpu.memory_space<hbm>>) target(%arg23 : memref<128x64xf32, #tpu.memory_space<vmem>>) offsets(%dma_start3A_110 : memref<128xi32, #tpu.memory_space<vmem>>) semaphore(%arg32 : memref<!tpu.dma_semaphore, #tpu.memory_space<semaphore_mem>>)
      "tpu.region"() ({
        %run_scoped3A_141 = tpu.sem_alloc : memref<!tpu.dma_semaphore, #tpu.memory_space<semaphore_mem>>
        %dma_start3A_142 = arith.constant 0 : i32
        %dma_start3A_143 = tpu.memref_slice %arg16[%scan3A_105, %dma_start3A_142] : memref<81x128xi32, #tpu.memory_space<vmem>> -> memref<1x128xi32, #tpu.memory_space<vmem>>
        %dma_start3A_144 = tpu.memref_squeeze %dma_start3A_143 : memref<1x128xi32, #tpu.memory_space<vmem>> -> memref<128xi32, #tpu.memory_space<vmem>>
        %dma_start3A_145 = arith.constant 0 : i32
        %dma_start3A_146 = arith.constant 0 : i32
        %dma_start3A_147 = tpu.memref_slice %arg4[%dma_start3A_145, %dma_start3A_146] : memref<10112x16xf32, #tpu.memory_space<hbm>> -> memref<10112x16xf32, #tpu.memory_space<hbm>>
        tpu.enqueue_indirect_dma source(%dma_start3A_147 : memref<10112x16xf32, #tpu.memory_space<hbm>>) target(%arg18 : memref<128x16xf32, #tpu.memory_space<vmem>>) offsets(%dma_start3A_144 : memref<128xi32, #tpu.memory_space<vmem>>) semaphore(%run_scoped3A_141 : memref<!tpu.dma_semaphore, #tpu.memory_space<semaphore_mem>>)
        %dma_wait3A_148 = arith.constant 0 : i32
        %dma_wait3A_149 = tpu.memref_slice %arg16[%scan3A_105, %dma_wait3A_148] : memref<81x128xi32, #tpu.memory_space<vmem>> -> memref<1x128xi32, #tpu.memory_space<vmem>>
        %dma_wait3A_150 = tpu.memref_squeeze %dma_wait3A_149 : memref<1x128xi32, #tpu.memory_space<vmem>> -> memref<128xi32, #tpu.memory_space<vmem>>
        %dma_wait3A_151 = arith.constant 0 : i32
        %dma_wait3A_152 = arith.constant 0 : i32
        %dma_wait3A_153 = tpu.memref_slice %arg4[%dma_wait3A_151, %dma_wait3A_152] : memref<10112x16xf32, #tpu.memory_space<hbm>> -> memref<10112x16xf32, #tpu.memory_space<hbm>>
        tpu.wait_indirect_dma semaphore(%run_scoped3A_141 : memref<!tpu.dma_semaphore, #tpu.memory_space<semaphore_mem>>) src(%dma_wait3A_153 : memref<10112x16xf32, #tpu.memory_space<hbm>>) dst(%arg18 : memref<128x16xf32, #tpu.memory_space<vmem>>)
        tpu.yield
      }) : () -> ()
      "tpu.region"() ({
        %run_scoped3A_141 = tpu.sem_alloc : memref<!tpu.dma_semaphore, #tpu.memory_space<semaphore_mem>>
        %dma_start3A_142 = arith.constant 0 : i32
        %dma_start3A_143 = tpu.memref_slice %arg17[%scan3A_105, %dma_start3A_142] : memref<81x128xi32, #tpu.memory_space<vmem>> -> memref<1x128xi32, #tpu.memory_space<vmem>>
        %dma_start3A_144 = tpu.memref_squeeze %dma_start3A_143 : memref<1x128xi32, #tpu.memory_space<vmem>> -> memref<128xi32, #tpu.memory_space<vmem>>
        %dma_start3A_145 = arith.constant 0 : i32
        %dma_start3A_146 = arith.constant 0 : i32
        %dma_start3A_147 = tpu.memref_slice %arg5[%dma_start3A_145, %dma_start3A_146] : memref<10112x16xf32, #tpu.memory_space<hbm>> -> memref<10112x16xf32, #tpu.memory_space<hbm>>
        tpu.enqueue_indirect_dma source(%dma_start3A_147 : memref<10112x16xf32, #tpu.memory_space<hbm>>) target(%arg20 : memref<128x16xf32, #tpu.memory_space<vmem>>) offsets(%dma_start3A_144 : memref<128xi32, #tpu.memory_space<vmem>>) semaphore(%run_scoped3A_141 : memref<!tpu.dma_semaphore, #tpu.memory_space<semaphore_mem>>)
        %dma_wait3A_148 = arith.constant 0 : i32
        %dma_wait3A_149 = tpu.memref_slice %arg17[%scan3A_105, %dma_wait3A_148] : memref<81x128xi32, #tpu.memory_space<vmem>> -> memref<1x128xi32, #tpu.memory_space<vmem>>
        %dma_wait3A_150 = tpu.memref_squeeze %dma_wait3A_149 : memref<1x128xi32, #tpu.memory_space<vmem>> -> memref<128xi32, #tpu.memory_space<vmem>>
        %dma_wait3A_151 = arith.constant 0 : i32
        %dma_wait3A_152 = arith.constant 0 : i32
        %dma_wait3A_153 = tpu.memref_slice %arg5[%dma_wait3A_151, %dma_wait3A_152] : memref<10112x16xf32, #tpu.memory_space<hbm>> -> memref<10112x16xf32, #tpu.memory_space<hbm>>
        tpu.wait_indirect_dma semaphore(%run_scoped3A_141 : memref<!tpu.dma_semaphore, #tpu.memory_space<semaphore_mem>>) src(%dma_wait3A_153 : memref<10112x16xf32, #tpu.memory_space<hbm>>) dst(%arg20 : memref<128x16xf32, #tpu.memory_space<vmem>>)
        tpu.yield
      }) : () -> ()
      %scan3A_114 = arith.constant 0 : i32
      %scan3A_115 = arith.constant 0 : i32
      %scan3A_116 = arith.constant 128 : i32
      %scan3A_117 = arith.addi %scan3A_115, %scan3A_116 : i32
      %scan3A_118 = arith.constant 1 : i32
      %scan3A_119 = scf.for %scan3A_141 = %scan3A_115 to %scan3A_117 step %scan3A_118 iter_args(%scan3A_142 = %scan3A_114) -> (i32)  : i32 {
        %get3A_143 = arith.index_cast %scan3A_141 : i32 to index
        %get3A_144 = arith.constant 0 : index
        %get3A_145 = tpu.vector_load %arg18[%get3A_143, %get3A_144] {strides = array<i32>} : memref<128x16xf32, #tpu.memory_space<vmem>>, vector<1x16xf32>,
        %get3A_146 = vector.shape_cast %get3A_145 : vector<1x16xf32> to vector<16xf32>
        %get3A_147 = arith.index_cast %scan3A_141 : i32 to index
        %get3A_148 = arith.constant 0 : index
        %get3A_149 = tpu.vector_load %arg20[%get3A_147, %get3A_148] {strides = array<i32>} : memref<128x16xf32, #tpu.memory_space<vmem>>, vector<1x16xf32>,
        %get3A_150 = vector.shape_cast %get3A_149 : vector<1x16xf32> to vector<16xf32>
        %add3A_151 = arith.addf %get3A_146, %get3A_150 : vector<16xf32>
        %ge3A = arith.constant 0.000000e+00 : f32
        %ge3A_152 = vector.broadcast %ge3A : f32 to vector<16xf32>
        %ge3A_153 = arith.cmpf oge, %add3A_151, %ge3A_152 : vector<16xf32>
        %mul3A_154 = arith.constant 2.000000e-01 : f32
        %mul3A_155 = vector.broadcast %mul3A_154 : f32 to vector<16xf32>
        %mul3A_156 = arith.mulf %mul3A_155, %add3A_151 : vector<16xf32>
        %select_n3A = arith.select %ge3A_153, %add3A_151, %mul3A_156 : vector<16xi1>, vector<16xf32>
        %sub3A = arith.subf %select_n3A, %get3A_2 : vector<16xf32>
        %exp3A = math.exp %sub3A : vector<16xf32>
        %swap3A = arith.index_cast %scan3A_141 : i32 to index
        %swap3A_157 = arith.constant 0 : index
        %swap3A_158 = tpu.vector_load %arg22[%swap3A, %swap3A_157] {strides = array<i32>} : memref<128x16xf32, #tpu.memory_space<vmem>>, vector<1x16xf32>,
        %swap3A_159 = vector.shape_cast %swap3A_158 : vector<1x16xf32> to vector<16xf32>
        %swap3A_160 = vector.shape_cast %exp3A : vector<16xf32> to vector<1x16xf32>
        tpu.vector_store %arg22[%swap3A, %swap3A_157], %swap3A_160 {strides = array<i32>} : memref<128x16xf32, #tpu.memory_space<vmem>>, vector<1x16xf32>,
        %scan3A_161 = arith.constant 0 : i32
        scf.yield %scan3A_161 : i32
      }
      %scan3A_120 = arith.constant 128 : i32
      %dma_wait3A_121 = arith.constant 0 : i32
      %dma_wait3A_122 = tpu.memref_slice %arg16[%scan3A_105, %dma_wait3A_121] : memref<81x128xi32, #tpu.memory_space<vmem>> -> memref<1x128xi32, #tpu.memory_space<vmem>>
      %dma_wait3A_123 = tpu.memref_squeeze %dma_wait3A_122 : memref<1x128xi32, #tpu.memory_space<vmem>> -> memref<128xi32, #tpu.memory_space<vmem>>
      %dma_wait3A_124 = arith.constant 0 : i32
      %dma_wait3A_125 = arith.constant 0 : i32
      %dma_wait3A_126 = tpu.memref_slice %arg7[%dma_wait3A_124, %dma_wait3A_125] : memref<10112x64xf32, #tpu.memory_space<hbm>> -> memref<10112x64xf32, #tpu.memory_space<hbm>>
      tpu.wait_indirect_dma semaphore(%arg32 : memref<!tpu.dma_semaphore, #tpu.memory_space<semaphore_mem>>) src(%dma_wait3A_126 : memref<10112x64xf32, #tpu.memory_space<hbm>>) dst(%arg23 : memref<128x64xf32, #tpu.memory_space<vmem>>)
      %scan3A_127 = arith.constant 0 : i32
      %scan3A_128 = arith.constant 0 : i32
      %scan3A_129 = arith.constant 128 : i32
      %scan3A_130 = arith.addi %scan3A_128, %scan3A_129 : i32
      %scan3A_131 = arith.constant 1 : i32
      %scan3A_132 = scf.for %scan3A_141 = %scan3A_128 to %scan3A_130 step %scan3A_131 iter_args(%scan3A_142 = %scan3A_127) -> (i32)  : i32 {
        %get3A_143 = arith.index_cast %scan3A_141 : i32 to index
        %get3A_144 = arith.constant 0 : index
        %get3A_145 = tpu.vector_load %arg22[%get3A_143, %get3A_144] {strides = array<i32>} : memref<128x16xf32, #tpu.memory_space<vmem>>, vector<1x16xf32>,
        %get3A_146 = vector.shape_cast %get3A_145 : vector<1x16xf32> to vector<16xf32>
        %slice3A = vector.extract_strided_slice %get3A_146 {offsets = [2], sizes = [1], strides = [1]} : vector<16xf32> to vector<1xf32>
        %squeeze3A = vector.extract %slice3A[0] : f32 from vector<1xf32>
        %broadcast_in_dim3A_147 = vector.broadcast %squeeze3A : f32 to vector<16xf32>
        %get3A_148 = arith.index_cast %scan3A_141 : i32 to index
        %get3A_149 = arith.constant 0 : index
        %get3A_150 = tpu.vector_load %arg23[%get3A_148, %get3A_149] {strides = array<i32>} : memref<128x64xf32, #tpu.memory_space<vmem>>, vector<1x16xf32>,
        %get3A_151 = vector.shape_cast %get3A_150 : vector<1x16xf32> to vector<16xf32>
        %mul3A_152 = arith.mulf %get3A_151, %broadcast_in_dim3A_147 : vector<16xf32>
        %swap3A = arith.index_cast %scan3A_141 : i32 to index
        %swap3A_153 = arith.constant 0 : index
        %swap3A_154 = tpu.vector_load %arg23[%swap3A, %swap3A_153] {strides = array<i32>} : memref<128x64xf32, #tpu.memory_space<vmem>>, vector<1x16xf32>,
        %swap3A_155 = vector.shape_cast %swap3A_154 : vector<1x16xf32> to vector<16xf32>
        %swap3A_156 = vector.shape_cast %mul3A_152 : vector<16xf32> to vector<1x16xf32>
        tpu.vector_store %arg23[%swap3A, %swap3A_153], %swap3A_156 {strides = array<i32>} : memref<128x64xf32, #tpu.memory_space<vmem>>, vector<1x16xf32>,
        %get3A_157 = arith.index_cast %scan3A_141 : i32 to index
        %get3A_158 = arith.constant 16 : index
        %get3A_159 = tpu.vector_load %arg23[%get3A_157, %get3A_158] {strides = array<i32>} : memref<128x64xf32, #tpu.memory_space<vmem>>, vector<1x16xf32>,
        %get3A_160 = vector.shape_cast %get3A_159 : vector<1x16xf32> to vector<16xf32>
        %mul3A_161 = arith.mulf %get3A_160, %broadcast_in_dim3A_147 : vector<16xf32>
        %swap3A_162 = arith.index_cast %scan3A_141 : i32 to index
        %swap3A_163 = arith.constant 16 : index
        %swap3A_164 = tpu.vector_load %arg23[%swap3A_162, %swap3A_163] {strides = array<i32>} : memref<128x64xf32, #tpu.memory_space<vmem>>, vector<1x16xf32>,
        %swap3A_165 = vector.shape_cast %swap3A_164 : vector<1x16xf32> to vector<16xf32>
        %swap3A_166 = vector.shape_cast %mul3A_161 : vector<16xf32> to vector<1x16xf32>
        tpu.vector_store %arg23[%swap3A_162, %swap3A_163], %swap3A_166 {strides = array<i32>} : memref<128x64xf32, #tpu.memory_space<vmem>>, vector<1x16xf32>,
        %slice3A_167 = vector.extract_strided_slice %get3A_146 {offsets = [3], sizes = [1], strides = [1]} : vector<16xf32> to vector<1xf32>
        %squeeze3A_168 = vector.extract %slice3A_167[0] : f32 from vector<1xf32>
        %broadcast_in_dim3A_169 = vector.broadcast %squeeze3A_168 : f32 to vector<16xf32>
        %get3A_170 = arith.index_cast %scan3A_141 : i32 to index
        %get3A_171 = arith.constant 32 : index
        %get3A_172 = tpu.vector_load %arg23[%get3A_170, %get3A_171] {strides = array<i32>} : memref<128x64xf32, #tpu.memory_space<vmem>>, vector<1x16xf32>,
        %get3A_173 = vector.shape_cast %get3A_172 : vector<1x16xf32> to vector<16xf32>
        %mul3A_174 = arith.mulf %get3A_173, %broadcast_in_dim3A_169 : vector<16xf32>
        %swap3A_175 = arith.index_cast %scan3A_141 : i32 to index
        %swap3A_176 = arith.constant 32 : index
        %swap3A_177 = tpu.vector_load %arg23[%swap3A_175, %swap3A_176] {strides = array<i32>} : memref<128x64xf32, #tpu.memory_space<vmem>>, vector<1x16xf32>,
        %swap3A_178 = vector.shape_cast %swap3A_177 : vector<1x16xf32> to vector<16xf32>
        %swap3A_179 = vector.shape_cast %mul3A_174 : vector<16xf32> to vector<1x16xf32>
        tpu.vector_store %arg23[%swap3A_175, %swap3A_176], %swap3A_179 {strides = array<i32>} : memref<128x64xf32, #tpu.memory_space<vmem>>, vector<1x16xf32>,
        %get3A_180 = arith.index_cast %scan3A_141 : i32 to index
        %get3A_181 = arith.constant 48 : index
        %get3A_182 = tpu.vector_load %arg23[%get3A_180, %get3A_181] {strides = array<i32>} : memref<128x64xf32, #tpu.memory_space<vmem>>, vector<1x16xf32>,
        %get3A_183 = vector.shape_cast %get3A_182 : vector<1x16xf32> to vector<16xf32>
        %mul3A_184 = arith.mulf %get3A_183, %broadcast_in_dim3A_169 : vector<16xf32>
        %swap3A_185 = arith.index_cast %scan3A_141 : i32 to index
        %swap3A_186 = arith.constant 48 : index
        %swap3A_187 = tpu.vector_load %arg23[%swap3A_185, %swap3A_186] {strides = array<i32>} : memref<128x64xf32, #tpu.memory_space<vmem>>, vector<1x16xf32>,
        %swap3A_188 = vector.shape_cast %swap3A_187 : vector<1x16xf32> to vector<16xf32>
        %swap3A_189 = vector.shape_cast %mul3A_184 : vector<16xf32> to vector<1x16xf32>
        tpu.vector_store %arg23[%swap3A_185, %swap3A_186], %swap3A_189 {strides = array<i32>} : memref<128x64xf32, #tpu.memory_space<vmem>>, vector<1x16xf32>,
        %scan3A_190 = arith.constant 0 : i32
        scf.yield %scan3A_190 : i32
      }
      %scan3A_133 = arith.constant 128 : i32
      %dma_start3A_134 = arith.constant 0 : i32
      %dma_start3A_135 = tpu.memref_slice %arg17[%scan3A_105, %dma_start3A_134] : memref<81x128xi32, #tpu.memory_space<vmem>> -> memref<1x128xi32, #tpu.memory_space<vmem>>
      %dma_start3A_136 = tpu.memref_squeeze %dma_start3A_135 : memref<1x128xi32, #tpu.memory_space<vmem>> -> memref<128xi32, #tpu.memory_space<vmem>>
      %dma_start3A_137 = arith.constant 0 : i32
      %dma_start3A_138 = arith.constant 0 : i32
      %dma_start3A_139 = tpu.memref_slice %arg28[%dma_start3A_137, %dma_start3A_138] : memref<10112x64xf32, #tpu.memory_space<vmem_shared>> -> memref<10112x64xf32, #tpu.memory_space<vmem_shared>>
      tpu.enqueue_indirect_dma source(%arg23 : memref<128x64xf32, #tpu.memory_space<vmem>>) target(%dma_start3A_139 : memref<10112x64xf32, #tpu.memory_space<vmem_shared>>) offsets(%dma_start3A_136 : memref<128xi32, #tpu.memory_space<vmem>>) semaphore(%arg33 : memref<!tpu.dma_semaphore, #tpu.memory_space<semaphore_mem>>) {add = true}
      %scan3A_140 = arith.constant 0 : i32
      scf.yield %scan3A_140 : i32
    }
    %scan3A_48 = arith.constant 81 : i32
    %dma_wait3A_49 = arith.constant 80 : i32
    %dma_wait3A_50 = arith.constant 0 : i32
    %dma_wait3A_51 = tpu.memref_slice %arg17[%dma_wait3A_49, %dma_wait3A_50] : memref<81x128xi32, #tpu.memory_space<vmem>> -> memref<1x128xi32, #tpu.memory_space<vmem>>
    %dma_wait3A_52 = tpu.memref_squeeze %dma_wait3A_51 : memref<1x128xi32, #tpu.memory_space<vmem>> -> memref<128xi32, #tpu.memory_space<vmem>>
    %dma_wait3A_53 = arith.constant 0 : i32
    %dma_wait3A_54 = arith.constant 0 : i32
    %dma_wait3A_55 = tpu.memref_slice %arg28[%dma_wait3A_53, %dma_wait3A_54] : memref<10112x64xf32, #tpu.memory_space<vmem_shared>> -> memref<10112x64xf32, #tpu.memory_space<vmem_shared>>
    tpu.wait_indirect_dma semaphore(%arg33 : memref<!tpu.dma_semaphore, #tpu.memory_space<semaphore_mem>>) src(%arg23 : memref<128x64xf32, #tpu.memory_space<vmem>>) dst(%dma_wait3A_55 : memref<10112x64xf32, #tpu.memory_space<vmem_shared>>)
    %barrier3A_56 = arith.constant 0 : index
    tpu.barrier barrier_id(%barrier3A_56)
    "tpu.region"() ({
      %run_scoped3A_105 = tpu.sem_alloc : memref<!tpu.dma_semaphore, #tpu.memory_space<semaphore_mem>>
      %dma_start3A = arith.constant 0 : i32
      %dma_start3A_106 = tpu.memref_slice %arg12[%arg0, %mul3A_18, %dma_start3A] : memref<2x10112x64xf32, #tpu.memory_space<hbm>> -> memref<1x312x64xf32, #tpu.memory_space<hbm>>
      %dma_start3A_107 = tpu.memref_squeeze %dma_start3A_106 : memref<1x312x64xf32, #tpu.memory_space<hbm>> -> memref<312x64xf32, #tpu.memory_space<hbm>>
      %dma_start3A_108 = arith.constant 0 : i32
      %dma_start3A_109 = tpu.memref_slice %arg28[%mul3A_18, %dma_start3A_108] : memref<10112x64xf32, #tpu.memory_space<vmem_shared>> -> memref<312x64xf32, #tpu.memory_space<vmem_shared>>
      tpu.enqueue_dma source(%dma_start3A_109 : memref<312x64xf32, #tpu.memory_space<vmem_shared>>) target(%dma_start3A_107 : memref<312x64xf32, #tpu.memory_space<hbm>>) target_semaphore(%run_scoped3A_105 : memref<!tpu.dma_semaphore, #tpu.memory_space<semaphore_mem>>)
      %dma_wait3A_110 = arith.constant 0 : i32
      %dma_wait3A_111 = tpu.memref_slice %arg12[%arg0, %mul3A_18, %dma_wait3A_110] : memref<2x10112x64xf32, #tpu.memory_space<hbm>> -> memref<1x312x64xf32, #tpu.memory_space<hbm>>
      %dma_wait3A_112 = tpu.memref_squeeze %dma_wait3A_111 : memref<1x312x64xf32, #tpu.memory_space<hbm>> -> memref<312x64xf32, #tpu.memory_space<hbm>>
      %dma_wait3A_113 = arith.constant 0 : i32
      %dma_wait3A_114 = tpu.memref_slice %arg28[%mul3A_18, %dma_wait3A_113] : memref<10112x64xf32, #tpu.memory_space<vmem_shared>> -> memref<312x64xf32, #tpu.memory_space<vmem_shared>>
      tpu.wait_dma2 semaphore(%run_scoped3A_105 : memref<!tpu.dma_semaphore, #tpu.memory_space<semaphore_mem>>) src(%dma_wait3A_114 : memref<312x64xf32, #tpu.memory_space<vmem_shared>>) dst(%dma_wait3A_112 : memref<312x64xf32, #tpu.memory_space<hbm>>)
      tpu.yield
    }) : () -> ()
    %add3A_57 = arith.constant 312 : i32
    %add3A_58 = arith.addi %mul3A_18, %add3A_57 : i32
    %add3A_59 = arith.constant 312 : i32
    %add3A_60 = arith.addi %mul3A_18, %add3A_59 : i32
    "tpu.region"() ({
      %run_scoped3A_105 = tpu.sem_alloc : memref<!tpu.dma_semaphore, #tpu.memory_space<semaphore_mem>>
      %dma_start3A = arith.constant 0 : i32
      %dma_start3A_106 = tpu.memref_slice %arg12[%arg0, %add3A_60, %dma_start3A] : memref<2x10112x64xf32, #tpu.memory_space<hbm>> -> memref<1x320x64xf32, #tpu.memory_space<hbm>>
      %dma_start3A_107 = tpu.memref_squeeze %dma_start3A_106 : memref<1x320x64xf32, #tpu.memory_space<hbm>> -> memref<320x64xf32, #tpu.memory_space<hbm>>
      %dma_start3A_108 = arith.constant 0 : i32
      %dma_start3A_109 = tpu.memref_slice %arg28[%add3A_58, %dma_start3A_108] : memref<10112x64xf32, #tpu.memory_space<vmem_shared>> -> memref<320x64xf32, #tpu.memory_space<vmem_shared>>
      tpu.enqueue_dma source(%dma_start3A_109 : memref<320x64xf32, #tpu.memory_space<vmem_shared>>) target(%dma_start3A_107 : memref<320x64xf32, #tpu.memory_space<hbm>>) target_semaphore(%run_scoped3A_105 : memref<!tpu.dma_semaphore, #tpu.memory_space<semaphore_mem>>)
      %dma_wait3A_110 = arith.constant 0 : i32
      %dma_wait3A_111 = tpu.memref_slice %arg12[%arg0, %add3A_60, %dma_wait3A_110] : memref<2x10112x64xf32, #tpu.memory_space<hbm>> -> memref<1x320x64xf32, #tpu.memory_space<hbm>>
      %dma_wait3A_112 = tpu.memref_squeeze %dma_wait3A_111 : memref<1x320x64xf32, #tpu.memory_space<hbm>> -> memref<320x64xf32, #tpu.memory_space<hbm>>
      %dma_wait3A_113 = arith.constant 0 : i32
      %dma_wait3A_114 = tpu.memref_slice %arg28[%add3A_58, %dma_wait3A_113] : memref<10112x64xf32, #tpu.memory_space<vmem_shared>> -> memref<320x64xf32, #tpu.memory_space<vmem_shared>>
      tpu.wait_dma2 semaphore(%run_scoped3A_105 : memref<!tpu.dma_semaphore, #tpu.memory_space<semaphore_mem>>) src(%dma_wait3A_114 : memref<320x64xf32, #tpu.memory_space<vmem_shared>>) dst(%dma_wait3A_112 : memref<320x64xf32, #tpu.memory_space<hbm>>)
      tpu.yield
    }) : () -> ()
    "tpu.region"() ({
      %run_scoped3A_105 = tpu.sem_alloc : memref<!tpu.dma_semaphore, #tpu.memory_space<semaphore_mem>>
      %dma_start3A = arith.constant 0 : i32
      %dma_start3A_106 = arith.constant 0 : i32
      %dma_start3A_107 = tpu.memref_slice %arg26[%dma_start3A, %dma_start3A_106] : memref<320x64xf32, #tpu.memory_space<vmem>> -> memref<312x64xf32, #tpu.memory_space<vmem>>
      %dma_start3A_108 = arith.constant 0 : i32
      %dma_start3A_109 = tpu.memref_slice %arg28[%mul3A_18, %dma_start3A_108] : memref<10112x64xf32, #tpu.memory_space<vmem_shared>> -> memref<312x64xf32, #tpu.memory_space<vmem_shared>>
      %dma_start3A_110 = arith.constant 0 : i32
      %dma_start3A_111 = tpu.memref_slice %arg28[%mul3A_18, %dma_start3A_110] : memref<10112x64xf32, #tpu.memory_space<vmem_shared>> -> memref<312x64xf32, #tpu.memory_space<vmem_shared>>
      %dma_start3A_112 = arith.constant 0 : i32
      %dma_start3A_113 = arith.constant 0 : i32
      %dma_start3A_114 = tpu.memref_slice %arg26[%dma_start3A_112, %dma_start3A_113] : memref<320x64xf32, #tpu.memory_space<vmem>> -> memref<312x64xf32, #tpu.memory_space<vmem>>
      tpu.enqueue_dma source(%dma_start3A_114 : memref<312x64xf32, #tpu.memory_space<vmem>>) target(%dma_start3A_111 : memref<312x64xf32, #tpu.memory_space<vmem_shared>>) target_semaphore(%run_scoped3A_105 : memref<!tpu.dma_semaphore, #tpu.memory_space<semaphore_mem>>)
      %dma_wait3A_115 = arith.constant 0 : i32
      %dma_wait3A_116 = arith.constant 0 : i32
      %dma_wait3A_117 = tpu.memref_slice %arg26[%dma_wait3A_115, %dma_wait3A_116] : memref<320x64xf32, #tpu.memory_space<vmem>> -> memref<312x64xf32, #tpu.memory_space<vmem>>
      %dma_wait3A_118 = arith.constant 0 : i32
      %dma_wait3A_119 = tpu.memref_slice %arg28[%mul3A_18, %dma_wait3A_118] : memref<10112x64xf32, #tpu.memory_space<vmem_shared>> -> memref<312x64xf32, #tpu.memory_space<vmem_shared>>
      %dma_wait3A_120 = arith.constant 0 : i32
      %dma_wait3A_121 = tpu.memref_slice %arg28[%mul3A_18, %dma_wait3A_120] : memref<10112x64xf32, #tpu.memory_space<vmem_shared>> -> memref<312x64xf32, #tpu.memory_space<vmem_shared>>
      %dma_wait3A_122 = arith.constant 0 : i32
      %dma_wait3A_123 = arith.constant 0 : i32
      %dma_wait3A_124 = tpu.memref_slice %arg26[%dma_wait3A_122, %dma_wait3A_123] : memref<320x64xf32, #tpu.memory_space<vmem>> -> memref<312x64xf32, #tpu.memory_space<vmem>>
      tpu.wait_dma2 semaphore(%run_scoped3A_105 : memref<!tpu.dma_semaphore, #tpu.memory_space<semaphore_mem>>) src(%dma_wait3A_124 : memref<312x64xf32, #tpu.memory_space<vmem>>) dst(%dma_wait3A_121 : memref<312x64xf32, #tpu.memory_space<vmem_shared>>)
      tpu.yield
    }) : () -> ()
    %add3A_61 = arith.constant 312 : i32
    %add3A_62 = arith.addi %mul3A_18, %add3A_61 : i32
    "tpu.region"() ({
      %run_scoped3A_105 = tpu.sem_alloc : memref<!tpu.dma_semaphore, #tpu.memory_space<semaphore_mem>>
      %dma_start3A = arith.constant 0 : i32
      %dma_start3A_106 = tpu.memref_slice %arg28[%add3A_62, %dma_start3A] : memref<10112x64xf32, #tpu.memory_space<vmem_shared>> -> memref<320x64xf32, #tpu.memory_space<vmem_shared>>
      %dma_start3A_107 = arith.constant 0 : i32
      %dma_start3A_108 = tpu.memref_slice %arg28[%add3A_62, %dma_start3A_107] : memref<10112x64xf32, #tpu.memory_space<vmem_shared>> -> memref<320x64xf32, #tpu.memory_space<vmem_shared>>
      tpu.enqueue_dma source(%arg26 : memref<320x64xf32, #tpu.memory_space<vmem>>) target(%dma_start3A_108 : memref<320x64xf32, #tpu.memory_space<vmem_shared>>) target_semaphore(%run_scoped3A_105 : memref<!tpu.dma_semaphore, #tpu.memory_space<semaphore_mem>>)
      %dma_wait3A_109 = arith.constant 0 : i32
      %dma_wait3A_110 = tpu.memref_slice %arg28[%add3A_62, %dma_wait3A_109] : memref<10112x64xf32, #tpu.memory_space<vmem_shared>> -> memref<320x64xf32, #tpu.memory_space<vmem_shared>>
      %dma_wait3A_111 = arith.constant 0 : i32
      %dma_wait3A_112 = tpu.memref_slice %arg28[%add3A_62, %dma_wait3A_111] : memref<10112x64xf32, #tpu.memory_space<vmem_shared>> -> memref<320x64xf32, #tpu.memory_space<vmem_shared>>
      tpu.wait_dma2 semaphore(%run_scoped3A_105 : memref<!tpu.dma_semaphore, #tpu.memory_space<semaphore_mem>>) src(%arg26 : memref<320x64xf32, #tpu.memory_space<vmem>>) dst(%dma_wait3A_112 : memref<320x64xf32, #tpu.memory_space<vmem_shared>>)
      tpu.yield
    }) : () -> ()
    %barrier3A_63 = arith.constant 0 : index
    tpu.barrier barrier_id(%barrier3A_63)
    %scan3A_64 = arith.constant 0 : i32
    %scan3A_65 = arith.constant 0 : i32
    %scan3A_66 = arith.constant 81 : i32
    %scan3A_67 = arith.addi %scan3A_65, %scan3A_66 : i32
    %scan3A_68 = arith.constant 1 : i32
    %scan3A_69 = scf.for %scan3A_105 = %scan3A_65 to %scan3A_67 step %scan3A_68 iter_args(%scan3A_106 = %scan3A_64) -> (i32)  : i32 {
      %gt3A = arith.constant 0 : i32
      %gt3A_107 = arith.cmpi sgt, %scan3A_105, %gt3A : i32
      %convert_element_type3A = arith.extui %gt3A_107 : i1 to i32
      %cond3A = arith.constant 0 : i32
      %cond3A_108 = arith.cmpi ne, %convert_element_type3A, %cond3A : i32
      scf.if %cond3A_108 {
        %sub3A = arith.constant 1 : i32
        %sub3A_141 = arith.subi %scan3A_105, %sub3A : i32
        %dma_wait3A_142 = arith.constant 0 : i32
        %dma_wait3A_143 = tpu.memref_slice %arg17[%sub3A_141, %dma_wait3A_142] : memref<81x128xi32, #tpu.memory_space<vmem>> -> memref<1x128xi32, #tpu.memory_space<vmem>>
        %dma_wait3A_144 = tpu.memref_squeeze %dma_wait3A_143 : memref<1x128xi32, #tpu.memory_space<vmem>> -> memref<128xi32, #tpu.memory_space<vmem>>
        %dma_wait3A_145 = arith.constant 0 : i32
        %dma_wait3A_146 = arith.constant 0 : i32
        %dma_wait3A_147 = tpu.memref_slice %arg28[%dma_wait3A_145, %dma_wait3A_146] : memref<10112x64xf32, #tpu.memory_space<vmem_shared>> -> memref<10112x64xf32, #tpu.memory_space<vmem_shared>>
        tpu.wait_indirect_dma semaphore(%arg33 : memref<!tpu.dma_semaphore, #tpu.memory_space<semaphore_mem>>) src(%arg23 : memref<128x64xf32, #tpu.memory_space<vmem>>) dst(%dma_wait3A_147 : memref<10112x64xf32, #tpu.memory_space<vmem_shared>>)
      } else {
      }
      %dma_start3A = arith.constant 0 : i32
      %dma_start3A_109 = tpu.memref_slice %arg16[%scan3A_105, %dma_start3A] : memref<81x128xi32, #tpu.memory_space<vmem>> -> memref<1x128xi32, #tpu.memory_space<vmem>>
      %dma_start3A_110 = tpu.memref_squeeze %dma_start3A_109 : memref<1x128xi32, #tpu.memory_space<vmem>> -> memref<128xi32, #tpu.memory_space<vmem>>
      %dma_start3A_111 = arith.constant 0 : i32
      %dma_start3A_112 = arith.constant 0 : i32
      %dma_start3A_113 = tpu.memref_slice %arg8[%dma_start3A_111, %dma_start3A_112] : memref<10112x64xf32, #tpu.memory_space<hbm>> -> memref<10112x64xf32, #tpu.memory_space<hbm>>
      tpu.enqueue_indirect_dma source(%dma_start3A_113 : memref<10112x64xf32, #tpu.memory_space<hbm>>) target(%arg23 : memref<128x64xf32, #tpu.memory_space<vmem>>) offsets(%dma_start3A_110 : memref<128xi32, #tpu.memory_space<vmem>>) semaphore(%arg32 : memref<!tpu.dma_semaphore, #tpu.memory_space<semaphore_mem>>)
      "tpu.region"() ({
        %run_scoped3A_141 = tpu.sem_alloc : memref<!tpu.dma_semaphore, #tpu.memory_space<semaphore_mem>>
        %dma_start3A_142 = arith.constant 0 : i32
        %dma_start3A_143 = tpu.memref_slice %arg16[%scan3A_105, %dma_start3A_142] : memref<81x128xi32, #tpu.memory_space<vmem>> -> memref<1x128xi32, #tpu.memory_space<vmem>>
        %dma_start3A_144 = tpu.memref_squeeze %dma_start3A_143 : memref<1x128xi32, #tpu.memory_space<vmem>> -> memref<128xi32, #tpu.memory_space<vmem>>
        %dma_start3A_145 = arith.constant 0 : i32
        %dma_start3A_146 = arith.constant 0 : i32
        %dma_start3A_147 = tpu.memref_slice %arg4[%dma_start3A_145, %dma_start3A_146] : memref<10112x16xf32, #tpu.memory_space<hbm>> -> memref<10112x16xf32, #tpu.memory_space<hbm>>
        tpu.enqueue_indirect_dma source(%dma_start3A_147 : memref<10112x16xf32, #tpu.memory_space<hbm>>) target(%arg18 : memref<128x16xf32, #tpu.memory_space<vmem>>) offsets(%dma_start3A_144 : memref<128xi32, #tpu.memory_space<vmem>>) semaphore(%run_scoped3A_141 : memref<!tpu.dma_semaphore, #tpu.memory_space<semaphore_mem>>)
        %dma_wait3A_148 = arith.constant 0 : i32
        %dma_wait3A_149 = tpu.memref_slice %arg16[%scan3A_105, %dma_wait3A_148] : memref<81x128xi32, #tpu.memory_space<vmem>> -> memref<1x128xi32, #tpu.memory_space<vmem>>
        %dma_wait3A_150 = tpu.memref_squeeze %dma_wait3A_149 : memref<1x128xi32, #tpu.memory_space<vmem>> -> memref<128xi32, #tpu.memory_space<vmem>>
        %dma_wait3A_151 = arith.constant 0 : i32
        %dma_wait3A_152 = arith.constant 0 : i32
        %dma_wait3A_153 = tpu.memref_slice %arg4[%dma_wait3A_151, %dma_wait3A_152] : memref<10112x16xf32, #tpu.memory_space<hbm>> -> memref<10112x16xf32, #tpu.memory_space<hbm>>
        tpu.wait_indirect_dma semaphore(%run_scoped3A_141 : memref<!tpu.dma_semaphore, #tpu.memory_space<semaphore_mem>>) src(%dma_wait3A_153 : memref<10112x16xf32, #tpu.memory_space<hbm>>) dst(%arg18 : memref<128x16xf32, #tpu.memory_space<vmem>>)
        tpu.yield
      }) : () -> ()
      "tpu.region"() ({
        %run_scoped3A_141 = tpu.sem_alloc : memref<!tpu.dma_semaphore, #tpu.memory_space<semaphore_mem>>
        %dma_start3A_142 = arith.constant 0 : i32
        %dma_start3A_143 = tpu.memref_slice %arg17[%scan3A_105, %dma_start3A_142] : memref<81x128xi32, #tpu.memory_space<vmem>> -> memref<1x128xi32, #tpu.memory_space<vmem>>
        %dma_start3A_144 = tpu.memref_squeeze %dma_start3A_143 : memref<1x128xi32, #tpu.memory_space<vmem>> -> memref<128xi32, #tpu.memory_space<vmem>>
        %dma_start3A_145 = arith.constant 0 : i32
        %dma_start3A_146 = arith.constant 0 : i32
        %dma_start3A_147 = tpu.memref_slice %arg5[%dma_start3A_145, %dma_start3A_146] : memref<10112x16xf32, #tpu.memory_space<hbm>> -> memref<10112x16xf32, #tpu.memory_space<hbm>>
        tpu.enqueue_indirect_dma source(%dma_start3A_147 : memref<10112x16xf32, #tpu.memory_space<hbm>>) target(%arg20 : memref<128x16xf32, #tpu.memory_space<vmem>>) offsets(%dma_start3A_144 : memref<128xi32, #tpu.memory_space<vmem>>) semaphore(%run_scoped3A_141 : memref<!tpu.dma_semaphore, #tpu.memory_space<semaphore_mem>>)
        %dma_wait3A_148 = arith.constant 0 : i32
        %dma_wait3A_149 = tpu.memref_slice %arg17[%scan3A_105, %dma_wait3A_148] : memref<81x128xi32, #tpu.memory_space<vmem>> -> memref<1x128xi32, #tpu.memory_space<vmem>>
        %dma_wait3A_150 = tpu.memref_squeeze %dma_wait3A_149 : memref<1x128xi32, #tpu.memory_space<vmem>> -> memref<128xi32, #tpu.memory_space<vmem>>
        %dma_wait3A_151 = arith.constant 0 : i32
        %dma_wait3A_152 = arith.constant 0 : i32
        %dma_wait3A_153 = tpu.memref_slice %arg5[%dma_wait3A_151, %dma_wait3A_152] : memref<10112x16xf32, #tpu.memory_space<hbm>> -> memref<10112x16xf32, #tpu.memory_space<hbm>>
        tpu.wait_indirect_dma semaphore(%run_scoped3A_141 : memref<!tpu.dma_semaphore, #tpu.memory_space<semaphore_mem>>) src(%dma_wait3A_153 : memref<10112x16xf32, #tpu.memory_space<hbm>>) dst(%arg20 : memref<128x16xf32, #tpu.memory_space<vmem>>)
        tpu.yield
      }) : () -> ()
      %scan3A_114 = arith.constant 0 : i32
      %scan3A_115 = arith.constant 0 : i32
      %scan3A_116 = arith.constant 128 : i32
      %scan3A_117 = arith.addi %scan3A_115, %scan3A_116 : i32
      %scan3A_118 = arith.constant 1 : i32
      %scan3A_119 = scf.for %scan3A_141 = %scan3A_115 to %scan3A_117 step %scan3A_118 iter_args(%scan3A_142 = %scan3A_114) -> (i32)  : i32 {
        %get3A_143 = arith.index_cast %scan3A_141 : i32 to index
        %get3A_144 = arith.constant 0 : index
        %get3A_145 = tpu.vector_load %arg18[%get3A_143, %get3A_144] {strides = array<i32>} : memref<128x16xf32, #tpu.memory_space<vmem>>, vector<1x16xf32>,
        %get3A_146 = vector.shape_cast %get3A_145 : vector<1x16xf32> to vector<16xf32>
        %get3A_147 = arith.index_cast %scan3A_141 : i32 to index
        %get3A_148 = arith.constant 0 : index
        %get3A_149 = tpu.vector_load %arg20[%get3A_147, %get3A_148] {strides = array<i32>} : memref<128x16xf32, #tpu.memory_space<vmem>>, vector<1x16xf32>,
        %get3A_150 = vector.shape_cast %get3A_149 : vector<1x16xf32> to vector<16xf32>
        %add3A_151 = arith.addf %get3A_146, %get3A_150 : vector<16xf32>
        %ge3A = arith.constant 0.000000e+00 : f32
        %ge3A_152 = vector.broadcast %ge3A : f32 to vector<16xf32>
        %ge3A_153 = arith.cmpf oge, %add3A_151, %ge3A_152 : vector<16xf32>
        %mul3A_154 = arith.constant 2.000000e-01 : f32
        %mul3A_155 = vector.broadcast %mul3A_154 : f32 to vector<16xf32>
        %mul3A_156 = arith.mulf %mul3A_155, %add3A_151 : vector<16xf32>
        %select_n3A = arith.select %ge3A_153, %add3A_151, %mul3A_156 : vector<16xi1>, vector<16xf32>
        %sub3A = arith.subf %select_n3A, %get3A_2 : vector<16xf32>
        %exp3A = math.exp %sub3A : vector<16xf32>
        %swap3A = arith.index_cast %scan3A_141 : i32 to index
        %swap3A_157 = arith.constant 0 : index
        %swap3A_158 = tpu.vector_load %arg22[%swap3A, %swap3A_157] {strides = array<i32>} : memref<128x16xf32, #tpu.memory_space<vmem>>, vector<1x16xf32>,
        %swap3A_159 = vector.shape_cast %swap3A_158 : vector<1x16xf32> to vector<16xf32>
        %swap3A_160 = vector.shape_cast %exp3A : vector<16xf32> to vector<1x16xf32>
        tpu.vector_store %arg22[%swap3A, %swap3A_157], %swap3A_160 {strides = array<i32>} : memref<128x16xf32, #tpu.memory_space<vmem>>, vector<1x16xf32>,
        %scan3A_161 = arith.constant 0 : i32
        scf.yield %scan3A_161 : i32
      }
      %scan3A_120 = arith.constant 128 : i32
      %dma_wait3A_121 = arith.constant 0 : i32
      %dma_wait3A_122 = tpu.memref_slice %arg16[%scan3A_105, %dma_wait3A_121] : memref<81x128xi32, #tpu.memory_space<vmem>> -> memref<1x128xi32, #tpu.memory_space<vmem>>
      %dma_wait3A_123 = tpu.memref_squeeze %dma_wait3A_122 : memref<1x128xi32, #tpu.memory_space<vmem>> -> memref<128xi32, #tpu.memory_space<vmem>>
      %dma_wait3A_124 = arith.constant 0 : i32
      %dma_wait3A_125 = arith.constant 0 : i32
      %dma_wait3A_126 = tpu.memref_slice %arg8[%dma_wait3A_124, %dma_wait3A_125] : memref<10112x64xf32, #tpu.memory_space<hbm>> -> memref<10112x64xf32, #tpu.memory_space<hbm>>
      tpu.wait_indirect_dma semaphore(%arg32 : memref<!tpu.dma_semaphore, #tpu.memory_space<semaphore_mem>>) src(%dma_wait3A_126 : memref<10112x64xf32, #tpu.memory_space<hbm>>) dst(%arg23 : memref<128x64xf32, #tpu.memory_space<vmem>>)
      %scan3A_127 = arith.constant 0 : i32
      %scan3A_128 = arith.constant 0 : i32
      %scan3A_129 = arith.constant 128 : i32
      %scan3A_130 = arith.addi %scan3A_128, %scan3A_129 : i32
      %scan3A_131 = arith.constant 1 : i32
      %scan3A_132 = scf.for %scan3A_141 = %scan3A_128 to %scan3A_130 step %scan3A_131 iter_args(%scan3A_142 = %scan3A_127) -> (i32)  : i32 {
        %get3A_143 = arith.index_cast %scan3A_141 : i32 to index
        %get3A_144 = arith.constant 0 : index
        %get3A_145 = tpu.vector_load %arg22[%get3A_143, %get3A_144] {strides = array<i32>} : memref<128x16xf32, #tpu.memory_space<vmem>>, vector<1x16xf32>,
        %get3A_146 = vector.shape_cast %get3A_145 : vector<1x16xf32> to vector<16xf32>
        %slice3A = vector.extract_strided_slice %get3A_146 {offsets = [4], sizes = [1], strides = [1]} : vector<16xf32> to vector<1xf32>
        %squeeze3A = vector.extract %slice3A[0] : f32 from vector<1xf32>
        %broadcast_in_dim3A_147 = vector.broadcast %squeeze3A : f32 to vector<16xf32>
        %get3A_148 = arith.index_cast %scan3A_141 : i32 to index
        %get3A_149 = arith.constant 0 : index
        %get3A_150 = tpu.vector_load %arg23[%get3A_148, %get3A_149] {strides = array<i32>} : memref<128x64xf32, #tpu.memory_space<vmem>>, vector<1x16xf32>,
        %get3A_151 = vector.shape_cast %get3A_150 : vector<1x16xf32> to vector<16xf32>
        %mul3A_152 = arith.mulf %get3A_151, %broadcast_in_dim3A_147 : vector<16xf32>
        %swap3A = arith.index_cast %scan3A_141 : i32 to index
        %swap3A_153 = arith.constant 0 : index
        %swap3A_154 = tpu.vector_load %arg23[%swap3A, %swap3A_153] {strides = array<i32>} : memref<128x64xf32, #tpu.memory_space<vmem>>, vector<1x16xf32>,
        %swap3A_155 = vector.shape_cast %swap3A_154 : vector<1x16xf32> to vector<16xf32>
        %swap3A_156 = vector.shape_cast %mul3A_152 : vector<16xf32> to vector<1x16xf32>
        tpu.vector_store %arg23[%swap3A, %swap3A_153], %swap3A_156 {strides = array<i32>} : memref<128x64xf32, #tpu.memory_space<vmem>>, vector<1x16xf32>,
        %get3A_157 = arith.index_cast %scan3A_141 : i32 to index
        %get3A_158 = arith.constant 16 : index
        %get3A_159 = tpu.vector_load %arg23[%get3A_157, %get3A_158] {strides = array<i32>} : memref<128x64xf32, #tpu.memory_space<vmem>>, vector<1x16xf32>,
        %get3A_160 = vector.shape_cast %get3A_159 : vector<1x16xf32> to vector<16xf32>
        %mul3A_161 = arith.mulf %get3A_160, %broadcast_in_dim3A_147 : vector<16xf32>
        %swap3A_162 = arith.index_cast %scan3A_141 : i32 to index
        %swap3A_163 = arith.constant 16 : index
        %swap3A_164 = tpu.vector_load %arg23[%swap3A_162, %swap3A_163] {strides = array<i32>} : memref<128x64xf32, #tpu.memory_space<vmem>>, vector<1x16xf32>,
        %swap3A_165 = vector.shape_cast %swap3A_164 : vector<1x16xf32> to vector<16xf32>
        %swap3A_166 = vector.shape_cast %mul3A_161 : vector<16xf32> to vector<1x16xf32>
        tpu.vector_store %arg23[%swap3A_162, %swap3A_163], %swap3A_166 {strides = array<i32>} : memref<128x64xf32, #tpu.memory_space<vmem>>, vector<1x16xf32>,
        %slice3A_167 = vector.extract_strided_slice %get3A_146 {offsets = [5], sizes = [1], strides = [1]} : vector<16xf32> to vector<1xf32>
        %squeeze3A_168 = vector.extract %slice3A_167[0] : f32 from vector<1xf32>
        %broadcast_in_dim3A_169 = vector.broadcast %squeeze3A_168 : f32 to vector<16xf32>
        %get3A_170 = arith.index_cast %scan3A_141 : i32 to index
        %get3A_171 = arith.constant 32 : index
        %get3A_172 = tpu.vector_load %arg23[%get3A_170, %get3A_171] {strides = array<i32>} : memref<128x64xf32, #tpu.memory_space<vmem>>, vector<1x16xf32>,
        %get3A_173 = vector.shape_cast %get3A_172 : vector<1x16xf32> to vector<16xf32>
        %mul3A_174 = arith.mulf %get3A_173, %broadcast_in_dim3A_169 : vector<16xf32>
        %swap3A_175 = arith.index_cast %scan3A_141 : i32 to index
        %swap3A_176 = arith.constant 32 : index
        %swap3A_177 = tpu.vector_load %arg23[%swap3A_175, %swap3A_176] {strides = array<i32>} : memref<128x64xf32, #tpu.memory_space<vmem>>, vector<1x16xf32>,
        %swap3A_178 = vector.shape_cast %swap3A_177 : vector<1x16xf32> to vector<16xf32>
        %swap3A_179 = vector.shape_cast %mul3A_174 : vector<16xf32> to vector<1x16xf32>
        tpu.vector_store %arg23[%swap3A_175, %swap3A_176], %swap3A_179 {strides = array<i32>} : memref<128x64xf32, #tpu.memory_space<vmem>>, vector<1x16xf32>,
        %get3A_180 = arith.index_cast %scan3A_141 : i32 to index
        %get3A_181 = arith.constant 48 : index
        %get3A_182 = tpu.vector_load %arg23[%get3A_180, %get3A_181] {strides = array<i32>} : memref<128x64xf32, #tpu.memory_space<vmem>>, vector<1x16xf32>,
        %get3A_183 = vector.shape_cast %get3A_182 : vector<1x16xf32> to vector<16xf32>
        %mul3A_184 = arith.mulf %get3A_183, %broadcast_in_dim3A_169 : vector<16xf32>
        %swap3A_185 = arith.index_cast %scan3A_141 : i32 to index
        %swap3A_186 = arith.constant 48 : index
        %swap3A_187 = tpu.vector_load %arg23[%swap3A_185, %swap3A_186] {strides = array<i32>} : memref<128x64xf32, #tpu.memory_space<vmem>>, vector<1x16xf32>,
        %swap3A_188 = vector.shape_cast %swap3A_187 : vector<1x16xf32> to vector<16xf32>
        %swap3A_189 = vector.shape_cast %mul3A_184 : vector<16xf32> to vector<1x16xf32>
        tpu.vector_store %arg23[%swap3A_185, %swap3A_186], %swap3A_189 {strides = array<i32>} : memref<128x64xf32, #tpu.memory_space<vmem>>, vector<1x16xf32>,
        %scan3A_190 = arith.constant 0 : i32
        scf.yield %scan3A_190 : i32
      }
      %scan3A_133 = arith.constant 128 : i32
      %dma_start3A_134 = arith.constant 0 : i32
      %dma_start3A_135 = tpu.memref_slice %arg17[%scan3A_105, %dma_start3A_134] : memref<81x128xi32, #tpu.memory_space<vmem>> -> memref<1x128xi32, #tpu.memory_space<vmem>>
      %dma_start3A_136 = tpu.memref_squeeze %dma_start3A_135 : memref<1x128xi32, #tpu.memory_space<vmem>> -> memref<128xi32, #tpu.memory_space<vmem>>
      %dma_start3A_137 = arith.constant 0 : i32
      %dma_start3A_138 = arith.constant 0 : i32
      %dma_start3A_139 = tpu.memref_slice %arg28[%dma_start3A_137, %dma_start3A_138] : memref<10112x64xf32, #tpu.memory_space<vmem_shared>> -> memref<10112x64xf32, #tpu.memory_space<vmem_shared>>
      tpu.enqueue_indirect_dma source(%arg23 : memref<128x64xf32, #tpu.memory_space<vmem>>) target(%dma_start3A_139 : memref<10112x64xf32, #tpu.memory_space<vmem_shared>>) offsets(%dma_start3A_136 : memref<128xi32, #tpu.memory_space<vmem>>) semaphore(%arg33 : memref<!tpu.dma_semaphore, #tpu.memory_space<semaphore_mem>>) {add = true}
      %scan3A_140 = arith.constant 0 : i32
      scf.yield %scan3A_140 : i32
    }
    %scan3A_70 = arith.constant 81 : i32
    %dma_wait3A_71 = arith.constant 80 : i32
    %dma_wait3A_72 = arith.constant 0 : i32
    %dma_wait3A_73 = tpu.memref_slice %arg17[%dma_wait3A_71, %dma_wait3A_72] : memref<81x128xi32, #tpu.memory_space<vmem>> -> memref<1x128xi32, #tpu.memory_space<vmem>>
    %dma_wait3A_74 = tpu.memref_squeeze %dma_wait3A_73 : memref<1x128xi32, #tpu.memory_space<vmem>> -> memref<128xi32, #tpu.memory_space<vmem>>
    %dma_wait3A_75 = arith.constant 0 : i32
    %dma_wait3A_76 = arith.constant 0 : i32
    %dma_wait3A_77 = tpu.memref_slice %arg28[%dma_wait3A_75, %dma_wait3A_76] : memref<10112x64xf32, #tpu.memory_space<vmem_shared>> -> memref<10112x64xf32, #tpu.memory_space<vmem_shared>>
    tpu.wait_indirect_dma semaphore(%arg33 : memref<!tpu.dma_semaphore, #tpu.memory_space<semaphore_mem>>) src(%arg23 : memref<128x64xf32, #tpu.memory_space<vmem>>) dst(%dma_wait3A_77 : memref<10112x64xf32, #tpu.memory_space<vmem_shared>>)
    %barrier3A_78 = arith.constant 0 : index
    tpu.barrier barrier_id(%barrier3A_78)
    "tpu.region"() ({
      %run_scoped3A_105 = tpu.sem_alloc : memref<!tpu.dma_semaphore, #tpu.memory_space<semaphore_mem>>
      %dma_start3A = arith.constant 0 : i32
      %dma_start3A_106 = tpu.memref_slice %arg13[%arg0, %mul3A_18, %dma_start3A] : memref<2x10112x64xf32, #tpu.memory_space<hbm>> -> memref<1x312x64xf32, #tpu.memory_space<hbm>>
      %dma_start3A_107 = tpu.memref_squeeze %dma_start3A_106 : memref<1x312x64xf32, #tpu.memory_space<hbm>> -> memref<312x64xf32, #tpu.memory_space<hbm>>
      %dma_start3A_108 = arith.constant 0 : i32
      %dma_start3A_109 = tpu.memref_slice %arg28[%mul3A_18, %dma_start3A_108] : memref<10112x64xf32, #tpu.memory_space<vmem_shared>> -> memref<312x64xf32, #tpu.memory_space<vmem_shared>>
      tpu.enqueue_dma source(%dma_start3A_109 : memref<312x64xf32, #tpu.memory_space<vmem_shared>>) target(%dma_start3A_107 : memref<312x64xf32, #tpu.memory_space<hbm>>) target_semaphore(%run_scoped3A_105 : memref<!tpu.dma_semaphore, #tpu.memory_space<semaphore_mem>>)
      %dma_wait3A_110 = arith.constant 0 : i32
      %dma_wait3A_111 = tpu.memref_slice %arg13[%arg0, %mul3A_18, %dma_wait3A_110] : memref<2x10112x64xf32, #tpu.memory_space<hbm>> -> memref<1x312x64xf32, #tpu.memory_space<hbm>>
      %dma_wait3A_112 = tpu.memref_squeeze %dma_wait3A_111 : memref<1x312x64xf32, #tpu.memory_space<hbm>> -> memref<312x64xf32, #tpu.memory_space<hbm>>
      %dma_wait3A_113 = arith.constant 0 : i32
      %dma_wait3A_114 = tpu.memref_slice %arg28[%mul3A_18, %dma_wait3A_113] : memref<10112x64xf32, #tpu.memory_space<vmem_shared>> -> memref<312x64xf32, #tpu.memory_space<vmem_shared>>
      tpu.wait_dma2 semaphore(%run_scoped3A_105 : memref<!tpu.dma_semaphore, #tpu.memory_space<semaphore_mem>>) src(%dma_wait3A_114 : memref<312x64xf32, #tpu.memory_space<vmem_shared>>) dst(%dma_wait3A_112 : memref<312x64xf32, #tpu.memory_space<hbm>>)
      tpu.yield
    }) : () -> ()
    %add3A_79 = arith.constant 312 : i32
    %add3A_80 = arith.addi %mul3A_18, %add3A_79 : i32
    %add3A_81 = arith.constant 312 : i32
    %add3A_82 = arith.addi %mul3A_18, %add3A_81 : i32
    "tpu.region"() ({
      %run_scoped3A_105 = tpu.sem_alloc : memref<!tpu.dma_semaphore, #tpu.memory_space<semaphore_mem>>
      %dma_start3A = arith.constant 0 : i32
      %dma_start3A_106 = tpu.memref_slice %arg13[%arg0, %add3A_82, %dma_start3A] : memref<2x10112x64xf32, #tpu.memory_space<hbm>> -> memref<1x320x64xf32, #tpu.memory_space<hbm>>
      %dma_start3A_107 = tpu.memref_squeeze %dma_start3A_106 : memref<1x320x64xf32, #tpu.memory_space<hbm>> -> memref<320x64xf32, #tpu.memory_space<hbm>>
      %dma_start3A_108 = arith.constant 0 : i32
      %dma_start3A_109 = tpu.memref_slice %arg28[%add3A_80, %dma_start3A_108] : memref<10112x64xf32, #tpu.memory_space<vmem_shared>> -> memref<320x64xf32, #tpu.memory_space<vmem_shared>>
      tpu.enqueue_dma source(%dma_start3A_109 : memref<320x64xf32, #tpu.memory_space<vmem_shared>>) target(%dma_start3A_107 : memref<320x64xf32, #tpu.memory_space<hbm>>) target_semaphore(%run_scoped3A_105 : memref<!tpu.dma_semaphore, #tpu.memory_space<semaphore_mem>>)
      %dma_wait3A_110 = arith.constant 0 : i32
      %dma_wait3A_111 = tpu.memref_slice %arg13[%arg0, %add3A_82, %dma_wait3A_110] : memref<2x10112x64xf32, #tpu.memory_space<hbm>> -> memref<1x320x64xf32, #tpu.memory_space<hbm>>
      %dma_wait3A_112 = tpu.memref_squeeze %dma_wait3A_111 : memref<1x320x64xf32, #tpu.memory_space<hbm>> -> memref<320x64xf32, #tpu.memory_space<hbm>>
      %dma_wait3A_113 = arith.constant 0 : i32
      %dma_wait3A_114 = tpu.memref_slice %arg28[%add3A_80, %dma_wait3A_113] : memref<10112x64xf32, #tpu.memory_space<vmem_shared>> -> memref<320x64xf32, #tpu.memory_space<vmem_shared>>
      tpu.wait_dma2 semaphore(%run_scoped3A_105 : memref<!tpu.dma_semaphore, #tpu.memory_space<semaphore_mem>>) src(%dma_wait3A_114 : memref<320x64xf32, #tpu.memory_space<vmem_shared>>) dst(%dma_wait3A_112 : memref<320x64xf32, #tpu.memory_space<hbm>>)
      tpu.yield
    }) : () -> ()
    "tpu.region"() ({
      %run_scoped3A_105 = tpu.sem_alloc : memref<!tpu.dma_semaphore, #tpu.memory_space<semaphore_mem>>
      %dma_start3A = arith.constant 0 : i32
      %dma_start3A_106 = arith.constant 0 : i32
      %dma_start3A_107 = tpu.memref_slice %arg26[%dma_start3A, %dma_start3A_106] : memref<320x64xf32, #tpu.memory_space<vmem>> -> memref<312x64xf32, #tpu.memory_space<vmem>>
      %dma_start3A_108 = arith.constant 0 : i32
      %dma_start3A_109 = tpu.memref_slice %arg28[%mul3A_18, %dma_start3A_108] : memref<10112x64xf32, #tpu.memory_space<vmem_shared>> -> memref<312x64xf32, #tpu.memory_space<vmem_shared>>
      %dma_start3A_110 = arith.constant 0 : i32
      %dma_start3A_111 = tpu.memref_slice %arg28[%mul3A_18, %dma_start3A_110] : memref<10112x64xf32, #tpu.memory_space<vmem_shared>> -> memref<312x64xf32, #tpu.memory_space<vmem_shared>>
      %dma_start3A_112 = arith.constant 0 : i32
      %dma_start3A_113 = arith.constant 0 : i32
      %dma_start3A_114 = tpu.memref_slice %arg26[%dma_start3A_112, %dma_start3A_113] : memref<320x64xf32, #tpu.memory_space<vmem>> -> memref<312x64xf32, #tpu.memory_space<vmem>>
      tpu.enqueue_dma source(%dma_start3A_114 : memref<312x64xf32, #tpu.memory_space<vmem>>) target(%dma_start3A_111 : memref<312x64xf32, #tpu.memory_space<vmem_shared>>) target_semaphore(%run_scoped3A_105 : memref<!tpu.dma_semaphore, #tpu.memory_space<semaphore_mem>>)
      %dma_wait3A_115 = arith.constant 0 : i32
      %dma_wait3A_116 = arith.constant 0 : i32
      %dma_wait3A_117 = tpu.memref_slice %arg26[%dma_wait3A_115, %dma_wait3A_116] : memref<320x64xf32, #tpu.memory_space<vmem>> -> memref<312x64xf32, #tpu.memory_space<vmem>>
      %dma_wait3A_118 = arith.constant 0 : i32
      %dma_wait3A_119 = tpu.memref_slice %arg28[%mul3A_18, %dma_wait3A_118] : memref<10112x64xf32, #tpu.memory_space<vmem_shared>> -> memref<312x64xf32, #tpu.memory_space<vmem_shared>>
      %dma_wait3A_120 = arith.constant 0 : i32
      %dma_wait3A_121 = tpu.memref_slice %arg28[%mul3A_18, %dma_wait3A_120] : memref<10112x64xf32, #tpu.memory_space<vmem_shared>> -> memref<312x64xf32, #tpu.memory_space<vmem_shared>>
      %dma_wait3A_122 = arith.constant 0 : i32
      %dma_wait3A_123 = arith.constant 0 : i32
      %dma_wait3A_124 = tpu.memref_slice %arg26[%dma_wait3A_122, %dma_wait3A_123] : memref<320x64xf32, #tpu.memory_space<vmem>> -> memref<312x64xf32, #tpu.memory_space<vmem>>
      tpu.wait_dma2 semaphore(%run_scoped3A_105 : memref<!tpu.dma_semaphore, #tpu.memory_space<semaphore_mem>>) src(%dma_wait3A_124 : memref<312x64xf32, #tpu.memory_space<vmem>>) dst(%dma_wait3A_121 : memref<312x64xf32, #tpu.memory_space<vmem_shared>>)
      tpu.yield
    }) : () -> ()
    %add3A_83 = arith.constant 312 : i32
    %add3A_84 = arith.addi %mul3A_18, %add3A_83 : i32
    "tpu.region"() ({
      %run_scoped3A_105 = tpu.sem_alloc : memref<!tpu.dma_semaphore, #tpu.memory_space<semaphore_mem>>
      %dma_start3A = arith.constant 0 : i32
      %dma_start3A_106 = tpu.memref_slice %arg28[%add3A_84, %dma_start3A] : memref<10112x64xf32, #tpu.memory_space<vmem_shared>> -> memref<320x64xf32, #tpu.memory_space<vmem_shared>>
      %dma_start3A_107 = arith.constant 0 : i32
      %dma_start3A_108 = tpu.memref_slice %arg28[%add3A_84, %dma_start3A_107] : memref<10112x64xf32, #tpu.memory_space<vmem_shared>> -> memref<320x64xf32, #tpu.memory_space<vmem_shared>>
      tpu.enqueue_dma source(%arg26 : memref<320x64xf32, #tpu.memory_space<vmem>>) target(%dma_start3A_108 : memref<320x64xf32, #tpu.memory_space<vmem_shared>>) target_semaphore(%run_scoped3A_105 : memref<!tpu.dma_semaphore, #tpu.memory_space<semaphore_mem>>)
      %dma_wait3A_109 = arith.constant 0 : i32
      %dma_wait3A_110 = tpu.memref_slice %arg28[%add3A_84, %dma_wait3A_109] : memref<10112x64xf32, #tpu.memory_space<vmem_shared>> -> memref<320x64xf32, #tpu.memory_space<vmem_shared>>
      %dma_wait3A_111 = arith.constant 0 : i32
      %dma_wait3A_112 = tpu.memref_slice %arg28[%add3A_84, %dma_wait3A_111] : memref<10112x64xf32, #tpu.memory_space<vmem_shared>> -> memref<320x64xf32, #tpu.memory_space<vmem_shared>>
      tpu.wait_dma2 semaphore(%run_scoped3A_105 : memref<!tpu.dma_semaphore, #tpu.memory_space<semaphore_mem>>) src(%arg26 : memref<320x64xf32, #tpu.memory_space<vmem>>) dst(%dma_wait3A_112 : memref<320x64xf32, #tpu.memory_space<vmem_shared>>)
      tpu.yield
    }) : () -> ()
    %barrier3A_85 = arith.constant 0 : index
    tpu.barrier barrier_id(%barrier3A_85)
    %scan3A_86 = arith.constant 0 : i32
    %scan3A_87 = arith.constant 0 : i32
    %scan3A_88 = arith.constant 81 : i32
    %scan3A_89 = arith.addi %scan3A_87, %scan3A_88 : i32
    %scan3A_90 = arith.constant 1 : i32
    %scan3A_91 = scf.for %scan3A_105 = %scan3A_87 to %scan3A_89 step %scan3A_90 iter_args(%scan3A_106 = %scan3A_86) -> (i32)  : i32 {
      %gt3A = arith.constant 0 : i32
      %gt3A_107 = arith.cmpi sgt, %scan3A_105, %gt3A : i32
      %convert_element_type3A = arith.extui %gt3A_107 : i1 to i32
      %cond3A = arith.constant 0 : i32
      %cond3A_108 = arith.cmpi ne, %convert_element_type3A, %cond3A : i32
      scf.if %cond3A_108 {
        %sub3A = arith.constant 1 : i32
        %sub3A_141 = arith.subi %scan3A_105, %sub3A : i32
        %dma_wait3A_142 = arith.constant 0 : i32
        %dma_wait3A_143 = tpu.memref_slice %arg17[%sub3A_141, %dma_wait3A_142] : memref<81x128xi32, #tpu.memory_space<vmem>> -> memref<1x128xi32, #tpu.memory_space<vmem>>
        %dma_wait3A_144 = tpu.memref_squeeze %dma_wait3A_143 : memref<1x128xi32, #tpu.memory_space<vmem>> -> memref<128xi32, #tpu.memory_space<vmem>>
        %dma_wait3A_145 = arith.constant 0 : i32
        %dma_wait3A_146 = arith.constant 0 : i32
        %dma_wait3A_147 = tpu.memref_slice %arg28[%dma_wait3A_145, %dma_wait3A_146] : memref<10112x64xf32, #tpu.memory_space<vmem_shared>> -> memref<10112x64xf32, #tpu.memory_space<vmem_shared>>
        tpu.wait_indirect_dma semaphore(%arg33 : memref<!tpu.dma_semaphore, #tpu.memory_space<semaphore_mem>>) src(%arg23 : memref<128x64xf32, #tpu.memory_space<vmem>>) dst(%dma_wait3A_147 : memref<10112x64xf32, #tpu.memory_space<vmem_shared>>)
      } else {
      }
      %dma_start3A = arith.constant 0 : i32
      %dma_start3A_109 = tpu.memref_slice %arg16[%scan3A_105, %dma_start3A] : memref<81x128xi32, #tpu.memory_space<vmem>> -> memref<1x128xi32, #tpu.memory_space<vmem>>
      %dma_start3A_110 = tpu.memref_squeeze %dma_start3A_109 : memref<1x128xi32, #tpu.memory_space<vmem>> -> memref<128xi32, #tpu.memory_space<vmem>>
      %dma_start3A_111 = arith.constant 0 : i32
      %dma_start3A_112 = arith.constant 0 : i32
      %dma_start3A_113 = tpu.memref_slice %arg9[%dma_start3A_111, %dma_start3A_112] : memref<10112x64xf32, #tpu.memory_space<hbm>> -> memref<10112x64xf32, #tpu.memory_space<hbm>>
      tpu.enqueue_indirect_dma source(%dma_start3A_113 : memref<10112x64xf32, #tpu.memory_space<hbm>>) target(%arg23 : memref<128x64xf32, #tpu.memory_space<vmem>>) offsets(%dma_start3A_110 : memref<128xi32, #tpu.memory_space<vmem>>) semaphore(%arg32 : memref<!tpu.dma_semaphore, #tpu.memory_space<semaphore_mem>>)
      "tpu.region"() ({
        %run_scoped3A_141 = tpu.sem_alloc : memref<!tpu.dma_semaphore, #tpu.memory_space<semaphore_mem>>
        %dma_start3A_142 = arith.constant 0 : i32
        %dma_start3A_143 = tpu.memref_slice %arg16[%scan3A_105, %dma_start3A_142] : memref<81x128xi32, #tpu.memory_space<vmem>> -> memref<1x128xi32, #tpu.memory_space<vmem>>
        %dma_start3A_144 = tpu.memref_squeeze %dma_start3A_143 : memref<1x128xi32, #tpu.memory_space<vmem>> -> memref<128xi32, #tpu.memory_space<vmem>>
        %dma_start3A_145 = arith.constant 0 : i32
        %dma_start3A_146 = arith.constant 0 : i32
        %dma_start3A_147 = tpu.memref_slice %arg4[%dma_start3A_145, %dma_start3A_146] : memref<10112x16xf32, #tpu.memory_space<hbm>> -> memref<10112x16xf32, #tpu.memory_space<hbm>>
        tpu.enqueue_indirect_dma source(%dma_start3A_147 : memref<10112x16xf32, #tpu.memory_space<hbm>>) target(%arg18 : memref<128x16xf32, #tpu.memory_space<vmem>>) offsets(%dma_start3A_144 : memref<128xi32, #tpu.memory_space<vmem>>) semaphore(%run_scoped3A_141 : memref<!tpu.dma_semaphore, #tpu.memory_space<semaphore_mem>>)
        %dma_wait3A_148 = arith.constant 0 : i32
        %dma_wait3A_149 = tpu.memref_slice %arg16[%scan3A_105, %dma_wait3A_148] : memref<81x128xi32, #tpu.memory_space<vmem>> -> memref<1x128xi32, #tpu.memory_space<vmem>>
        %dma_wait3A_150 = tpu.memref_squeeze %dma_wait3A_149 : memref<1x128xi32, #tpu.memory_space<vmem>> -> memref<128xi32, #tpu.memory_space<vmem>>
        %dma_wait3A_151 = arith.constant 0 : i32
        %dma_wait3A_152 = arith.constant 0 : i32
        %dma_wait3A_153 = tpu.memref_slice %arg4[%dma_wait3A_151, %dma_wait3A_152] : memref<10112x16xf32, #tpu.memory_space<hbm>> -> memref<10112x16xf32, #tpu.memory_space<hbm>>
        tpu.wait_indirect_dma semaphore(%run_scoped3A_141 : memref<!tpu.dma_semaphore, #tpu.memory_space<semaphore_mem>>) src(%dma_wait3A_153 : memref<10112x16xf32, #tpu.memory_space<hbm>>) dst(%arg18 : memref<128x16xf32, #tpu.memory_space<vmem>>)
        tpu.yield
      }) : () -> ()
      "tpu.region"() ({
        %run_scoped3A_141 = tpu.sem_alloc : memref<!tpu.dma_semaphore, #tpu.memory_space<semaphore_mem>>
        %dma_start3A_142 = arith.constant 0 : i32
        %dma_start3A_143 = tpu.memref_slice %arg17[%scan3A_105, %dma_start3A_142] : memref<81x128xi32, #tpu.memory_space<vmem>> -> memref<1x128xi32, #tpu.memory_space<vmem>>
        %dma_start3A_144 = tpu.memref_squeeze %dma_start3A_143 : memref<1x128xi32, #tpu.memory_space<vmem>> -> memref<128xi32, #tpu.memory_space<vmem>>
        %dma_start3A_145 = arith.constant 0 : i32
        %dma_start3A_146 = arith.constant 0 : i32
        %dma_start3A_147 = tpu.memref_slice %arg5[%dma_start3A_145, %dma_start3A_146] : memref<10112x16xf32, #tpu.memory_space<hbm>> -> memref<10112x16xf32, #tpu.memory_space<hbm>>
        tpu.enqueue_indirect_dma source(%dma_start3A_147 : memref<10112x16xf32, #tpu.memory_space<hbm>>) target(%arg20 : memref<128x16xf32, #tpu.memory_space<vmem>>) offsets(%dma_start3A_144 : memref<128xi32, #tpu.memory_space<vmem>>) semaphore(%run_scoped3A_141 : memref<!tpu.dma_semaphore, #tpu.memory_space<semaphore_mem>>)
        %dma_wait3A_148 = arith.constant 0 : i32
        %dma_wait3A_149 = tpu.memref_slice %arg17[%scan3A_105, %dma_wait3A_148] : memref<81x128xi32, #tpu.memory_space<vmem>> -> memref<1x128xi32, #tpu.memory_space<vmem>>
        %dma_wait3A_150 = tpu.memref_squeeze %dma_wait3A_149 : memref<1x128xi32, #tpu.memory_space<vmem>> -> memref<128xi32, #tpu.memory_space<vmem>>
        %dma_wait3A_151 = arith.constant 0 : i32
        %dma_wait3A_152 = arith.constant 0 : i32
        %dma_wait3A_153 = tpu.memref_slice %arg5[%dma_wait3A_151, %dma_wait3A_152] : memref<10112x16xf32, #tpu.memory_space<hbm>> -> memref<10112x16xf32, #tpu.memory_space<hbm>>
        tpu.wait_indirect_dma semaphore(%run_scoped3A_141 : memref<!tpu.dma_semaphore, #tpu.memory_space<semaphore_mem>>) src(%dma_wait3A_153 : memref<10112x16xf32, #tpu.memory_space<hbm>>) dst(%arg20 : memref<128x16xf32, #tpu.memory_space<vmem>>)
        tpu.yield
      }) : () -> ()
      %scan3A_114 = arith.constant 0 : i32
      %scan3A_115 = arith.constant 0 : i32
      %scan3A_116 = arith.constant 128 : i32
      %scan3A_117 = arith.addi %scan3A_115, %scan3A_116 : i32
      %scan3A_118 = arith.constant 1 : i32
      %scan3A_119 = scf.for %scan3A_141 = %scan3A_115 to %scan3A_117 step %scan3A_118 iter_args(%scan3A_142 = %scan3A_114) -> (i32)  : i32 {
        %get3A_143 = arith.index_cast %scan3A_141 : i32 to index
        %get3A_144 = arith.constant 0 : index
        %get3A_145 = tpu.vector_load %arg18[%get3A_143, %get3A_144] {strides = array<i32>} : memref<128x16xf32, #tpu.memory_space<vmem>>, vector<1x16xf32>,
        %get3A_146 = vector.shape_cast %get3A_145 : vector<1x16xf32> to vector<16xf32>
        %get3A_147 = arith.index_cast %scan3A_141 : i32 to index
        %get3A_148 = arith.constant 0 : index
        %get3A_149 = tpu.vector_load %arg20[%get3A_147, %get3A_148] {strides = array<i32>} : memref<128x16xf32, #tpu.memory_space<vmem>>, vector<1x16xf32>,
        %get3A_150 = vector.shape_cast %get3A_149 : vector<1x16xf32> to vector<16xf32>
        %add3A_151 = arith.addf %get3A_146, %get3A_150 : vector<16xf32>
        %ge3A = arith.constant 0.000000e+00 : f32
        %ge3A_152 = vector.broadcast %ge3A : f32 to vector<16xf32>
        %ge3A_153 = arith.cmpf oge, %add3A_151, %ge3A_152 : vector<16xf32>
        %mul3A_154 = arith.constant 2.000000e-01 : f32
        %mul3A_155 = vector.broadcast %mul3A_154 : f32 to vector<16xf32>
        %mul3A_156 = arith.mulf %mul3A_155, %add3A_151 : vector<16xf32>
        %select_n3A = arith.select %ge3A_153, %add3A_151, %mul3A_156 : vector<16xi1>, vector<16xf32>
        %sub3A = arith.subf %select_n3A, %get3A_2 : vector<16xf32>
        %exp3A = math.exp %sub3A : vector<16xf32>
        %swap3A = arith.index_cast %scan3A_141 : i32 to index
        %swap3A_157 = arith.constant 0 : index
        %swap3A_158 = tpu.vector_load %arg22[%swap3A, %swap3A_157] {strides = array<i32>} : memref<128x16xf32, #tpu.memory_space<vmem>>, vector<1x16xf32>,
        %swap3A_159 = vector.shape_cast %swap3A_158 : vector<1x16xf32> to vector<16xf32>
        %swap3A_160 = vector.shape_cast %exp3A : vector<16xf32> to vector<1x16xf32>
        tpu.vector_store %arg22[%swap3A, %swap3A_157], %swap3A_160 {strides = array<i32>} : memref<128x16xf32, #tpu.memory_space<vmem>>, vector<1x16xf32>,
        %scan3A_161 = arith.constant 0 : i32
        scf.yield %scan3A_161 : i32
      }
      %scan3A_120 = arith.constant 128 : i32
      %dma_wait3A_121 = arith.constant 0 : i32
      %dma_wait3A_122 = tpu.memref_slice %arg16[%scan3A_105, %dma_wait3A_121] : memref<81x128xi32, #tpu.memory_space<vmem>> -> memref<1x128xi32, #tpu.memory_space<vmem>>
      %dma_wait3A_123 = tpu.memref_squeeze %dma_wait3A_122 : memref<1x128xi32, #tpu.memory_space<vmem>> -> memref<128xi32, #tpu.memory_space<vmem>>
      %dma_wait3A_124 = arith.constant 0 : i32
      %dma_wait3A_125 = arith.constant 0 : i32
      %dma_wait3A_126 = tpu.memref_slice %arg9[%dma_wait3A_124, %dma_wait3A_125] : memref<10112x64xf32, #tpu.memory_space<hbm>> -> memref<10112x64xf32, #tpu.memory_space<hbm>>
      tpu.wait_indirect_dma semaphore(%arg32 : memref<!tpu.dma_semaphore, #tpu.memory_space<semaphore_mem>>) src(%dma_wait3A_126 : memref<10112x64xf32, #tpu.memory_space<hbm>>) dst(%arg23 : memref<128x64xf32, #tpu.memory_space<vmem>>)
      %scan3A_127 = arith.constant 0 : i32
      %scan3A_128 = arith.constant 0 : i32
      %scan3A_129 = arith.constant 128 : i32
      %scan3A_130 = arith.addi %scan3A_128, %scan3A_129 : i32
      %scan3A_131 = arith.constant 1 : i32
      %scan3A_132 = scf.for %scan3A_141 = %scan3A_128 to %scan3A_130 step %scan3A_131 iter_args(%scan3A_142 = %scan3A_127) -> (i32)  : i32 {
        %get3A_143 = arith.index_cast %scan3A_141 : i32 to index
        %get3A_144 = arith.constant 0 : index
        %get3A_145 = tpu.vector_load %arg22[%get3A_143, %get3A_144] {strides = array<i32>} : memref<128x16xf32, #tpu.memory_space<vmem>>, vector<1x16xf32>,
        %get3A_146 = vector.shape_cast %get3A_145 : vector<1x16xf32> to vector<16xf32>
        %slice3A = vector.extract_strided_slice %get3A_146 {offsets = [6], sizes = [1], strides = [1]} : vector<16xf32> to vector<1xf32>
        %squeeze3A = vector.extract %slice3A[0] : f32 from vector<1xf32>
        %broadcast_in_dim3A_147 = vector.broadcast %squeeze3A : f32 to vector<16xf32>
        %get3A_148 = arith.index_cast %scan3A_141 : i32 to index
        %get3A_149 = arith.constant 0 : index
        %get3A_150 = tpu.vector_load %arg23[%get3A_148, %get3A_149] {strides = array<i32>} : memref<128x64xf32, #tpu.memory_space<vmem>>, vector<1x16xf32>,
        %get3A_151 = vector.shape_cast %get3A_150 : vector<1x16xf32> to vector<16xf32>
        %mul3A_152 = arith.mulf %get3A_151, %broadcast_in_dim3A_147 : vector<16xf32>
        %swap3A = arith.index_cast %scan3A_141 : i32 to index
        %swap3A_153 = arith.constant 0 : index
        %swap3A_154 = tpu.vector_load %arg23[%swap3A, %swap3A_153] {strides = array<i32>} : memref<128x64xf32, #tpu.memory_space<vmem>>, vector<1x16xf32>,
        %swap3A_155 = vector.shape_cast %swap3A_154 : vector<1x16xf32> to vector<16xf32>
        %swap3A_156 = vector.shape_cast %mul3A_152 : vector<16xf32> to vector<1x16xf32>
        tpu.vector_store %arg23[%swap3A, %swap3A_153], %swap3A_156 {strides = array<i32>} : memref<128x64xf32, #tpu.memory_space<vmem>>, vector<1x16xf32>,
        %get3A_157 = arith.index_cast %scan3A_141 : i32 to index
        %get3A_158 = arith.constant 16 : index
        %get3A_159 = tpu.vector_load %arg23[%get3A_157, %get3A_158] {strides = array<i32>} : memref<128x64xf32, #tpu.memory_space<vmem>>, vector<1x16xf32>,
        %get3A_160 = vector.shape_cast %get3A_159 : vector<1x16xf32> to vector<16xf32>
        %mul3A_161 = arith.mulf %get3A_160, %broadcast_in_dim3A_147 : vector<16xf32>
        %swap3A_162 = arith.index_cast %scan3A_141 : i32 to index
        %swap3A_163 = arith.constant 16 : index
        %swap3A_164 = tpu.vector_load %arg23[%swap3A_162, %swap3A_163] {strides = array<i32>} : memref<128x64xf32, #tpu.memory_space<vmem>>, vector<1x16xf32>,
        %swap3A_165 = vector.shape_cast %swap3A_164 : vector<1x16xf32> to vector<16xf32>
        %swap3A_166 = vector.shape_cast %mul3A_161 : vector<16xf32> to vector<1x16xf32>
        tpu.vector_store %arg23[%swap3A_162, %swap3A_163], %swap3A_166 {strides = array<i32>} : memref<128x64xf32, #tpu.memory_space<vmem>>, vector<1x16xf32>,
        %slice3A_167 = vector.extract_strided_slice %get3A_146 {offsets = [7], sizes = [1], strides = [1]} : vector<16xf32> to vector<1xf32>
        %squeeze3A_168 = vector.extract %slice3A_167[0] : f32 from vector<1xf32>
        %broadcast_in_dim3A_169 = vector.broadcast %squeeze3A_168 : f32 to vector<16xf32>
        %get3A_170 = arith.index_cast %scan3A_141 : i32 to index
        %get3A_171 = arith.constant 32 : index
        %get3A_172 = tpu.vector_load %arg23[%get3A_170, %get3A_171] {strides = array<i32>} : memref<128x64xf32, #tpu.memory_space<vmem>>, vector<1x16xf32>,
        %get3A_173 = vector.shape_cast %get3A_172 : vector<1x16xf32> to vector<16xf32>
        %mul3A_174 = arith.mulf %get3A_173, %broadcast_in_dim3A_169 : vector<16xf32>
        %swap3A_175 = arith.index_cast %scan3A_141 : i32 to index
        %swap3A_176 = arith.constant 32 : index
        %swap3A_177 = tpu.vector_load %arg23[%swap3A_175, %swap3A_176] {strides = array<i32>} : memref<128x64xf32, #tpu.memory_space<vmem>>, vector<1x16xf32>,
        %swap3A_178 = vector.shape_cast %swap3A_177 : vector<1x16xf32> to vector<16xf32>
        %swap3A_179 = vector.shape_cast %mul3A_174 : vector<16xf32> to vector<1x16xf32>
        tpu.vector_store %arg23[%swap3A_175, %swap3A_176], %swap3A_179 {strides = array<i32>} : memref<128x64xf32, #tpu.memory_space<vmem>>, vector<1x16xf32>,
        %get3A_180 = arith.index_cast %scan3A_141 : i32 to index
        %get3A_181 = arith.constant 48 : index
        %get3A_182 = tpu.vector_load %arg23[%get3A_180, %get3A_181] {strides = array<i32>} : memref<128x64xf32, #tpu.memory_space<vmem>>, vector<1x16xf32>,
        %get3A_183 = vector.shape_cast %get3A_182 : vector<1x16xf32> to vector<16xf32>
        %mul3A_184 = arith.mulf %get3A_183, %broadcast_in_dim3A_169 : vector<16xf32>
        %swap3A_185 = arith.index_cast %scan3A_141 : i32 to index
        %swap3A_186 = arith.constant 48 : index
        %swap3A_187 = tpu.vector_load %arg23[%swap3A_185, %swap3A_186] {strides = array<i32>} : memref<128x64xf32, #tpu.memory_space<vmem>>, vector<1x16xf32>,
        %swap3A_188 = vector.shape_cast %swap3A_187 : vector<1x16xf32> to vector<16xf32>
        %swap3A_189 = vector.shape_cast %mul3A_184 : vector<16xf32> to vector<1x16xf32>
        tpu.vector_store %arg23[%swap3A_185, %swap3A_186], %swap3A_189 {strides = array<i32>} : memref<128x64xf32, #tpu.memory_space<vmem>>, vector<1x16xf32>,
        %scan3A_190 = arith.constant 0 : i32
        scf.yield %scan3A_190 : i32
      }
      %scan3A_133 = arith.constant 128 : i32
      %dma_start3A_134 = arith.constant 0 : i32
      %dma_start3A_135 = tpu.memref_slice %arg17[%scan3A_105, %dma_start3A_134] : memref<81x128xi32, #tpu.memory_space<vmem>> -> memref<1x128xi32, #tpu.memory_space<vmem>>
      %dma_start3A_136 = tpu.memref_squeeze %dma_start3A_135 : memref<1x128xi32, #tpu.memory_space<vmem>> -> memref<128xi32, #tpu.memory_space<vmem>>
      %dma_start3A_137 = arith.constant 0 : i32
      %dma_start3A_138 = arith.constant 0 : i32
      %dma_start3A_139 = tpu.memref_slice %arg28[%dma_start3A_137, %dma_start3A_138] : memref<10112x64xf32, #tpu.memory_space<vmem_shared>> -> memref<10112x64xf32, #tpu.memory_space<vmem_shared>>
      tpu.enqueue_indirect_dma source(%arg23 : memref<128x64xf32, #tpu.memory_space<vmem>>) target(%dma_start3A_139 : memref<10112x64xf32, #tpu.memory_space<vmem_shared>>) offsets(%dma_start3A_136 : memref<128xi32, #tpu.memory_space<vmem>>) semaphore(%arg33 : memref<!tpu.dma_semaphore, #tpu.memory_space<semaphore_mem>>) {add = true}
      %scan3A_140 = arith.constant 0 : i32
      scf.yield %scan3A_140 : i32
    }
    %scan3A_92 = arith.constant 81 : i32
    %dma_wait3A_93 = arith.constant 80 : i32
    %dma_wait3A_94 = arith.constant 0 : i32
    %dma_wait3A_95 = tpu.memref_slice %arg17[%dma_wait3A_93, %dma_wait3A_94] : memref<81x128xi32, #tpu.memory_space<vmem>> -> memref<1x128xi32, #tpu.memory_space<vmem>>
    %dma_wait3A_96 = tpu.memref_squeeze %dma_wait3A_95 : memref<1x128xi32, #tpu.memory_space<vmem>> -> memref<128xi32, #tpu.memory_space<vmem>>
    %dma_wait3A_97 = arith.constant 0 : i32
    %dma_wait3A_98 = arith.constant 0 : i32
    %dma_wait3A_99 = tpu.memref_slice %arg28[%dma_wait3A_97, %dma_wait3A_98] : memref<10112x64xf32, #tpu.memory_space<vmem_shared>> -> memref<10112x64xf32, #tpu.memory_space<vmem_shared>>
    tpu.wait_indirect_dma semaphore(%arg33 : memref<!tpu.dma_semaphore, #tpu.memory_space<semaphore_mem>>) src(%arg23 : memref<128x64xf32, #tpu.memory_space<vmem>>) dst(%dma_wait3A_99 : memref<10112x64xf32, #tpu.memory_space<vmem_shared>>)
    %barrier3A_100 = arith.constant 0 : index
    tpu.barrier barrier_id(%barrier3A_100)
    "tpu.region"() ({
      %run_scoped3A_105 = tpu.sem_alloc : memref<!tpu.dma_semaphore, #tpu.memory_space<semaphore_mem>>
      %dma_start3A = arith.constant 0 : i32
      %dma_start3A_106 = tpu.memref_slice %arg14[%arg0, %mul3A_18, %dma_start3A] : memref<2x10112x64xf32, #tpu.memory_space<hbm>> -> memref<1x312x64xf32, #tpu.memory_space<hbm>>
      %dma_start3A_107 = tpu.memref_squeeze %dma_start3A_106 : memref<1x312x64xf32, #tpu.memory_space<hbm>> -> memref<312x64xf32, #tpu.memory_space<hbm>>
      %dma_start3A_108 = arith.constant 0 : i32
      %dma_start3A_109 = tpu.memref_slice %arg28[%mul3A_18, %dma_start3A_108] : memref<10112x64xf32, #tpu.memory_space<vmem_shared>> -> memref<312x64xf32, #tpu.memory_space<vmem_shared>>
      tpu.enqueue_dma source(%dma_start3A_109 : memref<312x64xf32, #tpu.memory_space<vmem_shared>>) target(%dma_start3A_107 : memref<312x64xf32, #tpu.memory_space<hbm>>) target_semaphore(%run_scoped3A_105 : memref<!tpu.dma_semaphore, #tpu.memory_space<semaphore_mem>>)
      %dma_wait3A_110 = arith.constant 0 : i32
      %dma_wait3A_111 = tpu.memref_slice %arg14[%arg0, %mul3A_18, %dma_wait3A_110] : memref<2x10112x64xf32, #tpu.memory_space<hbm>> -> memref<1x312x64xf32, #tpu.memory_space<hbm>>
      %dma_wait3A_112 = tpu.memref_squeeze %dma_wait3A_111 : memref<1x312x64xf32, #tpu.memory_space<hbm>> -> memref<312x64xf32, #tpu.memory_space<hbm>>
      %dma_wait3A_113 = arith.constant 0 : i32
      %dma_wait3A_114 = tpu.memref_slice %arg28[%mul3A_18, %dma_wait3A_113] : memref<10112x64xf32, #tpu.memory_space<vmem_shared>> -> memref<312x64xf32, #tpu.memory_space<vmem_shared>>
      tpu.wait_dma2 semaphore(%run_scoped3A_105 : memref<!tpu.dma_semaphore, #tpu.memory_space<semaphore_mem>>) src(%dma_wait3A_114 : memref<312x64xf32, #tpu.memory_space<vmem_shared>>) dst(%dma_wait3A_112 : memref<312x64xf32, #tpu.memory_space<hbm>>)
      tpu.yield
    }) : () -> ()
    %add3A_101 = arith.constant 312 : i32
    %add3A_102 = arith.addi %mul3A_18, %add3A_101 : i32
    %add3A_103 = arith.constant 312 : i32
    %add3A_104 = arith.addi %mul3A_18, %add3A_103 : i32
    "tpu.region"() ({
      %run_scoped3A_105 = tpu.sem_alloc : memref<!tpu.dma_semaphore, #tpu.memory_space<semaphore_mem>>
      %dma_start3A = arith.constant 0 : i32
      %dma_start3A_106 = tpu.memref_slice %arg14[%arg0, %add3A_104, %dma_start3A] : memref<2x10112x64xf32, #tpu.memory_space<hbm>> -> memref<1x320x64xf32, #tpu.memory_space<hbm>>
      %dma_start3A_107 = tpu.memref_squeeze %dma_start3A_106 : memref<1x320x64xf32, #tpu.memory_space<hbm>> -> memref<320x64xf32, #tpu.memory_space<hbm>>
      %dma_start3A_108 = arith.constant 0 : i32
      %dma_start3A_109 = tpu.memref_slice %arg28[%add3A_102, %dma_start3A_108] : memref<10112x64xf32, #tpu.memory_space<vmem_shared>> -> memref<320x64xf32, #tpu.memory_space<vmem_shared>>
      tpu.enqueue_dma source(%dma_start3A_109 : memref<320x64xf32, #tpu.memory_space<vmem_shared>>) target(%dma_start3A_107 : memref<320x64xf32, #tpu.memory_space<hbm>>) target_semaphore(%run_scoped3A_105 : memref<!tpu.dma_semaphore, #tpu.memory_space<semaphore_mem>>)
      %dma_wait3A_110 = arith.constant 0 : i32
      %dma_wait3A_111 = tpu.memref_slice %arg14[%arg0, %add3A_104, %dma_wait3A_110] : memref<2x10112x64xf32, #tpu.memory_space<hbm>> -> memref<1x320x64xf32, #tpu.memory_space<hbm>>
      %dma_wait3A_112 = tpu.memref_squeeze %dma_wait3A_111 : memref<1x320x64xf32, #tpu.memory_space<hbm>> -> memref<320x64xf32, #tpu.memory_space<hbm>>
      %dma_wait3A_113 = arith.constant 0 : i32
      %dma_wait3A_114 = tpu.memref_slice %arg28[%add3A_102, %dma_wait3A_113] : memref<10112x64xf32, #tpu.memory_space<vmem_shared>> -> memref<320x64xf32, #tpu.memory_space<vmem_shared>>
      tpu.wait_dma2 semaphore(%run_scoped3A_105 : memref<!tpu.dma_semaphore, #tpu.memory_space<semaphore_mem>>) src(%dma_wait3A_114 : memref<320x64xf32, #tpu.memory_space<vmem_shared>>) dst(%dma_wait3A_112 : memref<320x64xf32, #tpu.memory_space<hbm>>)
      tpu.yield
    }) : () -> ()
    return
  }
}

#map = affine_map<(d0, d1) -> (0, 0, 0)>
#map1 = affine_map<(d0, d1) -> (0, 0)>
module attributes {stable_mosaic.version = 14 : i64} {
  func.func @_sc2_body(%arg0: i32, %arg1: i32, %arg2: memref<32x81x128xi32, #tpu.memory_space<hbm>>, %arg3: memref<32x81x128xi32, #tpu.memory_space<hbm>>, %arg4: memref<10112x16xf32, #tpu.memory_space<hbm>>, %arg5: memref<10112x16xf32, #tpu.memory_space<hbm>>, %arg6: memref<10112x16xf32, #tpu.memory_space<hbm>>, %arg7: memref<1x16xf32, #tpu.memory_space<hbm>>, %arg8: memref<2x10112x16xf32, #tpu.memory_space<hbm>>, %arg9: memref<2x10112x16xf32, #tpu.memory_space<hbm>>, %arg10: memref<81x128xi32, #tpu.memory_space<vmem>>, %arg11: memref<81x128xi32, #tpu.memory_space<vmem>>, %arg12: memref<128x16xf32, #tpu.memory_space<vmem>>, %arg13: memref<128x16xf32, #tpu.memory_space<vmem>>, %arg14: memref<128x16xf32, #tpu.memory_space<vmem>>, %arg15: memref<128x16xf32, #tpu.memory_space<vmem>>, %arg16: memref<128x16xf32, #tpu.memory_space<vmem>>, %arg17: memref<128x16xf32, #tpu.memory_space<vmem>>, %arg18: memref<128x16xf32, #tpu.memory_space<vmem>>, %arg19: memref<16xf32, #tpu.memory_space<vmem>>, %arg20: memref<632x16xf32, #tpu.memory_space<vmem>>, %arg21: memref<10112x16xf32, #tpu.memory_space<vmem_shared>>, %arg22: memref<10112x16xf32, #tpu.memory_space<vmem_shared>>, %arg23: memref<!tpu.dma_semaphore, #tpu.memory_space<semaphore_mem>>, %arg24: memref<!tpu.dma_semaphore, #tpu.memory_space<semaphore_mem>>, %arg25: memref<!tpu.dma_semaphore, #tpu.memory_space<semaphore_mem>>, %arg26: memref<!tpu.dma_semaphore, #tpu.memory_space<semaphore_mem>>) attributes {dimension_semantics = [#tpu.dimension_semantics<core_parallel>, #tpu.dimension_semantics<subcore_parallel>], iteration_bounds = array<i64: 2, 16>, scalar_prefetch = 0 : i64, scratch_operands = 17 : i64, tpu.core_type = #tpu.core_type<sc_vector_subcore>, window_params = [{transform_indices = #map}, {transform_indices = #map}, {transform_indices = #map1}, {transform_indices = #map1}, {transform_indices = #map1}, {transform_indices = #map1}, {transform_indices = #map}, {transform_indices = #map}]} {
    %mul3A = arith.constant 16 : i32
    %mul3A_0 = arith.muli %arg0, %mul3A : i32
    %add3A = arith.addi %mul3A_0, %arg1 : i32
    "tpu.region"() ({
      %run_scoped3A_26 = tpu.sem_alloc : memref<!tpu.dma_semaphore, #tpu.memory_space<semaphore_mem>>
      %dma_start3A = arith.constant 0 : i32
      %dma_start3A_27 = arith.constant 0 : i32
      %dma_start3A_28 = tpu.memref_slice %arg2[%add3A, %dma_start3A, %dma_start3A_27] : memref<32x81x128xi32, #tpu.memory_space<hbm>> -> memref<1x81x128xi32, #tpu.memory_space<hbm>>
      %dma_start3A_29 = tpu.memref_squeeze %dma_start3A_28 : memref<1x81x128xi32, #tpu.memory_space<hbm>> -> memref<81x128xi32, #tpu.memory_space<hbm>>
      %dma_start3A_30 = arith.constant 0 : i32
      %dma_start3A_31 = arith.constant 0 : i32
      %dma_start3A_32 = tpu.memref_slice %arg2[%add3A, %dma_start3A_30, %dma_start3A_31] : memref<32x81x128xi32, #tpu.memory_space<hbm>> -> memref<1x81x128xi32, #tpu.memory_space<hbm>>
      %dma_start3A_33 = tpu.memref_squeeze %dma_start3A_32 : memref<1x81x128xi32, #tpu.memory_space<hbm>> -> memref<81x128xi32, #tpu.memory_space<hbm>>
      tpu.enqueue_dma source(%dma_start3A_33 : memref<81x128xi32, #tpu.memory_space<hbm>>) target(%arg10 : memref<81x128xi32, #tpu.memory_space<vmem>>) target_semaphore(%run_scoped3A_26 : memref<!tpu.dma_semaphore, #tpu.memory_space<semaphore_mem>>)
      %dma_wait3A_34 = arith.constant 0 : i32
      %dma_wait3A_35 = arith.constant 0 : i32
      %dma_wait3A_36 = tpu.memref_slice %arg2[%add3A, %dma_wait3A_34, %dma_wait3A_35] : memref<32x81x128xi32, #tpu.memory_space<hbm>> -> memref<1x81x128xi32, #tpu.memory_space<hbm>>
      %dma_wait3A_37 = tpu.memref_squeeze %dma_wait3A_36 : memref<1x81x128xi32, #tpu.memory_space<hbm>> -> memref<81x128xi32, #tpu.memory_space<hbm>>
      %dma_wait3A_38 = arith.constant 0 : i32
      %dma_wait3A_39 = arith.constant 0 : i32
      %dma_wait3A_40 = tpu.memref_slice %arg2[%add3A, %dma_wait3A_38, %dma_wait3A_39] : memref<32x81x128xi32, #tpu.memory_space<hbm>> -> memref<1x81x128xi32, #tpu.memory_space<hbm>>
      %dma_wait3A_41 = tpu.memref_squeeze %dma_wait3A_40 : memref<1x81x128xi32, #tpu.memory_space<hbm>> -> memref<81x128xi32, #tpu.memory_space<hbm>>
      tpu.wait_dma2 semaphore(%run_scoped3A_26 : memref<!tpu.dma_semaphore, #tpu.memory_space<semaphore_mem>>) src(%dma_wait3A_41 : memref<81x128xi32, #tpu.memory_space<hbm>>) dst(%arg10 : memref<81x128xi32, #tpu.memory_space<vmem>>)
      tpu.yield
    }) : () -> ()
    "tpu.region"() ({
      %run_scoped3A_26 = tpu.sem_alloc : memref<!tpu.dma_semaphore, #tpu.memory_space<semaphore_mem>>
      %dma_start3A = arith.constant 0 : i32
      %dma_start3A_27 = arith.constant 0 : i32
      %dma_start3A_28 = tpu.memref_slice %arg3[%add3A, %dma_start3A, %dma_start3A_27] : memref<32x81x128xi32, #tpu.memory_space<hbm>> -> memref<1x81x128xi32, #tpu.memory_space<hbm>>
      %dma_start3A_29 = tpu.memref_squeeze %dma_start3A_28 : memref<1x81x128xi32, #tpu.memory_space<hbm>> -> memref<81x128xi32, #tpu.memory_space<hbm>>
      %dma_start3A_30 = arith.constant 0 : i32
      %dma_start3A_31 = arith.constant 0 : i32
      %dma_start3A_32 = tpu.memref_slice %arg3[%add3A, %dma_start3A_30, %dma_start3A_31] : memref<32x81x128xi32, #tpu.memory_space<hbm>> -> memref<1x81x128xi32, #tpu.memory_space<hbm>>
      %dma_start3A_33 = tpu.memref_squeeze %dma_start3A_32 : memref<1x81x128xi32, #tpu.memory_space<hbm>> -> memref<81x128xi32, #tpu.memory_space<hbm>>
      tpu.enqueue_dma source(%dma_start3A_33 : memref<81x128xi32, #tpu.memory_space<hbm>>) target(%arg11 : memref<81x128xi32, #tpu.memory_space<vmem>>) target_semaphore(%run_scoped3A_26 : memref<!tpu.dma_semaphore, #tpu.memory_space<semaphore_mem>>)
      %dma_wait3A_34 = arith.constant 0 : i32
      %dma_wait3A_35 = arith.constant 0 : i32
      %dma_wait3A_36 = tpu.memref_slice %arg3[%add3A, %dma_wait3A_34, %dma_wait3A_35] : memref<32x81x128xi32, #tpu.memory_space<hbm>> -> memref<1x81x128xi32, #tpu.memory_space<hbm>>
      %dma_wait3A_37 = tpu.memref_squeeze %dma_wait3A_36 : memref<1x81x128xi32, #tpu.memory_space<hbm>> -> memref<81x128xi32, #tpu.memory_space<hbm>>
      %dma_wait3A_38 = arith.constant 0 : i32
      %dma_wait3A_39 = arith.constant 0 : i32
      %dma_wait3A_40 = tpu.memref_slice %arg3[%add3A, %dma_wait3A_38, %dma_wait3A_39] : memref<32x81x128xi32, #tpu.memory_space<hbm>> -> memref<1x81x128xi32, #tpu.memory_space<hbm>>
      %dma_wait3A_41 = tpu.memref_squeeze %dma_wait3A_40 : memref<1x81x128xi32, #tpu.memory_space<hbm>> -> memref<81x128xi32, #tpu.memory_space<hbm>>
      tpu.wait_dma2 semaphore(%run_scoped3A_26 : memref<!tpu.dma_semaphore, #tpu.memory_space<semaphore_mem>>) src(%dma_wait3A_41 : memref<81x128xi32, #tpu.memory_space<hbm>>) dst(%arg11 : memref<81x128xi32, #tpu.memory_space<vmem>>)
      tpu.yield
    }) : () -> ()
    %run_scoped3A = arith.constant 0 : i32
    "tpu.region"() ({
      %run_scoped3A_26 = tpu.sem_alloc : memref<!tpu.dma_semaphore, #tpu.memory_space<semaphore_mem>>
      %dma_start3A = arith.constant 0 : i32
      %dma_start3A_27 = tpu.memref_slice %arg7[%run_scoped3A, %dma_start3A] : memref<1x16xf32, #tpu.memory_space<hbm>> -> memref<1x16xf32, #tpu.memory_space<hbm>>
      %dma_start3A_28 = tpu.memref_squeeze %dma_start3A_27 : memref<1x16xf32, #tpu.memory_space<hbm>> -> memref<16xf32, #tpu.memory_space<hbm>>
      %dma_start3A_29 = arith.constant 0 : i32
      %dma_start3A_30 = tpu.memref_slice %arg7[%run_scoped3A, %dma_start3A_29] : memref<1x16xf32, #tpu.memory_space<hbm>> -> memref<1x16xf32, #tpu.memory_space<hbm>>
      %dma_start3A_31 = tpu.memref_squeeze %dma_start3A_30 : memref<1x16xf32, #tpu.memory_space<hbm>> -> memref<16xf32, #tpu.memory_space<hbm>>
      tpu.enqueue_dma source(%dma_start3A_31 : memref<16xf32, #tpu.memory_space<hbm>>) target(%arg19 : memref<16xf32, #tpu.memory_space<vmem>>) target_semaphore(%run_scoped3A_26 : memref<!tpu.dma_semaphore, #tpu.memory_space<semaphore_mem>>)
      %dma_wait3A_32 = arith.constant 0 : i32
      %dma_wait3A_33 = tpu.memref_slice %arg7[%run_scoped3A, %dma_wait3A_32] : memref<1x16xf32, #tpu.memory_space<hbm>> -> memref<1x16xf32, #tpu.memory_space<hbm>>
      %dma_wait3A_34 = tpu.memref_squeeze %dma_wait3A_33 : memref<1x16xf32, #tpu.memory_space<hbm>> -> memref<16xf32, #tpu.memory_space<hbm>>
      %dma_wait3A_35 = arith.constant 0 : i32
      %dma_wait3A_36 = tpu.memref_slice %arg7[%run_scoped3A, %dma_wait3A_35] : memref<1x16xf32, #tpu.memory_space<hbm>> -> memref<1x16xf32, #tpu.memory_space<hbm>>
      %dma_wait3A_37 = tpu.memref_squeeze %dma_wait3A_36 : memref<1x16xf32, #tpu.memory_space<hbm>> -> memref<16xf32, #tpu.memory_space<hbm>>
      tpu.wait_dma2 semaphore(%run_scoped3A_26 : memref<!tpu.dma_semaphore, #tpu.memory_space<semaphore_mem>>) src(%dma_wait3A_37 : memref<16xf32, #tpu.memory_space<hbm>>) dst(%arg19 : memref<16xf32, #tpu.memory_space<vmem>>)
      tpu.yield
    }) : () -> ()
    %get3A = arith.constant 0 : index
    %get3A_1 = tpu.vector_load %arg19[%get3A] {strides = array<i32>} : memref<16xf32, #tpu.memory_space<vmem>>, vector<16xf32>,
    %get3A_2 = vector.shape_cast %get3A_1 : vector<16xf32> to vector<16xf32>
    %broadcast_in_dim3A = arith.constant 0.000000e+00 : f32
    %broadcast_in_dim3A_3 = vector.broadcast %broadcast_in_dim3A : f32 to vector<16xf32>
    %scan3A = arith.constant 0 : i32
    %scan3A_4 = arith.constant 0 : i32
    %scan3A_5 = arith.constant 632 : i32
    %scan3A_6 = arith.addi %scan3A_4, %scan3A_5 : i32
    %scan3A_7 = arith.constant 1 : i32
    %scan3A_8 = scf.for %scan3A_26 = %scan3A_4 to %scan3A_6 step %scan3A_7 iter_args(%scan3A_27 = %scan3A) -> (i32)  : i32 {
      %swap3A = arith.index_cast %scan3A_26 : i32 to index
      %swap3A_28 = arith.constant 0 : index
      %swap3A_29 = tpu.vector_load %arg20[%swap3A, %swap3A_28] {strides = array<i32>} : memref<632x16xf32, #tpu.memory_space<vmem>>, vector<1x16xf32>,
      %swap3A_30 = vector.shape_cast %swap3A_29 : vector<1x16xf32> to vector<16xf32>
      %swap3A_31 = vector.shape_cast %broadcast_in_dim3A_3 : vector<16xf32> to vector<1x16xf32>
      tpu.vector_store %arg20[%swap3A, %swap3A_28], %swap3A_31 {strides = array<i32>} : memref<632x16xf32, #tpu.memory_space<vmem>>, vector<1x16xf32>,
      %scan3A_32 = arith.constant 0 : i32
      scf.yield %scan3A_32 : i32
    }
    %scan3A_9 = arith.constant 632 : i32
    %mul3A_10 = arith.constant 632 : i32
    %mul3A_11 = arith.muli %arg1, %mul3A_10 : i32
    "tpu.region"() ({
      %run_scoped3A_26 = tpu.sem_alloc : memref<!tpu.dma_semaphore, #tpu.memory_space<semaphore_mem>>
      %dma_start3A = arith.constant 0 : i32
      %dma_start3A_27 = tpu.memref_slice %arg21[%mul3A_11, %dma_start3A] : memref<10112x16xf32, #tpu.memory_space<vmem_shared>> -> memref<632x16xf32, #tpu.memory_space<vmem_shared>>
      %dma_start3A_28 = arith.constant 0 : i32
      %dma_start3A_29 = tpu.memref_slice %arg21[%mul3A_11, %dma_start3A_28] : memref<10112x16xf32, #tpu.memory_space<vmem_shared>> -> memref<632x16xf32, #tpu.memory_space<vmem_shared>>
      tpu.enqueue_dma source(%arg20 : memref<632x16xf32, #tpu.memory_space<vmem>>) target(%dma_start3A_29 : memref<632x16xf32, #tpu.memory_space<vmem_shared>>) target_semaphore(%run_scoped3A_26 : memref<!tpu.dma_semaphore, #tpu.memory_space<semaphore_mem>>)
      %dma_wait3A_30 = arith.constant 0 : i32
      %dma_wait3A_31 = tpu.memref_slice %arg21[%mul3A_11, %dma_wait3A_30] : memref<10112x16xf32, #tpu.memory_space<vmem_shared>> -> memref<632x16xf32, #tpu.memory_space<vmem_shared>>
      %dma_wait3A_32 = arith.constant 0 : i32
      %dma_wait3A_33 = tpu.memref_slice %arg21[%mul3A_11, %dma_wait3A_32] : memref<10112x16xf32, #tpu.memory_space<vmem_shared>> -> memref<632x16xf32, #tpu.memory_space<vmem_shared>>
      tpu.wait_dma2 semaphore(%run_scoped3A_26 : memref<!tpu.dma_semaphore, #tpu.memory_space<semaphore_mem>>) src(%arg20 : memref<632x16xf32, #tpu.memory_space<vmem>>) dst(%dma_wait3A_33 : memref<632x16xf32, #tpu.memory_space<vmem_shared>>)
      tpu.yield
    }) : () -> ()
    "tpu.region"() ({
      %run_scoped3A_26 = tpu.sem_alloc : memref<!tpu.dma_semaphore, #tpu.memory_space<semaphore_mem>>
      %dma_start3A = arith.constant 0 : i32
      %dma_start3A_27 = tpu.memref_slice %arg22[%mul3A_11, %dma_start3A] : memref<10112x16xf32, #tpu.memory_space<vmem_shared>> -> memref<632x16xf32, #tpu.memory_space<vmem_shared>>
      %dma_start3A_28 = arith.constant 0 : i32
      %dma_start3A_29 = tpu.memref_slice %arg22[%mul3A_11, %dma_start3A_28] : memref<10112x16xf32, #tpu.memory_space<vmem_shared>> -> memref<632x16xf32, #tpu.memory_space<vmem_shared>>
      tpu.enqueue_dma source(%arg20 : memref<632x16xf32, #tpu.memory_space<vmem>>) target(%dma_start3A_29 : memref<632x16xf32, #tpu.memory_space<vmem_shared>>) target_semaphore(%run_scoped3A_26 : memref<!tpu.dma_semaphore, #tpu.memory_space<semaphore_mem>>)
      %dma_wait3A_30 = arith.constant 0 : i32
      %dma_wait3A_31 = tpu.memref_slice %arg22[%mul3A_11, %dma_wait3A_30] : memref<10112x16xf32, #tpu.memory_space<vmem_shared>> -> memref<632x16xf32, #tpu.memory_space<vmem_shared>>
      %dma_wait3A_32 = arith.constant 0 : i32
      %dma_wait3A_33 = tpu.memref_slice %arg22[%mul3A_11, %dma_wait3A_32] : memref<10112x16xf32, #tpu.memory_space<vmem_shared>> -> memref<632x16xf32, #tpu.memory_space<vmem_shared>>
      tpu.wait_dma2 semaphore(%run_scoped3A_26 : memref<!tpu.dma_semaphore, #tpu.memory_space<semaphore_mem>>) src(%arg20 : memref<632x16xf32, #tpu.memory_space<vmem>>) dst(%dma_wait3A_33 : memref<632x16xf32, #tpu.memory_space<vmem_shared>>)
      tpu.yield
    }) : () -> ()
    %barrier3A = arith.constant 0 : index
    tpu.barrier barrier_id(%barrier3A)
    %scan3A_12 = arith.constant 0 : i32
    %scan3A_13 = arith.constant 0 : i32
    %scan3A_14 = arith.constant 81 : i32
    %scan3A_15 = arith.addi %scan3A_13, %scan3A_14 : i32
    %scan3A_16 = arith.constant 1 : i32
    %scan3A_17 = scf.for %scan3A_26 = %scan3A_13 to %scan3A_15 step %scan3A_16 iter_args(%scan3A_27 = %scan3A_12) -> (i32)  : i32 {
      %gt3A = arith.constant 0 : i32
      %gt3A_28 = arith.cmpi sgt, %scan3A_26, %gt3A : i32
      %convert_element_type3A = arith.extui %gt3A_28 : i1 to i32
      %cond3A = arith.constant 0 : i32
      %cond3A_29 = arith.cmpi ne, %convert_element_type3A, %cond3A : i32
      scf.if %cond3A_29 {
        %sub3A = arith.constant 1 : i32
        %sub3A_62 = arith.subi %scan3A_26, %sub3A : i32
        %dma_wait3A_63 = arith.constant 0 : i32
        %dma_wait3A_64 = tpu.memref_slice %arg11[%sub3A_62, %dma_wait3A_63] : memref<81x128xi32, #tpu.memory_space<vmem>> -> memref<1x128xi32, #tpu.memory_space<vmem>>
        %dma_wait3A_65 = tpu.memref_squeeze %dma_wait3A_64 : memref<1x128xi32, #tpu.memory_space<vmem>> -> memref<128xi32, #tpu.memory_space<vmem>>
        %dma_wait3A_66 = arith.constant 0 : i32
        %dma_wait3A_67 = arith.constant 0 : i32
        %dma_wait3A_68 = tpu.memref_slice %arg21[%dma_wait3A_66, %dma_wait3A_67] : memref<10112x16xf32, #tpu.memory_space<vmem_shared>> -> memref<10112x16xf32, #tpu.memory_space<vmem_shared>>
        tpu.wait_indirect_dma semaphore(%arg26 : memref<!tpu.dma_semaphore, #tpu.memory_space<semaphore_mem>>) src(%arg17 : memref<128x16xf32, #tpu.memory_space<vmem>>) dst(%dma_wait3A_68 : memref<10112x16xf32, #tpu.memory_space<vmem_shared>>)
      } else {
      }
      %dma_start3A = arith.constant 0 : i32
      %dma_start3A_30 = tpu.memref_slice %arg10[%scan3A_26, %dma_start3A] : memref<81x128xi32, #tpu.memory_space<vmem>> -> memref<1x128xi32, #tpu.memory_space<vmem>>
      %dma_start3A_31 = tpu.memref_squeeze %dma_start3A_30 : memref<1x128xi32, #tpu.memory_space<vmem>> -> memref<128xi32, #tpu.memory_space<vmem>>
      %dma_start3A_32 = arith.constant 0 : i32
      %dma_start3A_33 = arith.constant 0 : i32
      %dma_start3A_34 = tpu.memref_slice %arg4[%dma_start3A_32, %dma_start3A_33] : memref<10112x16xf32, #tpu.memory_space<hbm>> -> memref<10112x16xf32, #tpu.memory_space<hbm>>
      tpu.enqueue_indirect_dma source(%dma_start3A_34 : memref<10112x16xf32, #tpu.memory_space<hbm>>) target(%arg17 : memref<128x16xf32, #tpu.memory_space<vmem>>) offsets(%dma_start3A_31 : memref<128xi32, #tpu.memory_space<vmem>>) semaphore(%arg25 : memref<!tpu.dma_semaphore, #tpu.memory_space<semaphore_mem>>)
      "tpu.region"() ({
        %run_scoped3A_62 = tpu.sem_alloc : memref<!tpu.dma_semaphore, #tpu.memory_space<semaphore_mem>>
        %dma_start3A_63 = arith.constant 0 : i32
        %dma_start3A_64 = tpu.memref_slice %arg10[%scan3A_26, %dma_start3A_63] : memref<81x128xi32, #tpu.memory_space<vmem>> -> memref<1x128xi32, #tpu.memory_space<vmem>>
        %dma_start3A_65 = tpu.memref_squeeze %dma_start3A_64 : memref<1x128xi32, #tpu.memory_space<vmem>> -> memref<128xi32, #tpu.memory_space<vmem>>
        %dma_start3A_66 = arith.constant 0 : i32
        %dma_start3A_67 = arith.constant 0 : i32
        %dma_start3A_68 = tpu.memref_slice %arg5[%dma_start3A_66, %dma_start3A_67] : memref<10112x16xf32, #tpu.memory_space<hbm>> -> memref<10112x16xf32, #tpu.memory_space<hbm>>
        tpu.enqueue_indirect_dma source(%dma_start3A_68 : memref<10112x16xf32, #tpu.memory_space<hbm>>) target(%arg12 : memref<128x16xf32, #tpu.memory_space<vmem>>) offsets(%dma_start3A_65 : memref<128xi32, #tpu.memory_space<vmem>>) semaphore(%run_scoped3A_62 : memref<!tpu.dma_semaphore, #tpu.memory_space<semaphore_mem>>)
        %dma_wait3A_69 = arith.constant 0 : i32
        %dma_wait3A_70 = tpu.memref_slice %arg10[%scan3A_26, %dma_wait3A_69] : memref<81x128xi32, #tpu.memory_space<vmem>> -> memref<1x128xi32, #tpu.memory_space<vmem>>
        %dma_wait3A_71 = tpu.memref_squeeze %dma_wait3A_70 : memref<1x128xi32, #tpu.memory_space<vmem>> -> memref<128xi32, #tpu.memory_space<vmem>>
        %dma_wait3A_72 = arith.constant 0 : i32
        %dma_wait3A_73 = arith.constant 0 : i32
        %dma_wait3A_74 = tpu.memref_slice %arg5[%dma_wait3A_72, %dma_wait3A_73] : memref<10112x16xf32, #tpu.memory_space<hbm>> -> memref<10112x16xf32, #tpu.memory_space<hbm>>
        tpu.wait_indirect_dma semaphore(%run_scoped3A_62 : memref<!tpu.dma_semaphore, #tpu.memory_space<semaphore_mem>>) src(%dma_wait3A_74 : memref<10112x16xf32, #tpu.memory_space<hbm>>) dst(%arg12 : memref<128x16xf32, #tpu.memory_space<vmem>>)
        tpu.yield
      }) : () -> ()
      "tpu.region"() ({
        %run_scoped3A_62 = tpu.sem_alloc : memref<!tpu.dma_semaphore, #tpu.memory_space<semaphore_mem>>
        %dma_start3A_63 = arith.constant 0 : i32
        %dma_start3A_64 = tpu.memref_slice %arg11[%scan3A_26, %dma_start3A_63] : memref<81x128xi32, #tpu.memory_space<vmem>> -> memref<1x128xi32, #tpu.memory_space<vmem>>
        %dma_start3A_65 = tpu.memref_squeeze %dma_start3A_64 : memref<1x128xi32, #tpu.memory_space<vmem>> -> memref<128xi32, #tpu.memory_space<vmem>>
        %dma_start3A_66 = arith.constant 0 : i32
        %dma_start3A_67 = arith.constant 0 : i32
        %dma_start3A_68 = tpu.memref_slice %arg6[%dma_start3A_66, %dma_start3A_67] : memref<10112x16xf32, #tpu.memory_space<hbm>> -> memref<10112x16xf32, #tpu.memory_space<hbm>>
        tpu.enqueue_indirect_dma source(%dma_start3A_68 : memref<10112x16xf32, #tpu.memory_space<hbm>>) target(%arg14 : memref<128x16xf32, #tpu.memory_space<vmem>>) offsets(%dma_start3A_65 : memref<128xi32, #tpu.memory_space<vmem>>) semaphore(%run_scoped3A_62 : memref<!tpu.dma_semaphore, #tpu.memory_space<semaphore_mem>>)
        %dma_wait3A_69 = arith.constant 0 : i32
        %dma_wait3A_70 = tpu.memref_slice %arg11[%scan3A_26, %dma_wait3A_69] : memref<81x128xi32, #tpu.memory_space<vmem>> -> memref<1x128xi32, #tpu.memory_space<vmem>>
        %dma_wait3A_71 = tpu.memref_squeeze %dma_wait3A_70 : memref<1x128xi32, #tpu.memory_space<vmem>> -> memref<128xi32, #tpu.memory_space<vmem>>
        %dma_wait3A_72 = arith.constant 0 : i32
        %dma_wait3A_73 = arith.constant 0 : i32
        %dma_wait3A_74 = tpu.memref_slice %arg6[%dma_wait3A_72, %dma_wait3A_73] : memref<10112x16xf32, #tpu.memory_space<hbm>> -> memref<10112x16xf32, #tpu.memory_space<hbm>>
        tpu.wait_indirect_dma semaphore(%run_scoped3A_62 : memref<!tpu.dma_semaphore, #tpu.memory_space<semaphore_mem>>) src(%dma_wait3A_74 : memref<10112x16xf32, #tpu.memory_space<hbm>>) dst(%arg14 : memref<128x16xf32, #tpu.memory_space<vmem>>)
        tpu.yield
      }) : () -> ()
      %scan3A_35 = arith.constant 0 : i32
      %scan3A_36 = arith.constant 0 : i32
      %scan3A_37 = arith.constant 128 : i32
      %scan3A_38 = arith.addi %scan3A_36, %scan3A_37 : i32
      %scan3A_39 = arith.constant 1 : i32
      %scan3A_40 = scf.for %scan3A_62 = %scan3A_36 to %scan3A_38 step %scan3A_39 iter_args(%scan3A_63 = %scan3A_35) -> (i32)  : i32 {
        %get3A_64 = arith.index_cast %scan3A_62 : i32 to index
        %get3A_65 = arith.constant 0 : index
        %get3A_66 = tpu.vector_load %arg12[%get3A_64, %get3A_65] {strides = array<i32>} : memref<128x16xf32, #tpu.memory_space<vmem>>, vector<1x16xf32>,
        %get3A_67 = vector.shape_cast %get3A_66 : vector<1x16xf32> to vector<16xf32>
        %get3A_68 = arith.index_cast %scan3A_62 : i32 to index
        %get3A_69 = arith.constant 0 : index
        %get3A_70 = tpu.vector_load %arg14[%get3A_68, %get3A_69] {strides = array<i32>} : memref<128x16xf32, #tpu.memory_space<vmem>>, vector<1x16xf32>,
        %get3A_71 = vector.shape_cast %get3A_70 : vector<1x16xf32> to vector<16xf32>
        %add3A_72 = arith.addf %get3A_67, %get3A_71 : vector<16xf32>
        %ge3A = arith.constant 0.000000e+00 : f32
        %ge3A_73 = vector.broadcast %ge3A : f32 to vector<16xf32>
        %ge3A_74 = arith.cmpf oge, %add3A_72, %ge3A_73 : vector<16xf32>
        %mul3A_75 = arith.constant 2.000000e-01 : f32
        %mul3A_76 = vector.broadcast %mul3A_75 : f32 to vector<16xf32>
        %mul3A_77 = arith.mulf %mul3A_76, %add3A_72 : vector<16xf32>
        %select_n3A = arith.select %ge3A_74, %add3A_72, %mul3A_77 : vector<16xi1>, vector<16xf32>
        %sub3A = arith.subf %select_n3A, %get3A_2 : vector<16xf32>
        %exp3A = math.exp %sub3A : vector<16xf32>
        %swap3A = arith.index_cast %scan3A_62 : i32 to index
        %swap3A_78 = arith.constant 0 : index
        %swap3A_79 = tpu.vector_load %arg16[%swap3A, %swap3A_78] {strides = array<i32>} : memref<128x16xf32, #tpu.memory_space<vmem>>, vector<1x16xf32>,
        %swap3A_80 = vector.shape_cast %swap3A_79 : vector<1x16xf32> to vector<16xf32>
        %swap3A_81 = vector.shape_cast %exp3A : vector<16xf32> to vector<1x16xf32>
        tpu.vector_store %arg16[%swap3A, %swap3A_78], %swap3A_81 {strides = array<i32>} : memref<128x16xf32, #tpu.memory_space<vmem>>, vector<1x16xf32>,
        %scan3A_82 = arith.constant 0 : i32
        scf.yield %scan3A_82 : i32
      }
      %scan3A_41 = arith.constant 128 : i32
      "tpu.region"() ({
        %run_scoped3A_62 = tpu.sem_alloc : memref<!tpu.dma_semaphore, #tpu.memory_space<semaphore_mem>>
        %dma_start3A_63 = arith.constant 0 : i32
        %dma_start3A_64 = tpu.memref_slice %arg11[%scan3A_26, %dma_start3A_63] : memref<81x128xi32, #tpu.memory_space<vmem>> -> memref<1x128xi32, #tpu.memory_space<vmem>>
        %dma_start3A_65 = tpu.memref_squeeze %dma_start3A_64 : memref<1x128xi32, #tpu.memory_space<vmem>> -> memref<128xi32, #tpu.memory_space<vmem>>
        %dma_start3A_66 = arith.constant 0 : i32
        %dma_start3A_67 = arith.constant 0 : i32
        %dma_start3A_68 = tpu.memref_slice %arg22[%dma_start3A_66, %dma_start3A_67] : memref<10112x16xf32, #tpu.memory_space<vmem_shared>> -> memref<10112x16xf32, #tpu.memory_space<vmem_shared>>
        tpu.enqueue_indirect_dma source(%arg16 : memref<128x16xf32, #tpu.memory_space<vmem>>) target(%dma_start3A_68 : memref<10112x16xf32, #tpu.memory_space<vmem_shared>>) offsets(%dma_start3A_65 : memref<128xi32, #tpu.memory_space<vmem>>) semaphore(%run_scoped3A_62 : memref<!tpu.dma_semaphore, #tpu.memory_space<semaphore_mem>>) {add = true}
        %dma_wait3A_69 = arith.constant 0 : i32
        %dma_wait3A_70 = tpu.memref_slice %arg11[%scan3A_26, %dma_wait3A_69] : memref<81x128xi32, #tpu.memory_space<vmem>> -> memref<1x128xi32, #tpu.memory_space<vmem>>
        %dma_wait3A_71 = tpu.memref_squeeze %dma_wait3A_70 : memref<1x128xi32, #tpu.memory_space<vmem>> -> memref<128xi32, #tpu.memory_space<vmem>>
        %dma_wait3A_72 = arith.constant 0 : i32
        %dma_wait3A_73 = arith.constant 0 : i32
        %dma_wait3A_74 = tpu.memref_slice %arg22[%dma_wait3A_72, %dma_wait3A_73] : memref<10112x16xf32, #tpu.memory_space<vmem_shared>> -> memref<10112x16xf32, #tpu.memory_space<vmem_shared>>
        tpu.wait_indirect_dma semaphore(%run_scoped3A_62 : memref<!tpu.dma_semaphore, #tpu.memory_space<semaphore_mem>>) src(%arg16 : memref<128x16xf32, #tpu.memory_space<vmem>>) dst(%dma_wait3A_74 : memref<10112x16xf32, #tpu.memory_space<vmem_shared>>)
        tpu.yield
      }) : () -> ()
      %dma_wait3A_42 = arith.constant 0 : i32
      %dma_wait3A_43 = tpu.memref_slice %arg10[%scan3A_26, %dma_wait3A_42] : memref<81x128xi32, #tpu.memory_space<vmem>> -> memref<1x128xi32, #tpu.memory_space<vmem>>
      %dma_wait3A_44 = tpu.memref_squeeze %dma_wait3A_43 : memref<1x128xi32, #tpu.memory_space<vmem>> -> memref<128xi32, #tpu.memory_space<vmem>>
      %dma_wait3A_45 = arith.constant 0 : i32
      %dma_wait3A_46 = arith.constant 0 : i32
      %dma_wait3A_47 = tpu.memref_slice %arg4[%dma_wait3A_45, %dma_wait3A_46] : memref<10112x16xf32, #tpu.memory_space<hbm>> -> memref<10112x16xf32, #tpu.memory_space<hbm>>
      tpu.wait_indirect_dma semaphore(%arg25 : memref<!tpu.dma_semaphore, #tpu.memory_space<semaphore_mem>>) src(%dma_wait3A_47 : memref<10112x16xf32, #tpu.memory_space<hbm>>) dst(%arg17 : memref<128x16xf32, #tpu.memory_space<vmem>>)
      %scan3A_48 = arith.constant 0 : i32
      %scan3A_49 = arith.constant 0 : i32
      %scan3A_50 = arith.constant 128 : i32
      %scan3A_51 = arith.addi %scan3A_49, %scan3A_50 : i32
      %scan3A_52 = arith.constant 1 : i32
      %scan3A_53 = scf.for %scan3A_62 = %scan3A_49 to %scan3A_51 step %scan3A_52 iter_args(%scan3A_63 = %scan3A_48) -> (i32)  : i32 {
        %get3A_64 = arith.index_cast %scan3A_62 : i32 to index
        %get3A_65 = arith.constant 0 : index
        %get3A_66 = tpu.vector_load %arg17[%get3A_64, %get3A_65] {strides = array<i32>} : memref<128x16xf32, #tpu.memory_space<vmem>>, vector<1x16xf32>,
        %get3A_67 = vector.shape_cast %get3A_66 : vector<1x16xf32> to vector<16xf32>
        %get3A_68 = arith.index_cast %scan3A_62 : i32 to index
        %get3A_69 = arith.constant 0 : index
        %get3A_70 = tpu.vector_load %arg16[%get3A_68, %get3A_69] {strides = array<i32>} : memref<128x16xf32, #tpu.memory_space<vmem>>, vector<1x16xf32>,
        %get3A_71 = vector.shape_cast %get3A_70 : vector<1x16xf32> to vector<16xf32>
        %mul3A_72 = arith.mulf %get3A_67, %get3A_71 : vector<16xf32>
        %swap3A = arith.index_cast %scan3A_62 : i32 to index
        %swap3A_73 = arith.constant 0 : index
        %swap3A_74 = tpu.vector_load %arg17[%swap3A, %swap3A_73] {strides = array<i32>} : memref<128x16xf32, #tpu.memory_space<vmem>>, vector<1x16xf32>,
        %swap3A_75 = vector.shape_cast %swap3A_74 : vector<1x16xf32> to vector<16xf32>
        %swap3A_76 = vector.shape_cast %mul3A_72 : vector<16xf32> to vector<1x16xf32>
        tpu.vector_store %arg17[%swap3A, %swap3A_73], %swap3A_76 {strides = array<i32>} : memref<128x16xf32, #tpu.memory_space<vmem>>, vector<1x16xf32>,
        %scan3A_77 = arith.constant 0 : i32
        scf.yield %scan3A_77 : i32
      }
      %scan3A_54 = arith.constant 128 : i32
      %dma_start3A_55 = arith.constant 0 : i32
      %dma_start3A_56 = tpu.memref_slice %arg11[%scan3A_26, %dma_start3A_55] : memref<81x128xi32, #tpu.memory_space<vmem>> -> memref<1x128xi32, #tpu.memory_space<vmem>>
      %dma_start3A_57 = tpu.memref_squeeze %dma_start3A_56 : memref<1x128xi32, #tpu.memory_space<vmem>> -> memref<128xi32, #tpu.memory_space<vmem>>
      %dma_start3A_58 = arith.constant 0 : i32
      %dma_start3A_59 = arith.constant 0 : i32
      %dma_start3A_60 = tpu.memref_slice %arg21[%dma_start3A_58, %dma_start3A_59] : memref<10112x16xf32, #tpu.memory_space<vmem_shared>> -> memref<10112x16xf32, #tpu.memory_space<vmem_shared>>
      tpu.enqueue_indirect_dma source(%arg17 : memref<128x16xf32, #tpu.memory_space<vmem>>) target(%dma_start3A_60 : memref<10112x16xf32, #tpu.memory_space<vmem_shared>>) offsets(%dma_start3A_57 : memref<128xi32, #tpu.memory_space<vmem>>) semaphore(%arg26 : memref<!tpu.dma_semaphore, #tpu.memory_space<semaphore_mem>>) {add = true}
      %scan3A_61 = arith.constant 0 : i32
      scf.yield %scan3A_61 : i32
    }
    %scan3A_18 = arith.constant 81 : i32
    %dma_wait3A = arith.constant 80 : i32
    %dma_wait3A_19 = arith.constant 0 : i32
    %dma_wait3A_20 = tpu.memref_slice %arg11[%dma_wait3A, %dma_wait3A_19] : memref<81x128xi32, #tpu.memory_space<vmem>> -> memref<1x128xi32, #tpu.memory_space<vmem>>
    %dma_wait3A_21 = tpu.memref_squeeze %dma_wait3A_20 : memref<1x128xi32, #tpu.memory_space<vmem>> -> memref<128xi32, #tpu.memory_space<vmem>>
    %dma_wait3A_22 = arith.constant 0 : i32
    %dma_wait3A_23 = arith.constant 0 : i32
    %dma_wait3A_24 = tpu.memref_slice %arg21[%dma_wait3A_22, %dma_wait3A_23] : memref<10112x16xf32, #tpu.memory_space<vmem_shared>> -> memref<10112x16xf32, #tpu.memory_space<vmem_shared>>
    tpu.wait_indirect_dma semaphore(%arg26 : memref<!tpu.dma_semaphore, #tpu.memory_space<semaphore_mem>>) src(%arg17 : memref<128x16xf32, #tpu.memory_space<vmem>>) dst(%dma_wait3A_24 : memref<10112x16xf32, #tpu.memory_space<vmem_shared>>)
    %barrier3A_25 = arith.constant 0 : index
    tpu.barrier barrier_id(%barrier3A_25)
    "tpu.region"() ({
      %run_scoped3A_26 = tpu.sem_alloc : memref<!tpu.dma_semaphore, #tpu.memory_space<semaphore_mem>>
      %dma_start3A = arith.constant 0 : i32
      %dma_start3A_27 = tpu.memref_slice %arg8[%arg0, %mul3A_11, %dma_start3A] : memref<2x10112x16xf32, #tpu.memory_space<hbm>> -> memref<1x632x16xf32, #tpu.memory_space<hbm>>
      %dma_start3A_28 = tpu.memref_squeeze %dma_start3A_27 : memref<1x632x16xf32, #tpu.memory_space<hbm>> -> memref<632x16xf32, #tpu.memory_space<hbm>>
      %dma_start3A_29 = arith.constant 0 : i32
      %dma_start3A_30 = tpu.memref_slice %arg21[%mul3A_11, %dma_start3A_29] : memref<10112x16xf32, #tpu.memory_space<vmem_shared>> -> memref<632x16xf32, #tpu.memory_space<vmem_shared>>
      tpu.enqueue_dma source(%dma_start3A_30 : memref<632x16xf32, #tpu.memory_space<vmem_shared>>) target(%dma_start3A_28 : memref<632x16xf32, #tpu.memory_space<hbm>>) target_semaphore(%run_scoped3A_26 : memref<!tpu.dma_semaphore, #tpu.memory_space<semaphore_mem>>)
      %dma_wait3A_31 = arith.constant 0 : i32
      %dma_wait3A_32 = tpu.memref_slice %arg8[%arg0, %mul3A_11, %dma_wait3A_31] : memref<2x10112x16xf32, #tpu.memory_space<hbm>> -> memref<1x632x16xf32, #tpu.memory_space<hbm>>
      %dma_wait3A_33 = tpu.memref_squeeze %dma_wait3A_32 : memref<1x632x16xf32, #tpu.memory_space<hbm>> -> memref<632x16xf32, #tpu.memory_space<hbm>>
      %dma_wait3A_34 = arith.constant 0 : i32
      %dma_wait3A_35 = tpu.memref_slice %arg21[%mul3A_11, %dma_wait3A_34] : memref<10112x16xf32, #tpu.memory_space<vmem_shared>> -> memref<632x16xf32, #tpu.memory_space<vmem_shared>>
      tpu.wait_dma2 semaphore(%run_scoped3A_26 : memref<!tpu.dma_semaphore, #tpu.memory_space<semaphore_mem>>) src(%dma_wait3A_35 : memref<632x16xf32, #tpu.memory_space<vmem_shared>>) dst(%dma_wait3A_33 : memref<632x16xf32, #tpu.memory_space<hbm>>)
      tpu.yield
    }) : () -> ()
    "tpu.region"() ({
      %run_scoped3A_26 = tpu.sem_alloc : memref<!tpu.dma_semaphore, #tpu.memory_space<semaphore_mem>>
      %dma_start3A = arith.constant 0 : i32
      %dma_start3A_27 = tpu.memref_slice %arg9[%arg0, %mul3A_11, %dma_start3A] : memref<2x10112x16xf32, #tpu.memory_space<hbm>> -> memref<1x632x16xf32, #tpu.memory_space<hbm>>
      %dma_start3A_28 = tpu.memref_squeeze %dma_start3A_27 : memref<1x632x16xf32, #tpu.memory_space<hbm>> -> memref<632x16xf32, #tpu.memory_space<hbm>>
      %dma_start3A_29 = arith.constant 0 : i32
      %dma_start3A_30 = tpu.memref_slice %arg22[%mul3A_11, %dma_start3A_29] : memref<10112x16xf32, #tpu.memory_space<vmem_shared>> -> memref<632x16xf32, #tpu.memory_space<vmem_shared>>
      tpu.enqueue_dma source(%dma_start3A_30 : memref<632x16xf32, #tpu.memory_space<vmem_shared>>) target(%dma_start3A_28 : memref<632x16xf32, #tpu.memory_space<hbm>>) target_semaphore(%run_scoped3A_26 : memref<!tpu.dma_semaphore, #tpu.memory_space<semaphore_mem>>)
      %dma_wait3A_31 = arith.constant 0 : i32
      %dma_wait3A_32 = tpu.memref_slice %arg9[%arg0, %mul3A_11, %dma_wait3A_31] : memref<2x10112x16xf32, #tpu.memory_space<hbm>> -> memref<1x632x16xf32, #tpu.memory_space<hbm>>
      %dma_wait3A_33 = tpu.memref_squeeze %dma_wait3A_32 : memref<1x632x16xf32, #tpu.memory_space<hbm>> -> memref<632x16xf32, #tpu.memory_space<hbm>>
      %dma_wait3A_34 = arith.constant 0 : i32
      %dma_wait3A_35 = tpu.memref_slice %arg22[%mul3A_11, %dma_wait3A_34] : memref<10112x16xf32, #tpu.memory_space<vmem_shared>> -> memref<632x16xf32, #tpu.memory_space<vmem_shared>>
      tpu.wait_dma2 semaphore(%run_scoped3A_26 : memref<!tpu.dma_semaphore, #tpu.memory_space<semaphore_mem>>) src(%dma_wait3A_35 : memref<632x16xf32, #tpu.memory_space<vmem_shared>>) dst(%dma_wait3A_33 : memref<632x16xf32, #tpu.memory_space<hbm>>)
      tpu.yield
    }) : () -> ()
    return
  }
}

module attributes {stable_mosaic.version = 14 : i64} {
  func.func @_tca_body(%arg0: memref<10112x128xf32, #tpu.memory_space<vmem>>, %arg1: memref<128x256xf32, #tpu.memory_space<vmem>>, %arg2: memref<256x8xf32, #tpu.memory_space<vmem>>, %arg3: memref<256x8xf32, #tpu.memory_space<vmem>>, %arg4: memref<10112x64xf32, #tpu.memory_space<vmem>>, %arg5: memref<10112x64xf32, #tpu.memory_space<vmem>>, %arg6: memref<10112x64xf32, #tpu.memory_space<vmem>>, %arg7: memref<10112x64xf32, #tpu.memory_space<vmem>>, %arg8: memref<10112x16xf32, #tpu.memory_space<vmem>>, %arg9: memref<10112x16xf32, #tpu.memory_space<vmem>>, %arg10: memref<1x16xf32, #tpu.memory_space<vmem>>) attributes {dimension_semantics = [], scalar_prefetch = 0 : i64, scratch_operands = 0 : i64, tpu.core_type = #tpu.core_type<tc>} {
    %get3A = arith.constant 0 : index
    %get3A_0 = arith.constant 0 : index
    %get3A_1 = vector.load %arg0[%get3A, %get3A_0] : memref<10112x128xf32, #tpu.memory_space<vmem>>, vector<10112x128xf32>
    %get3A_2 = arith.constant 0 : index
    %get3A_3 = arith.constant 0 : index
    %get3A_4 = vector.load %arg1[%get3A_2, %get3A_3] : memref<128x256xf32, #tpu.memory_space<vmem>>, vector<128x256xf32>
    %dot_general3A = arith.constant dense<0.000000e+00> : vector<10112x256xf32>
    %dot_general3A_5 = tpu.matmul %get3A_1, %get3A_4, %dot_general3A {dimension_numbers = #tpu.dot_dimension_numbers<[1], [0], [0], [1], [0, 0, 1, 1], [], []>, transpose_lhs_hint = false} : vector<10112x128xf32>, vector<128x256xf32>, vector<10112x256xf32> -> vector<10112x256xf32>
    %slice3A = vector.extract_strided_slice %dot_general3A_5 {offsets = [0, 0], sizes = [10112, 64], strides = [1, 1]} : vector<10112x256xf32> to vector<10112x64xf32>
    %swap3A = arith.constant 0 : index
    %swap3A_6 = arith.constant 0 : index
    %swap3A_7 = vector.load %arg4[%swap3A, %swap3A_6] : memref<10112x64xf32, #tpu.memory_space<vmem>>, vector<10112x64xf32>
    tpu.vector_store %arg4[%swap3A, %swap3A_6], %slice3A {strides = array<i32>} : memref<10112x64xf32, #tpu.memory_space<vmem>>, vector<10112x64xf32>,
    %slice3A_8 = vector.extract_strided_slice %dot_general3A_5 {offsets = [0, 64], sizes = [10112, 64], strides = [1, 1]} : vector<10112x256xf32> to vector<10112x64xf32>
    %swap3A_9 = arith.constant 0 : index
    %swap3A_10 = arith.constant 0 : index
    %swap3A_11 = vector.load %arg5[%swap3A_9, %swap3A_10] : memref<10112x64xf32, #tpu.memory_space<vmem>>, vector<10112x64xf32>
    tpu.vector_store %arg5[%swap3A_9, %swap3A_10], %slice3A_8 {strides = array<i32>} : memref<10112x64xf32, #tpu.memory_space<vmem>>, vector<10112x64xf32>,
    %slice3A_12 = vector.extract_strided_slice %dot_general3A_5 {offsets = [0, 128], sizes = [10112, 64], strides = [1, 1]} : vector<10112x256xf32> to vector<10112x64xf32>
    %swap3A_13 = arith.constant 0 : index
    %swap3A_14 = arith.constant 0 : index
    %swap3A_15 = vector.load %arg6[%swap3A_13, %swap3A_14] : memref<10112x64xf32, #tpu.memory_space<vmem>>, vector<10112x64xf32>
    tpu.vector_store %arg6[%swap3A_13, %swap3A_14], %slice3A_12 {strides = array<i32>} : memref<10112x64xf32, #tpu.memory_space<vmem>>, vector<10112x64xf32>,
    %slice3A_16 = vector.extract_strided_slice %dot_general3A_5 {offsets = [0, 192], sizes = [10112, 64], strides = [1, 1]} : vector<10112x256xf32> to vector<10112x64xf32>
    %swap3A_17 = arith.constant 0 : index
    %swap3A_18 = arith.constant 0 : index
    %swap3A_19 = vector.load %arg7[%swap3A_17, %swap3A_18] : memref<10112x64xf32, #tpu.memory_space<vmem>>, vector<10112x64xf32>
    tpu.vector_store %arg7[%swap3A_17, %swap3A_18], %slice3A_16 {strides = array<i32>} : memref<10112x64xf32, #tpu.memory_space<vmem>>, vector<10112x64xf32>,
    %get3A_20 = arith.constant 0 : index
    %get3A_21 = arith.constant 0 : index
    %get3A_22 = vector.load %arg2[%get3A_20, %get3A_21] : memref<256x8xf32, #tpu.memory_space<vmem>>, vector<256x8xf32>
    %dot_general3A_23 = arith.constant dense<0.000000e+00> : vector<10112x8xf32>
    %dot_general3A_24 = tpu.matmul %dot_general3A_5, %get3A_22, %dot_general3A_23 {dimension_numbers = #tpu.dot_dimension_numbers<[1], [0], [0], [1], [0, 0, 1, 1], [], []>, transpose_lhs_hint = false} : vector<10112x256xf32>, vector<256x8xf32>, vector<10112x8xf32> -> vector<10112x8xf32>
    %get3A_25 = arith.constant 0 : index
    %get3A_26 = arith.constant 0 : index
    %get3A_27 = vector.load %arg3[%get3A_25, %get3A_26] : memref<256x8xf32, #tpu.memory_space<vmem>>, vector<256x8xf32>
    %dot_general3A_28 = arith.constant dense<0.000000e+00> : vector<10112x8xf32>
    %dot_general3A_29 = tpu.matmul %dot_general3A_5, %get3A_27, %dot_general3A_28 {dimension_numbers = #tpu.dot_dimension_numbers<[1], [0], [0], [1], [0, 0, 1, 1], [], []>, transpose_lhs_hint = false} : vector<10112x256xf32>, vector<256x8xf32>, vector<10112x8xf32> -> vector<10112x8xf32>
    %concatenate3A = tpu.concatenate %dot_general3A_24, %dot_general3A_24 in 1 : vector<10112x8xf32>, vector<10112x8xf32> -> vector<10112x16xf32>
    %swap3A_30 = arith.constant 0 : index
    %swap3A_31 = arith.constant 0 : index
    %swap3A_32 = vector.load %arg8[%swap3A_30, %swap3A_31] : memref<10112x16xf32, #tpu.memory_space<vmem>>, vector<10112x16xf32>
    tpu.vector_store %arg8[%swap3A_30, %swap3A_31], %concatenate3A {strides = array<i32>} : memref<10112x16xf32, #tpu.memory_space<vmem>>, vector<10112x16xf32>,
    %concatenate3A_33 = tpu.concatenate %dot_general3A_29, %dot_general3A_29 in 1 : vector<10112x8xf32>, vector<10112x8xf32> -> vector<10112x16xf32>
    %swap3A_34 = arith.constant 0 : index
    %swap3A_35 = arith.constant 0 : index
    %swap3A_36 = vector.load %arg9[%swap3A_34, %swap3A_35] : memref<10112x16xf32, #tpu.memory_space<vmem>>, vector<10112x16xf32>
    tpu.vector_store %arg9[%swap3A_34, %swap3A_35], %concatenate3A_33 {strides = array<i32>} : memref<10112x16xf32, #tpu.memory_space<vmem>>, vector<10112x16xf32>,
    %reduce_max3A = arith.constant dense<0xFF800000> : vector<8xf32>
    %reduce_max3A_37 = vector.multi_reduction <maximumf>, %dot_general3A_24, %reduce_max3A [0] : vector<10112x8xf32> to vector<8xf32>
    %broadcast_in_dim3A = vector.shape_cast %reduce_max3A_37 : vector<8xf32> to vector<1x8xf32>
    %reduce_max3A_38 = arith.constant dense<0xFF800000> : vector<8xf32>
    %reduce_max3A_39 = vector.multi_reduction <maximumf>, %dot_general3A_29, %reduce_max3A_38 [0] : vector<10112x8xf32> to vector<8xf32>
    %broadcast_in_dim3A_40 = vector.shape_cast %reduce_max3A_39 : vector<8xf32> to vector<1x8xf32>
    %add3A = arith.addf %broadcast_in_dim3A, %broadcast_in_dim3A_40 : vector<1x8xf32>
    %ge3A = arith.constant 0.000000e+00 : f32
    %ge3A_41 = vector.broadcast %ge3A : f32 to vector<1x8xf32>
    %ge3A_42 = arith.cmpf oge, %add3A, %ge3A_41 : vector<1x8xf32>
    %mul3A = arith.constant 2.000000e-01 : f32
    %mul3A_43 = vector.broadcast %mul3A : f32 to vector<1x8xf32>
    %mul3A_44 = arith.mulf %mul3A_43, %add3A : vector<1x8xf32>
    %select_n3A = arith.select %ge3A_42, %add3A, %mul3A_44 : vector<1x8xi1>, vector<1x8xf32>
    %concatenate3A_45 = tpu.concatenate %select_n3A, %select_n3A in 1 : vector<1x8xf32>, vector<1x8xf32> -> vector<1x16xf32>
    %swap3A_46 = arith.constant 0 : index
    %swap3A_47 = arith.constant 0 : index
    %swap3A_48 = vector.load %arg10[%swap3A_46, %swap3A_47] : memref<1x16xf32, #tpu.memory_space<vmem>>, vector<1x16xf32>
    tpu.vector_store %arg10[%swap3A_46, %swap3A_47], %concatenate3A_45 {strides = array<i32>} : memref<1x16xf32, #tpu.memory_space<vmem>>, vector<1x16xf32>,
    return
  }
}

module attributes {stable_mosaic.version = 14 : i64} {
  func.func @_tcb_body(%arg0: i32, %arg1: memref<2x1264x64xf32, #tpu.memory_space<vmem>>, %arg2: memref<2x1264x64xf32, #tpu.memory_space<vmem>>, %arg3: memref<2x1264x64xf32, #tpu.memory_space<vmem>>, %arg4: memref<2x1264x64xf32, #tpu.memory_space<vmem>>, %arg5: memref<2x1264x16xf32, #tpu.memory_space<vmem>>, %arg6: memref<256xf32, #tpu.memory_space<vmem>>, %arg7: memref<256x16xf32, #tpu.memory_space<vmem>>, %arg8: memref<8x256xf32, #tpu.memory_space<vmem>>, %arg9: memref<16x16xf32, #tpu.memory_space<vmem>>, %arg10: memref<16x16xf32, #tpu.memory_space<vmem>>, %arg11: memref<1264x16xf32, #tpu.memory_space<vmem>>, %arg12: memref<1264x16xf32, #tpu.memory_space<vmem>>, %arg13: memref<1264x16xf32, #tpu.memory_space<vmem>>, %arg14: memref<1x16xf32, #tpu.memory_space<vmem>>, %arg15: memref<2x16xf32, #tpu.memory_space<vmem>>) attributes {dimension_semantics = [#tpu.dimension_semantics<arbitrary>], iteration_bounds = array<i64: 8>, scalar_prefetch = 0 : i64, scratch_operands = 1 : i64, tpu.core_type = #tpu.core_type<tc>, window_params = [{transform_indices = @transform_0, window_bounds = array<i64: 2, 1264, 64>}, {transform_indices = @transform_1, window_bounds = array<i64: 2, 1264, 64>}, {transform_indices = @transform_2, window_bounds = array<i64: 2, 1264, 64>}, {transform_indices = @transform_3, window_bounds = array<i64: 2, 1264, 64>}, {transform_indices = @transform_4, window_bounds = array<i64: 2, 1264, 16>}, {pipeline_mode = #tpu.pipeline_mode<synchronous>, transform_indices = @transform_5, window_bounds = array<i64: 256>}, {pipeline_mode = #tpu.pipeline_mode<synchronous>, transform_indices = @transform_6, window_bounds = array<i64: 256, 16>}, {pipeline_mode = #tpu.pipeline_mode<synchronous>, transform_indices = @transform_7, window_bounds = array<i64: 8, 256>}, {pipeline_mode = #tpu.pipeline_mode<synchronous>, transform_indices = @transform_8, window_bounds = array<i64: 16, 16>}, {pipeline_mode = #tpu.pipeline_mode<synchronous>, transform_indices = @transform_9, window_bounds = array<i64: 16, 16>}, {transform_indices = @transform_10, window_bounds = array<i64: 1264, 16>}, {transform_indices = @transform_11, window_bounds = array<i64: 1264, 16>}, {transform_indices = @transform_12, window_bounds = array<i64: 1264, 16>}, {pipeline_mode = #tpu.pipeline_mode<synchronous>, transform_indices = @transform_13, window_bounds = array<i64: 1, 16>}]} {
    %get3A = arith.constant 0 : index
    %get3A_0 = arith.constant 0 : index
    %get3A_1 = arith.constant 0 : index
    %get3A_2 = vector.load %arg5[%get3A, %get3A_0, %get3A_1] : memref<2x1264x16xf32, #tpu.memory_space<vmem>>, vector<1x1264x16xf32>
    %get3A_3 = vector.shape_cast %get3A_2 : vector<1x1264x16xf32> to vector<1264x16xf32>
    %get3A_4 = arith.constant 1 : index
    %get3A_5 = arith.constant 0 : index
    %get3A_6 = arith.constant 0 : index
    %get3A_7 = vector.load %arg5[%get3A_4, %get3A_5, %get3A_6] : memref<2x1264x16xf32, #tpu.memory_space<vmem>>, vector<1x1264x16xf32>
    %get3A_8 = vector.shape_cast %get3A_7 : vector<1x1264x16xf32> to vector<1264x16xf32>
    %add3A = arith.addf %get3A_3, %get3A_8 : vector<1264x16xf32>
    %slice3A = vector.extract_strided_slice %add3A {offsets = [0, 0], sizes = [1264, 8], strides = [1, 1]} : vector<1264x16xf32> to vector<1264x8xf32>
    %add3A_9 = arith.constant 1.000000e-16 : f32
    %add3A_10 = vector.broadcast %add3A_9 : f32 to vector<1264x8xf32>
    %add3A_11 = arith.addf %slice3A, %add3A_10 : vector<1264x8xf32>
    %div3A = arith.constant 1.000000e+00 : f32
    %div3A_12 = vector.broadcast %div3A : f32 to vector<1264x8xf32>
    %div3A_13 = arith.divf %div3A_12, %add3A_11 : vector<1264x8xf32>
    %get3A_14 = arith.constant 0 : index
    %get3A_15 = arith.constant 0 : index
    %get3A_16 = vector.load %arg8[%get3A_14, %get3A_15] : memref<8x256xf32, #tpu.memory_space<vmem>>, vector<8x256xf32>
    %dot_general3A = arith.constant dense<0.000000e+00> : vector<1264x256xf32>
    %dot_general3A_17 = tpu.matmul %div3A_13, %get3A_16, %dot_general3A {dimension_numbers = #tpu.dot_dimension_numbers<[1], [0], [0], [1], [0, 0, 1, 1], [], []>, transpose_lhs_hint = false} : vector<1264x8xf32>, vector<8x256xf32>, vector<1264x256xf32> -> vector<1264x256xf32>
    %get3A_18 = arith.constant 0 : index
    %get3A_19 = arith.constant 0 : index
    %get3A_20 = arith.constant 0 : index
    %get3A_21 = vector.load %arg1[%get3A_18, %get3A_19, %get3A_20] : memref<2x1264x64xf32, #tpu.memory_space<vmem>>, vector<1x1264x64xf32>
    %get3A_22 = vector.shape_cast %get3A_21 : vector<1x1264x64xf32> to vector<1264x64xf32>
    %get3A_23 = arith.constant 1 : index
    %get3A_24 = arith.constant 0 : index
    %get3A_25 = arith.constant 0 : index
    %get3A_26 = vector.load %arg1[%get3A_23, %get3A_24, %get3A_25] : memref<2x1264x64xf32, #tpu.memory_space<vmem>>, vector<1x1264x64xf32>
    %get3A_27 = vector.shape_cast %get3A_26 : vector<1x1264x64xf32> to vector<1264x64xf32>
    %add3A_28 = arith.addf %get3A_22, %get3A_27 : vector<1264x64xf32>
    %get3A_29 = arith.constant 0 : index
    %get3A_30 = arith.constant 0 : index
    %get3A_31 = arith.constant 0 : index
    %get3A_32 = vector.load %arg2[%get3A_29, %get3A_30, %get3A_31] : memref<2x1264x64xf32, #tpu.memory_space<vmem>>, vector<1x1264x64xf32>
    %get3A_33 = vector.shape_cast %get3A_32 : vector<1x1264x64xf32> to vector<1264x64xf32>
    %get3A_34 = arith.constant 1 : index
    %get3A_35 = arith.constant 0 : index
    %get3A_36 = arith.constant 0 : index
    %get3A_37 = vector.load %arg2[%get3A_34, %get3A_35, %get3A_36] : memref<2x1264x64xf32, #tpu.memory_space<vmem>>, vector<1x1264x64xf32>
    %get3A_38 = vector.shape_cast %get3A_37 : vector<1x1264x64xf32> to vector<1264x64xf32>
    %add3A_39 = arith.addf %get3A_33, %get3A_38 : vector<1264x64xf32>
    %get3A_40 = arith.constant 0 : index
    %get3A_41 = arith.constant 0 : index
    %get3A_42 = arith.constant 0 : index
    %get3A_43 = vector.load %arg3[%get3A_40, %get3A_41, %get3A_42] : memref<2x1264x64xf32, #tpu.memory_space<vmem>>, vector<1x1264x64xf32>
    %get3A_44 = vector.shape_cast %get3A_43 : vector<1x1264x64xf32> to vector<1264x64xf32>
    %get3A_45 = arith.constant 1 : index
    %get3A_46 = arith.constant 0 : index
    %get3A_47 = arith.constant 0 : index
    %get3A_48 = vector.load %arg3[%get3A_45, %get3A_46, %get3A_47] : memref<2x1264x64xf32, #tpu.memory_space<vmem>>, vector<1x1264x64xf32>
    %get3A_49 = vector.shape_cast %get3A_48 : vector<1x1264x64xf32> to vector<1264x64xf32>
    %add3A_50 = arith.addf %get3A_44, %get3A_49 : vector<1264x64xf32>
    %get3A_51 = arith.constant 0 : index
    %get3A_52 = arith.constant 0 : index
    %get3A_53 = arith.constant 0 : index
    %get3A_54 = vector.load %arg4[%get3A_51, %get3A_52, %get3A_53] : memref<2x1264x64xf32, #tpu.memory_space<vmem>>, vector<1x1264x64xf32>
    %get3A_55 = vector.shape_cast %get3A_54 : vector<1x1264x64xf32> to vector<1264x64xf32>
    %get3A_56 = arith.constant 1 : index
    %get3A_57 = arith.constant 0 : index
    %get3A_58 = arith.constant 0 : index
    %get3A_59 = vector.load %arg4[%get3A_56, %get3A_57, %get3A_58] : memref<2x1264x64xf32, #tpu.memory_space<vmem>>, vector<1x1264x64xf32>
    %get3A_60 = vector.shape_cast %get3A_59 : vector<1x1264x64xf32> to vector<1264x64xf32>
    %add3A_61 = arith.addf %get3A_55, %get3A_60 : vector<1264x64xf32>
    %concatenate3A = tpu.concatenate %add3A_28, %add3A_39, %add3A_50, %add3A_61 in 1 : vector<1264x64xf32>, vector<1264x64xf32>, vector<1264x64xf32>, vector<1264x64xf32> -> vector<1264x256xf32>
    %mul3A = arith.mulf %concatenate3A, %dot_general3A_17 : vector<1264x256xf32>
    %get3A_62 = arith.constant 0 : index
    %get3A_63 = vector.load %arg6[%get3A_62] : memref<256xf32, #tpu.memory_space<vmem>>, vector<256xf32>
    %broadcast_in_dim3A = vector.shape_cast %get3A_63 : vector<256xf32> to vector<1x256xf32>
    %add3A_64 = vector.broadcast %broadcast_in_dim3A : vector<1x256xf32> to vector<1264x256xf32>
    %add3A_65 = arith.addf %mul3A, %add3A_64 : vector<1264x256xf32>
    %gt3A = arith.constant 0.000000e+00 : f32
    %gt3A_66 = vector.broadcast %gt3A : f32 to vector<1264x256xf32>
    %gt3A_67 = arith.cmpf ogt, %add3A_65, %gt3A_66 : vector<1264x256xf32>
    %min3A = arith.constant 0.000000e+00 : f32
    %min3A_68 = vector.broadcast %min3A : f32 to vector<1264x256xf32>
    %min3A_69 = arith.minimumf %add3A_65, %min3A_68 : vector<1264x256xf32>
    %exp3A = math.exp %min3A_69 : vector<1264x256xf32>
    %sub3A = arith.constant 1.000000e+00 : f32
    %sub3A_70 = vector.broadcast %sub3A : f32 to vector<1264x256xf32>
    %sub3A_71 = arith.subf %exp3A, %sub3A_70 : vector<1264x256xf32>
    %select_n3A = arith.select %gt3A_67, %add3A_65, %sub3A_71 : vector<1264x256xi1>, vector<1264x256xf32>
    %get3A_72 = arith.constant 0 : index
    %get3A_73 = arith.constant 0 : index
    %get3A_74 = vector.load %arg7[%get3A_72, %get3A_73] : memref<256x16xf32, #tpu.memory_space<vmem>>, vector<256x16xf32>
    %dot_general3A_75 = arith.constant dense<0.000000e+00> : vector<1264x16xf32>
    %dot_general3A_76 = tpu.matmul %select_n3A, %get3A_74, %dot_general3A_75 {dimension_numbers = #tpu.dot_dimension_numbers<[1], [0], [0], [1], [0, 0, 1, 1], [], []>, transpose_lhs_hint = false} : vector<1264x256xf32>, vector<256x16xf32>, vector<1264x16xf32> -> vector<1264x16xf32>
    %swap3A = arith.constant 0 : index
    %swap3A_77 = arith.constant 0 : index
    %swap3A_78 = vector.load %arg11[%swap3A, %swap3A_77] : memref<1264x16xf32, #tpu.memory_space<vmem>>, vector<1264x16xf32>
    tpu.vector_store %arg11[%swap3A, %swap3A_77], %dot_general3A_76 {strides = array<i32>} : memref<1264x16xf32, #tpu.memory_space<vmem>>, vector<1264x16xf32>,
    %get3A_79 = arith.constant 0 : index
    %get3A_80 = arith.constant 0 : index
    %get3A_81 = vector.load %arg9[%get3A_79, %get3A_80] : memref<16x16xf32, #tpu.memory_space<vmem>>, vector<16x16xf32>
    %dot_general3A_82 = arith.constant dense<0.000000e+00> : vector<1264x16xf32>
    %dot_general3A_83 = tpu.matmul %dot_general3A_76, %get3A_81, %dot_general3A_82 {dimension_numbers = #tpu.dot_dimension_numbers<[1], [0], [0], [1], [0, 0, 1, 1], [], []>, transpose_lhs_hint = false} : vector<1264x16xf32>, vector<16x16xf32>, vector<1264x16xf32> -> vector<1264x16xf32>
    %get3A_84 = arith.constant 0 : index
    %get3A_85 = arith.constant 0 : index
    %get3A_86 = vector.load %arg10[%get3A_84, %get3A_85] : memref<16x16xf32, #tpu.memory_space<vmem>>, vector<16x16xf32>
    %dot_general3A_87 = arith.constant dense<0.000000e+00> : vector<1264x16xf32>
    %dot_general3A_88 = tpu.matmul %dot_general3A_76, %get3A_86, %dot_general3A_87 {dimension_numbers = #tpu.dot_dimension_numbers<[1], [0], [0], [1], [0, 0, 1, 1], [], []>, transpose_lhs_hint = false} : vector<1264x16xf32>, vector<16x16xf32>, vector<1264x16xf32> -> vector<1264x16xf32>
    %swap3A_89 = arith.constant 0 : index
    %swap3A_90 = arith.constant 0 : index
    %swap3A_91 = vector.load %arg12[%swap3A_89, %swap3A_90] : memref<1264x16xf32, #tpu.memory_space<vmem>>, vector<1264x16xf32>
    tpu.vector_store %arg12[%swap3A_89, %swap3A_90], %dot_general3A_83 {strides = array<i32>} : memref<1264x16xf32, #tpu.memory_space<vmem>>, vector<1264x16xf32>,
    %swap3A_92 = arith.constant 0 : index
    %swap3A_93 = arith.constant 0 : index
    %swap3A_94 = vector.load %arg13[%swap3A_92, %swap3A_93] : memref<1264x16xf32, #tpu.memory_space<vmem>>, vector<1264x16xf32>
    tpu.vector_store %arg13[%swap3A_92, %swap3A_93], %dot_general3A_88 {strides = array<i32>} : memref<1264x16xf32, #tpu.memory_space<vmem>>, vector<1264x16xf32>,
    %eq3A = arith.constant 0 : i32
    %eq3A_95 = arith.cmpi eq, %arg0, %eq3A : i32
    %convert_element_type3A = arith.extui %eq3A_95 : i1 to i32
    %cond3A = arith.constant 0 : i32
    %cond3A_96 = arith.cmpi ne, %convert_element_type3A, %cond3A : i32
    scf.if %cond3A_96 {
      %broadcast_in_dim3A_120 = arith.constant 0xFF800000 : f32
      %broadcast_in_dim3A_121 = vector.broadcast %broadcast_in_dim3A_120 : f32 to vector<2x16xf32>
      %swap3A_122 = arith.constant 0 : index
      %swap3A_123 = arith.constant 0 : index
      %swap3A_124 = vector.load %arg15[%swap3A_122, %swap3A_123] : memref<2x16xf32, #tpu.memory_space<vmem>>, vector<2x16xf32>
      tpu.vector_store %arg15[%swap3A_122, %swap3A_123], %broadcast_in_dim3A_121 {strides = array<i32>} : memref<2x16xf32, #tpu.memory_space<vmem>>, vector<2x16xf32>,
    } else {
    }
    %get3A_97 = arith.constant 0 : index
    %get3A_98 = arith.constant 0 : index
    %get3A_99 = vector.load %arg15[%get3A_97, %get3A_98] : memref<2x16xf32, #tpu.memory_space<vmem>>, vector<1x16xf32>
    %reduce_max3A = arith.constant dense<0xFF800000> : vector<16xf32>
    %reduce_max3A_100 = vector.multi_reduction <maximumf>, %dot_general3A_83, %reduce_max3A [0] : vector<1264x16xf32> to vector<16xf32>
    %broadcast_in_dim3A_101 = vector.shape_cast %reduce_max3A_100 : vector<16xf32> to vector<1x16xf32>
    %max3A = arith.maximumf %get3A_99, %broadcast_in_dim3A_101 : vector<1x16xf32>
    %get3A_102 = arith.constant 1 : index
    %get3A_103 = arith.constant 0 : index
    %get3A_104 = vector.load %arg15[%get3A_102, %get3A_103] : memref<2x16xf32, #tpu.memory_space<vmem>>, vector<1x16xf32>
    %reduce_max3A_105 = arith.constant dense<0xFF800000> : vector<16xf32>
    %reduce_max3A_106 = vector.multi_reduction <maximumf>, %dot_general3A_88, %reduce_max3A_105 [0] : vector<1264x16xf32> to vector<16xf32>
    %broadcast_in_dim3A_107 = vector.shape_cast %reduce_max3A_106 : vector<16xf32> to vector<1x16xf32>
    %max3A_108 = arith.maximumf %get3A_104, %broadcast_in_dim3A_107 : vector<1x16xf32>
    %swap3A_109 = arith.constant 0 : index
    %swap3A_110 = arith.constant 0 : index
    %swap3A_111 = vector.load %arg15[%swap3A_109, %swap3A_110] : memref<2x16xf32, #tpu.memory_space<vmem>>, vector<1x16xf32>
    tpu.vector_store %arg15[%swap3A_109, %swap3A_110], %max3A {strides = array<i32>} : memref<2x16xf32, #tpu.memory_space<vmem>>, vector<1x16xf32>,
    %swap3A_112 = arith.constant 1 : index
    %swap3A_113 = arith.constant 0 : index
    %swap3A_114 = vector.load %arg15[%swap3A_112, %swap3A_113] : memref<2x16xf32, #tpu.memory_space<vmem>>, vector<1x16xf32>
    tpu.vector_store %arg15[%swap3A_112, %swap3A_113], %max3A_108 {strides = array<i32>} : memref<2x16xf32, #tpu.memory_space<vmem>>, vector<1x16xf32>,
    %eq3A_115 = arith.constant 7 : i32
    %eq3A_116 = arith.cmpi eq, %arg0, %eq3A_115 : i32
    %convert_element_type3A_117 = arith.extui %eq3A_116 : i1 to i32
    %cond3A_118 = arith.constant 0 : i32
    %cond3A_119 = arith.cmpi ne, %convert_element_type3A_117, %cond3A_118 : i32
    scf.if %cond3A_119 {
      %get3A_120 = arith.constant 0 : index
      %get3A_121 = arith.constant 0 : index
      %get3A_122 = vector.load %arg15[%get3A_120, %get3A_121] : memref<2x16xf32, #tpu.memory_space<vmem>>, vector<1x16xf32>
      %get3A_123 = arith.constant 1 : index
      %get3A_124 = arith.constant 0 : index
      %get3A_125 = vector.load %arg15[%get3A_123, %get3A_124] : memref<2x16xf32, #tpu.memory_space<vmem>>, vector<1x16xf32>
      %add3A_126 = arith.addf %get3A_122, %get3A_125 : vector<1x16xf32>
      %ge3A = arith.constant 0.000000e+00 : f32
      %ge3A_127 = vector.broadcast %ge3A : f32 to vector<1x16xf32>
      %ge3A_128 = arith.cmpf oge, %add3A_126, %ge3A_127 : vector<1x16xf32>
      %mul3A_129 = arith.constant 2.000000e-01 : f32
      %mul3A_130 = vector.broadcast %mul3A_129 : f32 to vector<1x16xf32>
      %mul3A_131 = arith.mulf %mul3A_130, %add3A_126 : vector<1x16xf32>
      %select_n3A_132 = arith.select %ge3A_128, %add3A_126, %mul3A_131 : vector<1x16xi1>, vector<1x16xf32>
      %swap3A_133 = arith.constant 0 : index
      %swap3A_134 = arith.constant 0 : index
      %swap3A_135 = vector.load %arg14[%swap3A_133, %swap3A_134] : memref<1x16xf32, #tpu.memory_space<vmem>>, vector<1x16xf32>
      tpu.vector_store %arg14[%swap3A_133, %swap3A_134], %select_n3A_132 {strides = array<i32>} : memref<1x16xf32, #tpu.memory_space<vmem>>, vector<1x16xf32>,
    } else {
    }
    return
  }
  func.func @transform_0(%arg0: i32) -> (i32, i32, i32) {
    %c0_i32 = arith.constant 0 : i32
    %c0_i32_0 = arith.constant 0 : i32
    %c0_i32_1 = arith.constant 0 : i32
    return %c0_i32, %arg0, %c0_i32_0 : i32, i32, i32
  }
  func.func @transform_1(%arg0: i32) -> (i32, i32, i32) {
    %c0_i32 = arith.constant 0 : i32
    %c0_i32_0 = arith.constant 0 : i32
    %c0_i32_1 = arith.constant 0 : i32
    return %c0_i32, %arg0, %c0_i32_0 : i32, i32, i32
  }
  func.func @transform_2(%arg0: i32) -> (i32, i32, i32) {
    %c0_i32 = arith.constant 0 : i32
    %c0_i32_0 = arith.constant 0 : i32
    %c0_i32_1 = arith.constant 0 : i32
    return %c0_i32, %arg0, %c0_i32_0 : i32, i32, i32
  }
  func.func @transform_3(%arg0: i32) -> (i32, i32, i32) {
    %c0_i32 = arith.constant 0 : i32
    %c0_i32_0 = arith.constant 0 : i32
    %c0_i32_1 = arith.constant 0 : i32
    return %c0_i32, %arg0, %c0_i32_0 : i32, i32, i32
  }
  func.func @transform_4(%arg0: i32) -> (i32, i32, i32) {
    %c0_i32 = arith.constant 0 : i32
    %c0_i32_0 = arith.constant 0 : i32
    %c0_i32_1 = arith.constant 0 : i32
    return %c0_i32, %arg0, %c0_i32_0 : i32, i32, i32
  }
  func.func @transform_5(%arg0: i32) -> i32 {
    %c0_i32 = arith.constant 0 : i32
    %c0_i32_0 = arith.constant 0 : i32
    return %c0_i32 : i32
  }
  func.func @transform_6(%arg0: i32) -> (i32, i32) {
    %c0_i32 = arith.constant 0 : i32
    %c0_i32_0 = arith.constant 0 : i32
    %c0_i32_1 = arith.constant 0 : i32
    return %c0_i32, %c0_i32_0 : i32, i32
  }
  func.func @transform_7(%arg0: i32) -> (i32, i32) {
    %c0_i32 = arith.constant 0 : i32
    %c0_i32_0 = arith.constant 0 : i32
    %c0_i32_1 = arith.constant 0 : i32
    return %c0_i32, %c0_i32_0 : i32, i32
  }
  func.func @transform_8(%arg0: i32) -> (i32, i32) {
    %c0_i32 = arith.constant 0 : i32
    %c0_i32_0 = arith.constant 0 : i32
    %c0_i32_1 = arith.constant 0 : i32
    return %c0_i32, %c0_i32_0 : i32, i32
  }
  func.func @transform_9(%arg0: i32) -> (i32, i32) {
    %c0_i32 = arith.constant 0 : i32
    %c0_i32_0 = arith.constant 0 : i32
    %c0_i32_1 = arith.constant 0 : i32
    return %c0_i32, %c0_i32_0 : i32, i32
  }
  func.func @transform_10(%arg0: i32) -> (i32, i32) {
    %c0_i32 = arith.constant 0 : i32
    %c0_i32_0 = arith.constant 0 : i32
    return %arg0, %c0_i32 : i32, i32
  }
  func.func @transform_11(%arg0: i32) -> (i32, i32) {
    %c0_i32 = arith.constant 0 : i32
    %c0_i32_0 = arith.constant 0 : i32
    return %arg0, %c0_i32 : i32, i32
  }
  func.func @transform_12(%arg0: i32) -> (i32, i32) {
    %c0_i32 = arith.constant 0 : i32
    %c0_i32_0 = arith.constant 0 : i32
    return %arg0, %c0_i32 : i32, i32
  }
  func.func @transform_13(%arg0: i32) -> (i32, i32) {
    %c0_i32 = arith.constant 0 : i32
    %c0_i32_0 = arith.constant 0 : i32
    %c0_i32_1 = arith.constant 0 : i32
    return %c0_i32, %c0_i32_0 : i32, i32
  }
}

module attributes {stable_mosaic.version = 14 : i64} {
  func.func @_tcc_body(%arg0: memref<2x10112x16xf32, #tpu.memory_space<vmem>>, %arg1: memref<2x10112x16xf32, #tpu.memory_space<vmem>>, %arg2: memref<16xf32, #tpu.memory_space<vmem>>, %arg3: memref<10112x16xf32, #tpu.memory_space<vmem>>) attributes {dimension_semantics = [], scalar_prefetch = 0 : i64, scratch_operands = 0 : i64, tpu.core_type = #tpu.core_type<tc>} {
    %get3A = arith.constant 0 : index
    %get3A_0 = arith.constant 0 : index
    %get3A_1 = arith.constant 0 : index
    %get3A_2 = vector.load %arg0[%get3A, %get3A_0, %get3A_1] : memref<2x10112x16xf32, #tpu.memory_space<vmem>>, vector<1x10112x16xf32>
    %get3A_3 = vector.shape_cast %get3A_2 : vector<1x10112x16xf32> to vector<10112x16xf32>
    %get3A_4 = arith.constant 1 : index
    %get3A_5 = arith.constant 0 : index
    %get3A_6 = arith.constant 0 : index
    %get3A_7 = vector.load %arg0[%get3A_4, %get3A_5, %get3A_6] : memref<2x10112x16xf32, #tpu.memory_space<vmem>>, vector<1x10112x16xf32>
    %get3A_8 = vector.shape_cast %get3A_7 : vector<1x10112x16xf32> to vector<10112x16xf32>
    %add3A = arith.addf %get3A_3, %get3A_8 : vector<10112x16xf32>
    %get3A_9 = arith.constant 0 : index
    %get3A_10 = arith.constant 0 : index
    %get3A_11 = arith.constant 0 : index
    %get3A_12 = vector.load %arg1[%get3A_9, %get3A_10, %get3A_11] : memref<2x10112x16xf32, #tpu.memory_space<vmem>>, vector<1x10112x16xf32>
    %get3A_13 = vector.shape_cast %get3A_12 : vector<1x10112x16xf32> to vector<10112x16xf32>
    %get3A_14 = arith.constant 1 : index
    %get3A_15 = arith.constant 0 : index
    %get3A_16 = arith.constant 0 : index
    %get3A_17 = vector.load %arg1[%get3A_14, %get3A_15, %get3A_16] : memref<2x10112x16xf32, #tpu.memory_space<vmem>>, vector<1x10112x16xf32>
    %get3A_18 = vector.shape_cast %get3A_17 : vector<1x10112x16xf32> to vector<10112x16xf32>
    %add3A_19 = arith.addf %get3A_13, %get3A_18 : vector<10112x16xf32>
    %add3A_20 = arith.constant 1.000000e-16 : f32
    %add3A_21 = vector.broadcast %add3A_20 : f32 to vector<10112x16xf32>
    %add3A_22 = arith.addf %add3A_19, %add3A_21 : vector<10112x16xf32>
    %div3A = arith.divf %add3A, %add3A_22 : vector<10112x16xf32>
    %get3A_23 = arith.constant 0 : index
    %get3A_24 = vector.load %arg2[%get3A_23] : memref<16xf32, #tpu.memory_space<vmem>>, vector<16xf32>
    %broadcast_in_dim3A = vector.shape_cast %get3A_24 : vector<16xf32> to vector<1x16xf32>
    %add3A_25 = vector.broadcast %broadcast_in_dim3A : vector<1x16xf32> to vector<10112x16xf32>
    %add3A_26 = arith.addf %div3A, %add3A_25 : vector<10112x16xf32>
    %swap3A = arith.constant 0 : index
    %swap3A_27 = arith.constant 0 : index
    %swap3A_28 = vector.load %arg3[%swap3A, %swap3A_27] : memref<10112x16xf32, #tpu.memory_space<vmem>>, vector<10112x16xf32>
    tpu.vector_store %arg3[%swap3A, %swap3A_27], %add3A_26 {strides = array<i32>} : memref<10112x16xf32, #tpu.memory_space<vmem>>, vector<10112x16xf32>,
    return
  }
}

</mosaic_0001>

<sc_bundles>
// kernel: kernel.10.cloned.1.call-start
scs
__scs_entry_jumppad:
0x0: {  	(pc) =	sbr.rel $0x88, $3  }
0x1: {  	(tag) =	ssettag $0x0;
	lr =	simm.s32 $0x1  }
0x2: {  	[smem:$0x3F97] =	sst lr;
	_ =	strace $0xD0000000  }
0x3: {  	_ = 	snop  }
0x4: {  	_ = 	snop  }
0x5: {  	_ = 	snop  }
0x6: {  	_ = 	snop  }
0x7: {  	_ = 	snop  }
__scs_overlays_trampoline_lowered:
0x8: {  	[smem:$0x3FA6] =	sst s0  }
0x9: {  	[smem:$0x3FA7] =	sst s1  }
0xa: {  	[smem:$0x3FA8] =	sst s2  }
0xb: {  	[smem:$0x3FA9] =	sst s3  }
0xc: {  	[smem:$0x3FAA] =	sst s4  }
0xd: {  	[smem:$0x3FAB] =	sst s5  }
0xe: {  	[smem:$0x3FAC] =	sst s6  }
0xf: {  	[smem:$0x3FAD] =	sst s7  }
0x10: {  	[smem:$0x3FAE] =	sst s8  }
0x11: {  	[smem:$0x3FAF] =	sst s9;
	s0 =	simm.s32 @!p0 $0x0  }
0x12: {  	s1 =	sld [smem:$0x3F95];
	s0 =	simm.s32 @p0 $0x1  }
0x13: {  	[smem:$0x3FB0] =	sst s0;
	s0 =	simm.s32 @!p1 $0x0  }
0x14: {  	s2 =	sld [smem:$0x3F94];
	s0 =	simm.s32 @p1 $0x1  }
0x15: {  	[smem:$0x3FB1] =	sst s0;
	s0 =	simm.s32 @!p2 $0x0  }
0x16: {  	s3 =	sld [smem:$0x3FDB];
	s0 =	simm.s32 @p2 $0x1  }
0x17: {  	s4 =	simm.s32 $0x1BF5;
	[smem:$0x3FB3] =	sst s0  }
0x18: {  	s0 =	sld [smem:$0x3F96];
	_ =	swait.ge [sflag:s4], $0x0  }
0x19: {  	s7 =	sld [smem:$0x3F97]  }
0x1a: {  	s8 =	sadd.s32 $0xFFFFE003, lr  }
0x1b: {  	s9 =	sadd.s32 $0xFFFFFEF7, lr;
	s5 =	simm.s32 $0xFFFFFFFF;
	p2 =	slt.u32 s8, $0xFFFFF086  }
0x1c: {  	p1 =	slt.u32 s9, $0xF7A;
	s5 =	simm.s32 @!p2 $0x0  }
0x1d: {  	s5 =	simm.s32 @p1 $0x1;
	p0 =	seq.s32 s7, s2  }
0x1e: {  	s7 =	smul.u32 @!p0 $0xF7A, s2;
	p2 =	seq.s32 @!p0 s5, $0x0  }
0x1f: {  	s9 =	smul.u32 $0xF7A, s1;
	s8 =	simm.s32 @!p0 $0x1BF5;
	p2 =	por !p2, p0  }
0x20: {  	[sflag:s8] =	ssyncset.s32 @!p0 $0xFFFFF086;
	s6 =	sadd.s32 @!p0 s3, s7;
	s7 =	simm.s32 @!p0 $0x108  }
0x21: {  	s3 =	sadd.s32 s3, s9;
	s6 =	sadd.s32 @!p0 $0x88, s6;
	s7 =	simm.s32 @p2 $0x1082  }
0x22: {  	[simem:s7], [sflag:s8] =	dma.local @!p0 [hbm:s6], $0xF7A  }
0x23: {  	s9 =	sor.u32 $0xD0000000, s2;
	s6 =	simm.s32 $0x108;
	_ =	swait.ge @!p0 [sflag:s8], $0x0  }
0x24: {  	s3 =	sadd.s32 $0x88, s3;
	s6 =	simm.s32 @!p1 $0x1082;
	[sflag:s4] =	ssyncset.s32 $0xFFFFF086  }
0x25: {  	[simem:s6], [sflag:s4] =	dma.local [hbm:s3], $0xF7A  }
0x26: {  	[smem:$0x3F97] =	sst s1;
	(tag) =	ssettag s2;
	_ =	strace s9  }
0x27: {  	s1 =	sld [smem:$0x3FA7]  }
0x28: {  	s2 =	sld [smem:$0x3FA8]  }
0x29: {  	s4 =	sld [smem:$0x3FAA]  }
0x2a: {  	p0 =	seq.s32 s5, $0x0;
	s5 =	sld [smem:$0x3FAB]  }
0x2b: {  	s6 =	sld [smem:$0x3FAC]  }
0x2c: {  	s7 =	sld [smem:$0x3FAD]  }
0x2d: {  	s3 =	simm.s32 $0x108;
	s8 =	sld [smem:$0x3FAE]  }
0x2e: {  	s3 =	simm.s32 @!p0 $0x1082;
	s9 =	sld [smem:$0x3FAF]  }
0x2f: {  	lr =	sadd.s32 s0, s3;
	s0 =	sld [smem:$0x3FA6]  }
0x30: {  	s3 =	sld [smem:$0x3FA9]  }
0x31: {  	[smem:$0x3FB2] =	sst s10  }
0x32: {  	s10 =	sld [smem:$0x3FB0];
	_ =	sdelay $0x3  }
0x33: {  	p0 =	seq.s32 s10, $0x1;
	s10 =	sld [smem:$0x3FB2];
	_ =	sdelay $0x3  }
0x34: {  	[smem:$0x3FB2] =	sst s10  }
0x35: {  	s10 =	sld [smem:$0x3FB1];
	_ =	sdelay $0x3  }
0x36: {  	p1 =	seq.s32 s10, $0x1;
	s10 =	sld [smem:$0x3FB2];
	_ =	sdelay $0x3  }
0x37: {  	[smem:$0x3FB2] =	sst s10  }
0x38: {  	s10 =	sld [smem:$0x3FB3]  }
0x39: {  	_ = 	snop;
	(pc) =	sbr.ind lr, $3  }
0x3a: {  	_ = 	snop  }
0x3b: {  	_ = 	snop  }
0x3c: {  	p2 =	seq.s32 s10, $0x1;
	s10 =	sld [smem:$0x3FB2]  }
0x3d: {  	_ =	shalt  }
0x3e: {  	_ =	shalt  }
0x3f: {  	_ =	shalt  }
0x40: {  	_ =	shalt  }
0x41: {  	_ =	shalt  }
0x42: {  	_ =	shalt  }
0x43: {  	_ =	shalt  }
0x44: {  	_ =	shalt  }
0x45: {  	_ =	shalt  }
0x46: {  	_ =	shalt  }
0x47: {  	_ =	shalt  }
0x48: {  	_ =	shalt  }
0x49: {  	_ =	shalt  }
0x4a: {  	_ =	shalt  }
0x4b: {  	_ =	shalt  }
0x4c: {  	_ =	shalt  }
0x4d: {  	_ =	shalt  }
0x4e: {  	_ =	shalt  }
0x4f: {  	_ =	shalt  }
0x50: {  	_ =	shalt  }
0x51: {  	_ =	shalt  }
0x52: {  	_ =	shalt  }
0x53: {  	_ =	shalt  }
0x54: {  	_ =	shalt  }
0x55: {  	_ =	shalt  }
0x56: {  	_ =	shalt  }
0x57: {  	_ =	shalt  }
0x58: {  	_ =	shalt  }
0x59: {  	_ =	shalt  }
0x5a: {  	_ =	shalt  }
0x5b: {  	_ =	shalt  }
0x5c: {  	_ =	shalt  }
0x5d: {  	_ =	shalt  }
0x5e: {  	_ =	shalt  }
0x5f: {  	_ =	shalt  }
0x60: {  	_ =	shalt  }
0x61: {  	_ =	shalt  }
0x62: {  	_ =	shalt  }
0x63: {  	_ =	shalt  }
0x64: {  	_ =	shalt  }
0x65: {  	_ =	shalt  }
0x66: {  	_ =	shalt  }
0x67: {  	_ =	shalt  }
0x68: {  	_ =	shalt  }
0x69: {  	_ =	shalt  }
0x6a: {  	_ =	shalt  }
0x6b: {  	_ =	shalt  }
0x6c: {  	_ =	shalt  }
0x6d: {  	_ =	shalt  }
0x6e: {  	_ =	shalt  }
0x6f: {  	_ =	shalt  }
0x70: {  	_ =	shalt  }
0x71: {  	_ =	shalt  }
0x72: {  	_ =	shalt  }
0x73: {  	_ =	shalt  }
0x74: {  	_ =	shalt  }
0x75: {  	_ =	shalt  }
0x76: {  	_ =	shalt  }
0x77: {  	_ =	shalt  }
0x78: {  	_ =	shalt  }
0x79: {  	_ =	shalt  }
0x7a: {  	_ =	shalt  }
0x7b: {  	_ =	shalt  }
0x7c: {  	_ =	shalt  }
0x7d: {  	_ =	shalt  }
0x7e: {  	_ =	shalt  }
0x7f: {  	_ =	shalt  }
0x80: {  	_ =	shalt  }
0x81: {  	_ =	shalt  }
0x82: {  	_ =	shalt  }
0x83: {  	_ =	shalt  }
0x84: {  	_ =	shalt  }
0x85: {  	_ =	shalt  }
0x86: {  	_ =	shalt  }
0x87: {  	_ =	shalt  }
.Lfunc_end0:
.L_simem_size_0:
called_computation.1_lowered:
.L_overlay_start_0:
0x88: {  	s2 =	sld [smem:$0x3FD9]  }
0x89: {  	s3 =	sld [smem:$0x3FFE];
	_ =	sdelay $0x1  }
0x8a: {  	s1 =	srdreg.scid  }
0x8b: {  	s0 =	sand.u32 $0x1, s1  }
0x8c: {  	s17 =	sshll.u32 s0, $0xA;
	s2 =	sadd.s32 s3, s2  }
0x8d: {  	s2 =	sadd.s32 s2, s17  }
0x8e: {  	[smem:$0x3FBE] =	sst s2  }
0x8f: {  	_ = 	snop  }
0x90: {  	s2 =	sld [smem:$0x3FD0];
	(tm) =	ssettm $0x1  }
0x91: {  	s18 =	sld [smem:$0x3FFB];
	_ =	sdelay $0x3  }
0x92: {  	_ =	strace s18  }
0x93: {  	s3 =	sld [smem:$0x3FFC];
	_ =	sdelay $0x3  }
0x94: {  	_ =	strace s3  }
0x95: {  	s3 =	sld [smem:$0x3FFD];
	_ =	sdelay $0x3  }
0x96: {  	_ =	strace s3  }
0x97: {  	_ =	strace $0x8FFFFFFF  }
0x98: {  	s19 =	sld [smem:$0x3FDB];
	_ =	sdelay $0x1  }
0x99: {  	s4 =	simm.s32 $_scs_section_size  }
0x9a: {  	s5 =	simm.s32 $_size__tile_overlayer_lowered;
	s6 =	simm.s32 $_tile_overlayer_lowered  }
0x9b: {  	s22 =	simm.s32 $0x1BFF;
	s21 =	sshll.u32 s6, $0x1;
	s3 =	sadd.s32 s4, s19  }
0x9c: {  	s7 =	simm.s32 $0x0;
	s20 =	sshll.u32 s5, $0x1;
	s5 =	sadd.s32 s21, s3  }
0x9d: {  	[timem:s7], [sflag:s22] =	dma.local [hbm:s5], s20  }
0x9e: {  	_ =	swait.ge [sflag:s22], s20  }
0x9f: {  	s4 =	ssub.s32 $0x0, s20;
	[sflag:s22] =	ssyncset.done $0x0  }
0xa0: {  	[sflag:s22] =	ssyncadd.s32 s4;
	_ =	sdelay $0x1  }
0xa1: {  	s23 =	simm.s32 $0x1B8B  }
0xa2: {  	_ =	swait.ge [sflag:s23], $0x1  }
0xa3: {  	[sflag:s23] =	ssyncset.done $0x0  }
0xa4: {  	s25 =	simm.s32 $0x1B8E;
	s24 =	sld [smem:$0x3FFE];
	[sflag:s23] =	ssyncadd.s32 $0xFFFFFFFF  }
0xa5: {  	s26 =	simm.s32 $execute0_lowered;
	[smem:$0x3FD2] =	sst s25  }
0xa6: {  	s5 =	sshll.u32 s26, $0x1;
	_ =	strace $0x80000049;
	[dreg:$0x1] =	wrdreg $0xFFFFFFFF  }
0xa7: {  	s28 =	simm.s32 $_size_execute0_lowered;
	s3 =	sadd.s32 s3, s5;
	[dreg:$0x0] =	wrdreg $0x0  }
0xa8: {  	s5 =	sshll.u32 s28, $0x1;
	[dreg:$0x2] =	wrdreg s3  }
0xa9: {  	[dreg:$0x3] =	wrdreg s5  }
0xaa: {  	[dreg:$0x4] =	wrdreg $0xC0  }
0xab: {  	_ =	task [dreg:s7], $0x5FFFF  }
0xac: {  	[dreg:$0x1] =	wrdreg $0xFFFFFFFF  }
0xad: {  	[dreg:$0x0] =	wrdreg $0x60  }
0xae: {  	[dreg:$0x2] =	wrdreg s24  }
0xaf: {  	[dreg:$0x3] =	wrdreg s2  }
0xb0: {  	[dreg:$0x4] =	wrdreg $0x98900  }
0xb1: {  	[dreg:$0x5] =	wrdreg $0xC0100  }
0xb2: {  	[dreg:$0x6] =	wrdreg $0x9  }
0xb3: {  	_ =	task.clear_ibuf [dreg:s7], $0x7FFFF;
	_ =	strace $0x90000049  }
0xb4: {  	s29 =	simm.s32 $0x9;
	_ =	strace $0x8000004B  }
0xb5: {  	_ =	swait.ge [sflag:s29], $0x1  }
0xb6: {  	[sflag:s29] =	ssyncadd.s32 $0xFFFFFFFF  }
0xb7: {  	_ =	strace $0x9000004B  }
0xb8: {  	_ =	sfence  }
0xb9: {  	s30 =	sld [smem:$0x0];
	_ =	sdelay $0x2  }
0xba: {  	s31 =	sshll.u32 s1, $0xD;
	s1 =	sshrl.u32 s1, $0x2  }
0xbb: {  	s3 =	sand.u32 $0x4000, s31;
	s1 =	sadd.s32 s1, s30  }
0xbc: {  	s0 =	sor.u32 s3, s0;
	s1 =	sshll.u32 s1, $0x11  }
0xbd: {  	s0 =	sor.u32 s1, s0  }
0xbe: {  	s0 =	sadd.s32 $0x8F2B, s0  }
0xbf: {  	[sflag:s0] =	ssyncadd.remote.s32 $0x1  }
0xc0: {  	_ =	sfence.sel $0xFFFF  }
0xc1: {  	[dreg:$0x0] =	wrdreg $0xFFFFFFFF;
	(pc) =	sbr.abs _section_cstart, $3  }
0xc2: {  	[dreg:$0x1] =	wrdreg $0xFFFFFFFF  }
0xc3: {  	_ =	task.clear_ibuf [dreg:s7], $0x2FFFF;
	_ =	strace $0x9FFFFFFF  }
0xc4: {  	(tm) =	ssettm $0x7FFFFFFF  }
0xc5: {  	_ =	shalt  }
tec
execute0_lowered:
.L_overlay_start_1:
0x0: {  	(tag) =	ssettag $0x1  }
0x1: {  	s0 =	srdreg.scid;
	s2 =	rddreg [dreg:$0x0]  }
0x2: {  	s1 =	rddreg [dreg:$0x1];
	s7 =	stileid.u32  }
0x3: {  	s3 =	rddreg [dreg:$0x2];
	s16 =	simm.s32 $0x3;
	s19 =	simm.s32 $0x7110  }
0x4: {  	s20 =	simm.s32 $0x80;
	s21 =	simm.s32 $0x6900;
	s22 =	simm.s32 $0x5100  }
0x5: {  	s23 =	simm.s32 $0x5900;
	s24 =	simm.s32 $0x6100;
	s25 =	simm.s32 $0x1  }
0x6: {  	s26 =	simm.s32 $0x2;
	s28 =	simm.s32 $0x0;
	s0 =	sand.u32 $0x1, s0  }
0x7: {  	s12 =	smul.u32 $0x2780, s7;
	s31 =	sadd.s32 $0x17000, s2;
	s4 =	sshll.u32 s0, $0x4  }
0x8: {  	s8 =	smul.u32 $0x27800, s0;
	s0 =	ssub.s32 $0x2, s0;
	s5 =	sor.u32 s7, s4  }
0x9: {  	s4 =	rddreg [dreg:$0x3];
	s7 =	sadd.s32 $0x1C200, s2;
	s11 =	sshrl.u32 s0, $0x1  }
0xa: {  	s6 =	smul.u32 $0x510, s5;
	s5 =	simm.s32 $0x0;
	s9 =	sadd.s32 s12, s8  }
0xb: {  	s0 =	ssub.s32 s0, s11;
	s11 =	sadd.s32 s12, s3;
	s12 =	sadd.s32 s12, s4  }
0xc: {  	[smem:$0x7FF] =	sst s5;
	s9 =	sshrl.u32 s9, $0x3;
	s15 =	smax.u32 s0, $0x1  }
0xd: {  	_ =	strace $0x8000004A;
	s10 =	sadd.s32 s6, s2;
	s6 =	sadd.s32 $0x17200, s2  }
0xe: {  	[dreg:$0x5] =	wrdreg s31;
	s2 =	sadd.s32 s9, s2;
	s9 =	sadd.s32 $0xCE00, s10  }
0xf: {  	v0 =	vimm.f32 $0.0e+00;
	s10 =	sadd.s32 $0x2C00, s10;
	s13 =	sadd.s32 $0x2B000, s2;
	s14 =	sadd.s32 $0x21200, s2  }
.LBB2_1:
0x10: {  	[tilespmem:s5], [sflag:$0x3] =	stream.linear.gather [hbm4b:s9+s5], $0x2880, $0x38;
	[tilespmem:$0xE790] =	vst v63  }
0x11: {  	_ =	swait.ge [sflag:s16], $0x2880  }
0x12: {  	[sflag:s16] =	ssyncset.done $0x0  }
0x13: {  	s0 =	simm.s32 $0x2880;
	[sflag:s16] =	ssyncadd.s32 $0xFFFFD780  }
0x14: {  	[tilespmem:s0], [sflag:$0x3] =	stream.linear.gather [hbm4b:s10+s5], $0x2880, $0x38;
	[tilespmem:$0xE790] =	vst v63  }
0x15: {  	_ =	swait.ge [sflag:s16], $0x2880  }
0x16: {  	[sflag:s16] =	ssyncset.done $0x0  }
0x17: {  	s2 =	simm.s32 $0x7100;
	s31 =	rddreg [dreg:$0x5];
	[sflag:s16] =	ssyncadd.s32 $0xFFFFD780  }
0x18: {  	[tilespmem:s2], [sflag:$0x3] =	stream.linear.gather [hbm4b:s31+s5], $0x10, $0x38;
	[tilespmem:$0xE790] =	vst v63  }
0x19: {  	_ =	swait.ge [sflag:s16], $0x10  }
0x1a: {  	[sflag:s16] =	ssyncset.done $0x0  }
0x1b: {  	[sflag:s16] =	ssyncadd.s32 $0xFFFFFFF0  }
0x1c: {  	v1 =	vld [tilespmem:$0x7100];
	_ =	sdelay $0x3  }
0x1d: {  	s0 =	simm.s32 $0x40;
	s2 =	simm.s32 $0x0  }
.LBB2_2:
0x1e: {  	p0 =	sne.s32 s0, $0x9DC0;
	[tilespmem:s2+$0x7110] =	vst v0;
	s2 =	smov.u32 s0;
	s0 =	sadd.s32 $0x40, s0  }
.Ltmp0:
0x1f: {  	(pc) =	sbr.rel @p0 .LBB2_2-.Ltmp0, $2  }
0x20: {  	_ =	sdelay $0x2  }
0x21: {  	s2 =	sshra.s32 s2, $0x2  }
0x22: {  	[tilespmem:s2+$0x7110] =	vst v0  }
0x23: {  	[spmem:s11] =	stream.linear.scatter [tilespmem:s19], [sflag:$0x3], $0x2780, $0x38;
	[tilespmem:$0xE790] =	vst v63  }
0x24: {  	_ =	swait.ge [sflag:s16], $0x2780  }
0x25: {  	[sflag:s16] =	ssyncset.done $0x0  }
0x26: {  	[sflag:s16] =	ssyncadd.s32 $0xFFFFD880  }
0x27: {  	[spmem:s12] =	stream.linear.scatter [tilespmem:s19], [sflag:$0x3], $0x2780, $0x38;
	[tilespmem:$0xE790] =	vst v63  }
0x28: {  	_ =	swait.ge [sflag:s16], $0x2780  }
0x29: {  	[sflag:s16] =	ssyncset.done $0x0  }
0x2a: {  	[sflag:s16] =	ssyncadd.s32 $0xFFFFD880  }
0x2b: {  	s29 =	simm.s32 $0x0;
	[bflag:$0x0] =	sbarrier.arrive $0xFFFF  }
.LBB2_4:
0x2c: {  	p0 =	seq.s32 s29, $0x0  }
0x2d: {  	s0 =	simm.s32 @!p0 $0x2  }
0x2e: {  	_ =	swait.ge @!p0 [sflag:s0], $0x800  }
0x2f: {  	[sflag:s0] =	ssyncset.done @!p0 $0x0  }
0x30: {  	s18 =	sshll.u32 s29, $0x7;
	[sflag:s0] =	ssyncadd.s32 @!p0 $0xFFFFF800  }
0x31: {  	[tilespmem:s21], [sflag:$0x1] =	stream.indirect.gather [hbm4b:s1+s20], $0x10, s18, s20, $0xb8;
	[tilespmem:$0xE790] =	vst v63  }
0x32: {  	_ = 	snop  }
0x33: {  	[tilespmem:s22], [sflag:$0x3] =	stream.indirect.gather [hbm4b:s6+s20], $0x10, s18, s20, $0xb8;
	[tilespmem:$0xE790] =	vst v63  }
0x34: {  	_ =	swait.ge [sflag:s16], $0x800  }
0x35: {  	[sflag:s16] =	ssyncset.done $0x0  }
0x36: {  	s30 =	sadd.s32 $0x2880, s18;
	[sflag:s16] =	ssyncadd.s32 $0xFFFFF800  }
0x37: {  	[tilespmem:s23], [sflag:$0x3] =	stream.indirect.gather [hbm4b:s7+s20], $0x10, s30, s20, $0xb8;
	[tilespmem:$0xE790] =	vst v63  }
0x38: {  	_ =	swait.ge [sflag:s16], $0x800  }
0x39: {  	[sflag:s16] =	ssyncset.done $0x0  }
0x3a: {  	s31 =	simm.s32 $0x0;
	[sflag:s16] =	ssyncadd.s32 $0xFFFFF800  }
0x3b: {  	v2 =	vld [tilespmem:s31+$0x5100]  }
0x3c: {  	v3 =	vld [tilespmem:s31+$0x5900];
	_ =	sdelay $0x1  }
0x3d: {  	s2 =	simm.s32 $0x10  }
0x3e: {  	v4 =	vld [tilespmem:s2+$0x5100]  }
0x3f: {  	v5 =	vld [tilespmem:s2+$0x5900]  }
0x40: {  	v2 =	vadd.f32 v3, v2;
	_ =	sdelay $0x1  }
0x41: {  	v6 =	vmul.f32 $2.000000030e-01, v2  }
0x42: {  	vm0 =	vge.f32 v2, $0.0e+00  }
0x43: {  	v4 =	vadd.f32 v5, v4;
	v2 =	vsel vm0, v2, v6  }
0x44: {  	s0 =	simm.s32 $0x20;
	v2 =	vsub.f32 v2, v1  }
0x45: {  	v3 =	vld [tilespmem:s0+$0x5100];
	v7 =	vmul.f32 $2.000000030e-01, v4  }
0x46: {  	v5 =	vld [tilespmem:s0+$0x5900];
	vm14 =	vge.f32 v4, $0.0e+00;
	v2 =	vmul.f32 $1.442695020e+00, v2  }
0x47: {  	v4 =	vsel vm14, v4, v7  }
0x48: {  	v4 =	vsub.f32 v4, v1;
	(erf) = vpow2.f32 v2;
	_ =	sdelay $0x1  }
0x49: {  	s17 =	simm.s32 $0x30;
	v4 =	vmul.f32 $1.442695020e+00, v4  }
0x4a: {  	v5 =	vadd.f32 v5, v3;
	v3 =	vld [tilespmem:s17+$0x5900]  }
0x4b: {  	v2 =	vld [tilespmem:s17+$0x5100];
	(erf) = vpow2.f32 v4  }
0x4c: {  	v6 =	vmul.f32 $2.000000030e-01, v5  }
0x4d: {  	vm15 =	vge.f32 v5, $0.0e+00  }
0x4e: {  	s18 =	simm.s32 $0x100;
	v4 =	vsel vm15, v5, v6  }
.LBB2_5:
0x4f: {  	s8 =	sshra.s32 s18, $0x2;
	v4 =	vsub.f32 v4, v1;
	p0 =	sne.s32 s18, $0x1FC0  }
.Ltmp1:
0x50: {  	s18 =	sadd.s32 $0x40, s18;
	v5 =	vadd.f32 v3, v2;
	v2 =	vld [tilespmem:s8+$0x5100];
	v6 =	vpop (erf);
	(pc) =	sbr.rel @p0 .LBB2_5-.Ltmp1, $4  }
0x51: {  	v3 =	vld [tilespmem:s8+$0x5900];
	v4 =	vmul.f32 $1.442695020e+00, v4;
	[tilespmem:s31+$0x6100] =	vst v6;
	s31 =	smov.u32 s2;
	s2 =	smov.u32 s0;
	s0 =	smov.u32 s17  }
0x52: {  	s17 =	smov.u32 s8;
	v6 =	vmul.f32 $2.000000030e-01, v5  }
0x53: {  	vm0 =	vge.f32 v5, $0.0e+00;
	(erf) = vpow2.f32 v4  }
0x54: {  	v4 =	vsel vm0, v5, v6  }
0x55: {  	_ = 	snop  }
0x56: {  	v2 =	vadd.f32 v3, v2;
	_ =	sdelay $0x1  }
0x57: {  	v3 =	vmul.f32 $2.000000030e-01, v2  }
0x58: {  	vm0 =	vge.f32 v2, $0.0e+00  }
0x59: {  	v4 =	vsub.f32 v4, v1;
	v2 =	vsel vm0, v2, v3  }
0x5a: {  	v2 =	vsub.f32 v2, v1  }
0x5b: {  	v3 =	vmul.f32 $1.442695020e+00, v4  }
0x5c: {  	v2 =	vmul.f32 $1.442695020e+00, v2  }
0x5d: {  	(erf) = vpow2.f32 v3  }
0x5e: {  	(erf) = vpow2.f32 v2;
	_ =	sdelay $0x5  }
0x5f: {  	v2 =	vpop (erf)  }
0x60: {  	v3 =	vpop (erf);
	[tilespmem:s31+$0x6100] =	vst v2  }
0x61: {  	[tilespmem:s2+$0x6100] =	vst v3;
	v2 =	vpop (erf)  }
0x62: {  	[tilespmem:s0+$0x6100] =	vst v2;
	v2 =	vpop (erf)  }
0x63: {  	[tilespmem:s17+$0x6100] =	vst v2  }
0x64: {  	[spmem:s4] =	stream.indirect.scatter.add.f32 [tilespmem:s24], [sflag:$0x3], $0x10, s30, s20, $0xb8;
	[tilespmem:$0xE790] =	vst v63  }
0x65: {  	_ =	swait.ge [sflag:s16], $0x800  }
0x66: {  	[sflag:s16] =	ssyncset.done $0x0  }
0x67: {  	[sflag:s16] =	ssyncadd.s32 $0xFFFFF800  }
0x68: {  	_ =	swait.ge [sflag:s25], $0x800  }
0x69: {  	[sflag:s25] =	ssyncset.done $0x0  }
0x6a: {  	s0 =	simm.s32 $0x0;
	[sflag:s25] =	ssyncadd.s32 $0xFFFFF800  }
0x6b: {  	s2 =	simm.s32 $0x40;
	v2 =	vld [tilespmem:s0+$0x6100]  }
.LBB2_7:
0x6c: {  	p0 =	sne.s32 s2, $0x1FC0;
	v3 =	vld [tilespmem:s0+$0x6900];
	_ =	sdelay $0x2  }
.Ltmp2:
0x6d: {  	(pc) =	sbr.rel @p0 .LBB2_7-.Ltmp2, $4  }
0x6e: {  	_ = 	snop  }
0x6f: {  	v3 =	vmul.f32 v2, v3  }
0x70: {  	s8 =	sshra.s32 s2, $0x2  }
0x71: {  	s2 =	sadd.s32 $0x40, s2;
	v2 =	vld [tilespmem:s8+$0x6100];
	[tilespmem:s0+$0x6900] =	vst v3;
	s0 =	smov.u32 s8  }
0x72: {  	v3 =	vld [tilespmem:s0+$0x6900];
	_ =	sdelay $0x1  }
0x73: {  	s29 =	sadd.s32 $0x1, s29  }
0x74: {  	p0 =	sne.s32 s29, $0x51  }
.Ltmp3:
0x75: {  	_ = 	snop;
	(pc) =	sbr.rel @p0 .LBB2_4-.Ltmp3, $3  }
0x76: {  	v2 =	vmul.f32 v2, v3;
	_ =	sdelay $0x1  }
0x77: {  	[tilespmem:s0+$0x6900] =	vst v2  }
0x78: {  	[spmem:s3] =	stream.indirect.scatter.add.f32 [tilespmem:s21], [sflag:$0x2], $0x10, s30, s20, $0xb8;
	[tilespmem:$0xE790] =	vst v63  }
0x79: {  	_ =	swait.ge [sflag:s26], $0x800  }
0x7a: {  	s0 =	stileid.u32;
	[sflag:s26] =	ssyncset.done $0x0  }
0x7b: {  	s0 =	sshll.u32 s0, $0x6;
	[sflag:s26] =	ssyncadd.s32 $0xFFFFF800  }
0x7c: {  	s2 =	sshrl.u32 s11, $0x3;
	s0 =	sor.u32 $0x1C03, s0;
	[bflag:$0x0] =	sbarrier.arrive $0xFFFF  }
0x7d: {  	[hbm:s13], [sflag:s0] =	dma.local [spmem:s2], $0x4F0  }
0x7e: {  	s28 =	sadd.s32 $0x1, s28;
	_ =	swait.ge [sflag:s16], $0x4F0  }
0x7f: {  	p0 =	sne.s32 s28, s15;
	[sflag:s16] =	ssyncset.done $0x0  }
.Ltmp4:
0x80: {  	s31 =	sshrl.u32 s12, $0x3;
	[sflag:s16] =	ssyncadd.s32 $0xFFFFFB10;
	(pc) =	sbr.rel @p0 .LBB2_1-.Ltmp4, $4  }
0x81: {  	[hbm:s14], [sflag:s0] =	dma.local [spmem:s31], $0x4F0  }
0x82: {  	_ =	swait.ge [sflag:s16], $0x4F0  }
0x83: {  	[sflag:s16] =	ssyncset.done $0x0  }
0x84: {  	[sflag:s16] =	ssyncadd.s32 $0xFFFFFB10  }
0x85: {  	_ =	sfence.sel $0x180000  }
0x86: {  	[bflag:$0x0] =	sbarrier.arrive $0xFFFF  }
0x87: {  	_ =	strace $0x9000004A  }
0x88: {  	s0 =	stileid.u32;
	[bflag:$0x2] =	sbarrier.arrive $0xFFFF  }
0x89: {  	p0 =	sne.s32 s0, $0x0;
	s0 =	rddreg [dreg:$0x4]  }
0x8a: {  	s0 =	sadd.s32 @!p0 $0x100000, s0  }
0x8b: {  	[sflag:s0] =	ssyncadd.tile.s32 @!p0 $0x1;
	_ =	shalt  }
.Lfunc_end2:
_tile_overlayer_lowered:
.L_overlay_start_2:
0x8c: {  	(tag) =	ssettag $0x2  }
0x8d: {  	s0 =	rddreg [dreg:$0x0];
	s2 =	stileid.u32  }
0x8e: {  	s1 =	rddreg [dreg:$0x1];
	p0 =	sne.s32 s2, $0x0  }
0x8f: {  	s3 =	rddreg [dreg:$0x2];
	[bflag:$0x3] =	sbarrier.arrive $0xFFFF;
	s2 =	simm.s32 @!p0 $0x1C03  }
0x90: {  	[timem:s3], [sflag:s2] =	dma.local @!p0 [hbm:s0], s1  }
0x91: {  	s0 =	simm.s32 @!p0 $0x3  }
0x92: {  	_ =	swait.ge @!p0 [sflag:s0], s1  }
0x93: {  	s1 =	ssub.s32 @!p0 $0x0, s1;
	[sflag:s0] =	ssyncset.done @!p0 $0x0  }
0x94: {  	[sflag:s0] =	ssyncadd.s32 @!p0 s1  }
0x95: {  	[bflag:$0x3] =	sbarrier.arrive $0xFFFF  }
0x96: {  	_ =	shalt  }

// kernel: kernel.7.cloned.1.call-start
scs
__scs_entry_jumppad:
0x0: {  	(pc) =	sbr.rel $0x88, $3  }
0x1: {  	(tag) =	ssettag $0x0;
	lr =	simm.s32 $0x1  }
0x2: {  	[smem:$0x3F97] =	sst lr;
	_ =	strace $0xD0000000  }
0x3: {  	_ = 	snop  }
0x4: {  	_ = 	snop  }
0x5: {  	_ = 	snop  }
0x6: {  	_ = 	snop  }
0x7: {  	_ = 	snop  }
__scs_overlays_trampoline_lowered:
0x8: {  	[smem:$0x3FA6] =	sst s0  }
0x9: {  	[smem:$0x3FA7] =	sst s1  }
0xa: {  	[smem:$0x3FA8] =	sst s2  }
0xb: {  	[smem:$0x3FA9] =	sst s3  }
0xc: {  	[smem:$0x3FAA] =	sst s4  }
0xd: {  	[smem:$0x3FAB] =	sst s5  }
0xe: {  	[smem:$0x3FAC] =	sst s6  }
0xf: {  	[smem:$0x3FAD] =	sst s7  }
0x10: {  	[smem:$0x3FAE] =	sst s8  }
0x11: {  	[smem:$0x3FAF] =	sst s9;
	s0 =	simm.s32 @!p0 $0x0  }
0x12: {  	s1 =	sld [smem:$0x3F95];
	s0 =	simm.s32 @p0 $0x1  }
0x13: {  	[smem:$0x3FB0] =	sst s0;
	s0 =	simm.s32 @!p1 $0x0  }
0x14: {  	s2 =	sld [smem:$0x3F94];
	s0 =	simm.s32 @p1 $0x1  }
0x15: {  	[smem:$0x3FB1] =	sst s0;
	s0 =	simm.s32 @!p2 $0x0  }
0x16: {  	s3 =	sld [smem:$0x3FDB];
	s0 =	simm.s32 @p2 $0x1  }
0x17: {  	s4 =	simm.s32 $0x1BF5;
	[smem:$0x3FB3] =	sst s0  }
0x18: {  	s0 =	sld [smem:$0x3F96];
	_ =	swait.ge [sflag:s4], $0x0  }
0x19: {  	s7 =	sld [smem:$0x3F97]  }
0x1a: {  	s8 =	sadd.s32 $0xFFFFE003, lr  }
0x1b: {  	s9 =	sadd.s32 $0xFFFFFEF7, lr;
	s5 =	simm.s32 $0xFFFFFFFF;
	p2 =	slt.u32 s8, $0xFFFFF086  }
0x1c: {  	p1 =	slt.u32 s9, $0xF7A;
	s5 =	simm.s32 @!p2 $0x0  }
0x1d: {  	s5 =	simm.s32 @p1 $0x1;
	p0 =	seq.s32 s7, s2  }
0x1e: {  	s7 =	smul.u32 @!p0 $0xF7A, s2;
	p2 =	seq.s32 @!p0 s5, $0x0  }
0x1f: {  	s9 =	smul.u32 $0xF7A, s1;
	s8 =	simm.s32 @!p0 $0x1BF5;
	p2 =	por !p2, p0  }
0x20: {  	[sflag:s8] =	ssyncset.s32 @!p0 $0xFFFFF086;
	s6 =	sadd.s32 @!p0 s3, s7;
	s7 =	simm.s32 @!p0 $0x108  }
0x21: {  	s3 =	sadd.s32 s3, s9;
	s6 =	sadd.s32 @!p0 $0x88, s6;
	s7 =	simm.s32 @p2 $0x1082  }
0x22: {  	[simem:s7], [sflag:s8] =	dma.local @!p0 [hbm:s6], $0xF7A  }
0x23: {  	s9 =	sor.u32 $0xD0000000, s2;
	s6 =	simm.s32 $0x108;
	_ =	swait.ge @!p0 [sflag:s8], $0x0  }
0x24: {  	s3 =	sadd.s32 $0x88, s3;
	s6 =	simm.s32 @!p1 $0x1082;
	[sflag:s4] =	ssyncset.s32 $0xFFFFF086  }
0x25: {  	[simem:s6], [sflag:s4] =	dma.local [hbm:s3], $0xF7A  }
0x26: {  	[smem:$0x3F97] =	sst s1;
	(tag) =	ssettag s2;
	_ =	strace s9  }
0x27: {  	s1 =	sld [smem:$0x3FA7]  }
0x28: {  	s2 =	sld [smem:$0x3FA8]  }
0x29: {  	s4 =	sld [smem:$0x3FAA]  }
0x2a: {  	p0 =	seq.s32 s5, $0x0;
	s5 =	sld [smem:$0x3FAB]  }
0x2b: {  	s6 =	sld [smem:$0x3FAC]  }
0x2c: {  	s7 =	sld [smem:$0x3FAD]  }
0x2d: {  	s3 =	simm.s32 $0x108;
	s8 =	sld [smem:$0x3FAE]  }
0x2e: {  	s3 =	simm.s32 @!p0 $0x1082;
	s9 =	sld [smem:$0x3FAF]  }
0x2f: {  	lr =	sadd.s32 s0, s3;
	s0 =	sld [smem:$0x3FA6]  }
0x30: {  	s3 =	sld [smem:$0x3FA9]  }
0x31: {  	[smem:$0x3FB2] =	sst s10  }
0x32: {  	s10 =	sld [smem:$0x3FB0];
	_ =	sdelay $0x3  }
0x33: {  	p0 =	seq.s32 s10, $0x1;
	s10 =	sld [smem:$0x3FB2];
	_ =	sdelay $0x3  }
0x34: {  	[smem:$0x3FB2] =	sst s10  }
0x35: {  	s10 =	sld [smem:$0x3FB1];
	_ =	sdelay $0x3  }
0x36: {  	p1 =	seq.s32 s10, $0x1;
	s10 =	sld [smem:$0x3FB2];
	_ =	sdelay $0x3  }
0x37: {  	[smem:$0x3FB2] =	sst s10  }
0x38: {  	s10 =	sld [smem:$0x3FB3]  }
0x39: {  	_ = 	snop;
	(pc) =	sbr.ind lr, $3  }
0x3a: {  	_ = 	snop  }
0x3b: {  	_ = 	snop  }
0x3c: {  	p2 =	seq.s32 s10, $0x1;
	s10 =	sld [smem:$0x3FB2]  }
0x3d: {  	_ =	shalt  }
0x3e: {  	_ =	shalt  }
0x3f: {  	_ =	shalt  }
0x40: {  	_ =	shalt  }
0x41: {  	_ =	shalt  }
0x42: {  	_ =	shalt  }
0x43: {  	_ =	shalt  }
0x44: {  	_ =	shalt  }
0x45: {  	_ =	shalt  }
0x46: {  	_ =	shalt  }
0x47: {  	_ =	shalt  }
0x48: {  	_ =	shalt  }
0x49: {  	_ =	shalt  }
0x4a: {  	_ =	shalt  }
0x4b: {  	_ =	shalt  }
0x4c: {  	_ =	shalt  }
0x4d: {  	_ =	shalt  }
0x4e: {  	_ =	shalt  }
0x4f: {  	_ =	shalt  }
0x50: {  	_ =	shalt  }
0x51: {  	_ =	shalt  }
0x52: {  	_ =	shalt  }
0x53: {  	_ =	shalt  }
0x54: {  	_ =	shalt  }
0x55: {  	_ =	shalt  }
0x56: {  	_ =	shalt  }
0x57: {  	_ =	shalt  }
0x58: {  	_ =	shalt  }
0x59: {  	_ =	shalt  }
0x5a: {  	_ =	shalt  }
0x5b: {  	_ =	shalt  }
0x5c: {  	_ =	shalt  }
0x5d: {  	_ =	shalt  }
0x5e: {  	_ =	shalt  }
0x5f: {  	_ =	shalt  }
0x60: {  	_ =	shalt  }
0x61: {  	_ =	shalt  }
0x62: {  	_ =	shalt  }
0x63: {  	_ =	shalt  }
0x64: {  	_ =	shalt  }
0x65: {  	_ =	shalt  }
0x66: {  	_ =	shalt  }
0x67: {  	_ =	shalt  }
0x68: {  	_ =	shalt  }
0x69: {  	_ =	shalt  }
0x6a: {  	_ =	shalt  }
0x6b: {  	_ =	shalt  }
0x6c: {  	_ =	shalt  }
0x6d: {  	_ =	shalt  }
0x6e: {  	_ =	shalt  }
0x6f: {  	_ =	shalt  }
0x70: {  	_ =	shalt  }
0x71: {  	_ =	shalt  }
0x72: {  	_ =	shalt  }
0x73: {  	_ =	shalt  }
0x74: {  	_ =	shalt  }
0x75: {  	_ =	shalt  }
0x76: {  	_ =	shalt  }
0x77: {  	_ =	shalt  }
0x78: {  	_ =	shalt  }
0x79: {  	_ =	shalt  }
0x7a: {  	_ =	shalt  }
0x7b: {  	_ =	shalt  }
0x7c: {  	_ =	shalt  }
0x7d: {  	_ =	shalt  }
0x7e: {  	_ =	shalt  }
0x7f: {  	_ =	shalt  }
0x80: {  	_ =	shalt  }
0x81: {  	_ =	shalt  }
0x82: {  	_ =	shalt  }
0x83: {  	_ =	shalt  }
0x84: {  	_ =	shalt  }
0x85: {  	_ =	shalt  }
0x86: {  	_ =	shalt  }
0x87: {  	_ =	shalt  }
.Lfunc_end0:
.L_simem_size_0:
called_computation_lowered:
.L_overlay_start_0:
0x88: {  	s2 =	sld [smem:$0x3FD9]  }
0x89: {  	s3 =	sld [smem:$0x3FFE];
	_ =	sdelay $0x1  }
0x8a: {  	s1 =	srdreg.scid  }
0x8b: {  	s0 =	sand.u32 $0x1, s1  }
0x8c: {  	s17 =	sshll.u32 s0, $0xA;
	s2 =	sadd.s32 s3, s2  }
0x8d: {  	s2 =	sadd.s32 s2, s17  }
0x8e: {  	[smem:$0x3FBE] =	sst s2  }
0x8f: {  	_ = 	snop  }
0x90: {  	s2 =	sld [smem:$0x3FD0];
	(tm) =	ssettm $0x1  }
0x91: {  	s18 =	sld [smem:$0x3FFB];
	_ =	sdelay $0x3  }
0x92: {  	_ =	strace s18  }
0x93: {  	s3 =	sld [smem:$0x3FFC];
	_ =	sdelay $0x3  }
0x94: {  	_ =	strace s3  }
0x95: {  	s3 =	sld [smem:$0x3FFD];
	_ =	sdelay $0x3  }
0x96: {  	_ =	strace s3  }
0x97: {  	_ =	strace $0x8FFFFFFF  }
0x98: {  	s19 =	sld [smem:$0x3FDB];
	_ =	sdelay $0x1  }
0x99: {  	s4 =	simm.s32 $_scs_section_size  }
0x9a: {  	s5 =	simm.s32 $_size__tile_overlayer_lowered;
	s6 =	simm.s32 $_tile_overlayer_lowered  }
0x9b: {  	s22 =	simm.s32 $0x1BFF;
	s21 =	sshll.u32 s6, $0x1;
	s3 =	sadd.s32 s4, s19  }
0x9c: {  	s7 =	simm.s32 $0x0;
	s20 =	sshll.u32 s5, $0x1;
	s5 =	sadd.s32 s21, s3  }
0x9d: {  	[timem:s7], [sflag:s22] =	dma.local [hbm:s5], s20  }
0x9e: {  	_ =	swait.ge [sflag:s22], s20  }
0x9f: {  	s4 =	ssub.s32 $0x0, s20;
	[sflag:s22] =	ssyncset.done $0x0  }
0xa0: {  	[sflag:s22] =	ssyncadd.s32 s4;
	_ =	sdelay $0x1  }
0xa1: {  	s23 =	simm.s32 $0x1B8B  }
0xa2: {  	_ =	swait.ge [sflag:s23], $0x1  }
0xa3: {  	[sflag:s23] =	ssyncset.done $0x0  }
0xa4: {  	s25 =	simm.s32 $0x1B8E;
	s24 =	sld [smem:$0x3FFE];
	[sflag:s23] =	ssyncadd.s32 $0xFFFFFFFF  }
0xa5: {  	s26 =	simm.s32 $execute0_lowered;
	[smem:$0x3FD2] =	sst s25  }
0xa6: {  	s5 =	sshll.u32 s26, $0x1;
	_ =	strace $0x80000046;
	[dreg:$0x1] =	wrdreg $0xFFFFFFFF  }
0xa7: {  	s28 =	simm.s32 $_size_execute0_lowered;
	s3 =	sadd.s32 s3, s5;
	[dreg:$0x0] =	wrdreg $0x0  }
0xa8: {  	s5 =	sshll.u32 s28, $0x1;
	[dreg:$0x2] =	wrdreg s3  }
0xa9: {  	[dreg:$0x3] =	wrdreg s5  }
0xaa: {  	[dreg:$0x4] =	wrdreg $0xC0  }
0xab: {  	_ =	task [dreg:s7], $0x5FFFF  }
0xac: {  	[dreg:$0x1] =	wrdreg $0xFFFFFFFF  }
0xad: {  	[dreg:$0x0] =	wrdreg $0x60  }
0xae: {  	[dreg:$0x2] =	wrdreg s24  }
0xaf: {  	[dreg:$0x3] =	wrdreg s2  }
0xb0: {  	[dreg:$0x4] =	wrdreg $0x100900  }
0xb1: {  	[dreg:$0x5] =	wrdreg $0x19E900  }
0xb2: {  	[dreg:$0x6] =	wrdreg $0x9  }
0xb3: {  	_ =	task.clear_ibuf [dreg:s7], $0x7FFFF;
	_ =	strace $0x90000046  }
0xb4: {  	s29 =	simm.s32 $0x9;
	_ =	strace $0x80000048  }
0xb5: {  	_ =	swait.ge [sflag:s29], $0x1  }
0xb6: {  	[sflag:s29] =	ssyncadd.s32 $0xFFFFFFFF  }
0xb7: {  	_ =	strace $0x90000048  }
0xb8: {  	_ =	sfence  }
0xb9: {  	s30 =	sld [smem:$0x0];
	_ =	sdelay $0x2  }
0xba: {  	s31 =	sshll.u32 s1, $0xD;
	s1 =	sshrl.u32 s1, $0x2  }
0xbb: {  	s3 =	sand.u32 $0x4000, s31;
	s1 =	sadd.s32 s1, s30  }
0xbc: {  	s0 =	sor.u32 s3, s0;
	s1 =	sshll.u32 s1, $0x11  }
0xbd: {  	s0 =	sor.u32 s1, s0  }
0xbe: {  	s0 =	sadd.s32 $0x8F2B, s0  }
0xbf: {  	[sflag:s0] =	ssyncadd.remote.s32 $0x1  }
0xc0: {  	_ =	sfence.sel $0xFFFF  }
0xc1: {  	[dreg:$0x0] =	wrdreg $0xFFFFFFFF;
	(pc) =	sbr.abs _section_cstart, $3  }
0xc2: {  	[dreg:$0x1] =	wrdreg $0xFFFFFFFF  }
0xc3: {  	_ =	task.clear_ibuf [dreg:s7], $0x2FFFF;
	_ =	strace $0x9FFFFFFF  }
0xc4: {  	(tm) =	ssettm $0x7FFFFFFF  }
0xc5: {  	_ =	shalt  }
tec
execute0_lowered:
.L_overlay_start_1:
0x0: {  	(tag) =	ssettag $0x1  }
0x1: {  	s1 =	rddreg [dreg:$0x0]  }
0x2: {  	s0 =	rddreg [dreg:$0x1]  }
0x3: {  	s2 =	srdreg.scid;
	s3 =	rddreg [dreg:$0x2]  }
0x4: {  	s4 =	rddreg [dreg:$0x3];
	s13 =	stileid.u32  }
0x5: {  	s6 =	simm.s32 $0x0;
	s28 =	simm.s32 $0x3;
	s31 =	simm.s32 $0x8910  }
0x6: {  	s29 =	simm.s32 $0x80;
	s30 =	simm.s32 $0x6900;
	s2 =	sand.u32 $0x1, s2  }
0x7: {  	[smem:$0x7FF] =	sst s6;
	s6 =	sadd.s32 $0x17200, s1;
	s10 =	smul.u32 $0x2780, s13  }
0x8: {  	s7 =	sadd.s32 $0x1C200, s1;
	s8 =	sadd.s32 $0x2FE00, s1;
	s9 =	sadd.s32 $0x43A00, s1  }
0x9: {  	s12 =	sadd.s32 $0x92A00, s1;
	s5 =	sshll.u32 s2, $0x4;
	s15 =	smul.u32 $0x9E000, s2  }
0xa: {  	s14 =	sadd.s32 $0x6B200, s1;
	s5 =	sor.u32 s13, s5;
	s13 =	smul.u32 $0x9E00, s13  }
0xb: {  	s16 =	sadd.s32 $0xBA200, s1;
	s17 =	sadd.s32 $0xE1A00, s1;
	_ =	strace $0x80000047  }
0xc: {  	s11 =	smul.u32 $0x27800, s2;
	s2 =	ssub.s32 $0x2, s2;
	s18 =	sadd.s32 s13, s15  }
0xd: {  	s20 =	sshrl.u32 s2, $0x1;
	s5 =	smul.u32 $0x510, s5;
	s18 =	sshrl.u32 s18, $0x3  }
0xe: {  	s11 =	sadd.s32 s10, s11;
	s19 =	sadd.s32 $0x4E00, s13;
	s24 =	sadd.s32 s12, s18  }
0xf: {  	s5 =	sadd.s32 s5, s1;
	s25 =	sadd.s32 s14, s18;
	[dreg:$0x5] =	wrdreg s24  }
0x10: {  	s15 =	sadd.s32 s15, s19;
	s21 =	sadd.s32 s17, s18;
	[dreg:$0x7] =	wrdreg s25  }
0x11: {  	s15 =	sshrl.u32 s15, $0x3;
	s23 =	sadd.s32 $0xCE00, s5;
	[dreg:$0xb] =	wrdreg s21  }
0x12: {  	s2 =	ssub.s32 s2, s20;
	s12 =	sadd.s32 s12, s15;
	[dreg:$0xe] =	wrdreg s23  }
0x13: {  	s11 =	sshrl.u32 s11, $0x3;
	s26 =	sadd.s32 s14, s15;
	[dreg:$0x6] =	wrdreg s12  }
0x14: {  	s11 =	sadd.s32 s11, s1;
	s14 =	sadd.s32 s16, s18;
	[dreg:$0x8] =	wrdreg s26  }
0x15: {  	s20 =	sadd.s32 s16, s15;
	s22 =	sadd.s32 s17, s15;
	[dreg:$0x9] =	wrdreg s14  }
0x16: {  	s18 =	sadd.s32 $0x57600, s1;
	s1 =	sadd.s32 $0x17000, s1;
	[dreg:$0xa] =	wrdreg s20  }
0x17: {  	s24 =	sadd.s32 $0x2C00, s5;
	s23 =	sadd.s32 s19, s3;
	[dreg:$0xc] =	wrdreg s22  }
0x18: {  	s25 =	sadd.s32 $0x109200, s11;
	s11 =	simm.s32 $0x1;
	[dreg:$0xd] =	wrdreg s1  }
0x19: {  	[dreg:$0xf] =	wrdreg s24;
	s22 =	sadd.s32 s13, s3;
	s24 =	sadd.s32 s10, s4  }
0x1a: {  	[dreg:$0x11] =	wrdreg s25;
	s26 =	smax.u32 s2, $0x1;
	s1 =	simm.s32 $0x5100  }
0x1b: {  	s2 =	simm.s32 $0x5900;
	s10 =	simm.s32 $0x6100;
	[dreg:$0x12] =	wrdreg s26  }
0x1c: {  	v0 =	vimm.f32 $0.0e+00;
	s12 =	simm.s32 $0x2;
	s13 =	simm.s32 $0x0;
	[dreg:$0x10] =	wrdreg s24  }
.LBB2_1:
0x1d: {  	s5 =	simm.s32 $0x0;
	s14 =	rddreg [dreg:$0xe]  }
0x1e: {  	[tilespmem:s5], [sflag:$0x3] =	stream.linear.gather [hbm4b:s14+s5], $0x2880, $0x38;
	[tilespmem:$0x1C610] =	vst v63  }
0x1f: {  	_ =	swait.ge [sflag:s28], $0x2880  }
0x20: {  	[sflag:s28] =	ssyncset.done $0x0  }
0x21: {  	s15 =	simm.s32 $0x2880;
	s21 =	rddreg [dreg:$0xf];
	[sflag:s28] =	ssyncadd.s32 $0xFFFFD780  }
0x22: {  	[tilespmem:s15], [sflag:$0x3] =	stream.linear.gather [hbm4b:s21+s5], $0x2880, $0x38;
	[tilespmem:$0x1C610] =	vst v63  }
0x23: {  	_ =	swait.ge [sflag:s28], $0x2880  }
0x24: {  	[sflag:s28] =	ssyncset.done $0x0  }
0x25: {  	s26 =	simm.s32 $0x8900;
	s25 =	rddreg [dreg:$0xd];
	[sflag:s28] =	ssyncadd.s32 $0xFFFFD780  }
0x26: {  	[tilespmem:s26], [sflag:$0x3] =	stream.linear.gather [hbm4b:s25+s5], $0x10, $0x38;
	[tilespmem:$0x1C610] =	vst v63  }
0x27: {  	_ =	swait.ge [sflag:s28], $0x10  }
0x28: {  	[sflag:s28] =	ssyncset.done $0x0  }
0x29: {  	[sflag:s28] =	ssyncadd.s32 $0xFFFFFFF0  }
0x2a: {  	v1 =	vld [tilespmem:$0x8900];
	_ =	sdelay $0x3  }
0x2b: {  	s5 =	simm.s32 $0x0  }
.LBB2_2:
0x2c: {  	p0 =	sne.s32 s5, $0x13F00  }
.Ltmp0:
0x2d: {  	s14 =	sshra.s32 s5, $0x2;
	(pc) =	sbr.rel @p0 .LBB2_2-.Ltmp0, $4  }
0x2e: {  	[tilespmem:s14+$0x8910] =	vst v0  }
0x2f: {  	[tilespmem:s14+$0x8920] =	vst v0  }
0x30: {  	[tilespmem:s14+$0x8930] =	vst v0  }
0x31: {  	s5 =	sadd.s32 $0x100, s5;
	[tilespmem:s14+$0x8940] =	vst v0  }
0x32: {  	s5 =	simm.s32 $0x40;
	s14 =	simm.s32 $0x0  }
.LBB2_4:
0x33: {  	p0 =	sne.s32 s5, $0x9DC0;
	[tilespmem:s14+$0xD910] =	vst v0;
	s14 =	smov.u32 s5;
	s5 =	sadd.s32 $0x40, s5  }
.Ltmp1:
0x34: {  	(pc) =	sbr.rel @p0 .LBB2_4-.Ltmp1, $2  }
0x35: {  	_ =	sdelay $0x2  }
0x36: {  	s14 =	sshra.s32 s14, $0x2  }
0x37: {  	[tilespmem:s14+$0xD910] =	vst v0  }
0x38: {  	[spmem:s22] =	stream.linear.scatter [tilespmem:s31], [sflag:$0x3], $0x4E00, $0x38;
	[tilespmem:$0x1C610] =	vst v63  }
0x39: {  	_ =	swait.ge [sflag:s28], $0x4E00  }
0x3a: {  	[sflag:s28] =	ssyncset.done $0x0  }
0x3b: {  	[sflag:s28] =	ssyncadd.s32 $0xFFFFB200  }
0x3c: {  	[spmem:s23] =	stream.linear.scatter [tilespmem:s31], [sflag:$0x3], $0x5000, $0x38;
	[tilespmem:$0x1C610] =	vst v63  }
0x3d: {  	_ =	swait.ge [sflag:s28], $0x5000  }
0x3e: {  	[sflag:s28] =	ssyncset.done $0x0  }
0x3f: {  	s5 =	simm.s32 $0xD910;
	[sflag:s28] =	ssyncadd.s32 $0xFFFFB000  }
0x40: {  	[spmem:s24] =	stream.linear.scatter [tilespmem:s5], [sflag:$0x3], $0x2780, $0x38;
	[tilespmem:$0x1C610] =	vst v63  }
0x41: {  	_ =	swait.ge [sflag:s28], $0x2780  }
0x42: {  	[sflag:s28] =	ssyncset.done $0x0  }
0x43: {  	[sflag:s28] =	ssyncadd.s32 $0xFFFFD880  }
0x44: {  	s14 =	simm.s32 $0x0;
	[bflag:$0x0] =	sbarrier.arrive $0xFFFF  }
.LBB2_6:
0x45: {  	p0 =	seq.s32 s14, $0x0  }
0x46: {  	s5 =	simm.s32 @!p0 $0x2  }
0x47: {  	_ =	swait.ge @!p0 [sflag:s5], $0x2000  }
0x48: {  	[sflag:s5] =	ssyncset.done @!p0 $0x0  }
0x49: {  	s26 =	sshll.u32 s14, $0x7;
	[sflag:s5] =	ssyncadd.s32 @!p0 $0xFFFFE000  }
0x4a: {  	[tilespmem:s30], [sflag:$0x1] =	stream.indirect.gather [hbm4b:s7+s29], $0x40, s26, s29, $0xb8;
	[tilespmem:$0x1C610] =	vst v63  }
0x4b: {  	_ = 	snop  }
0x4c: {  	[tilespmem:s1], [sflag:$0x3] =	stream.indirect.gather [hbm4b:s0+s29], $0x10, s26, s29, $0xb8;
	[tilespmem:$0x1C610] =	vst v63  }
0x4d: {  	_ =	swait.ge [sflag:s28], $0x800  }
0x4e: {  	[sflag:s28] =	ssyncset.done $0x0  }
0x4f: {  	s15 =	sadd.s32 $0x2880, s26;
	[sflag:s28] =	ssyncadd.s32 $0xFFFFF800  }
0x50: {  	[tilespmem:s2], [sflag:$0x3] =	stream.indirect.gather [hbm4b:s6+s29], $0x10, s15, s29, $0xb8;
	[tilespmem:$0x1C610] =	vst v63  }
0x51: {  	_ =	swait.ge [sflag:s28], $0x800  }
0x52: {  	[sflag:s28] =	ssyncset.done $0x0  }
0x53: {  	s16 =	simm.s32 $0x0;
	[sflag:s28] =	ssyncadd.s32 $0xFFFFF800  }
0x54: {  	v2 =	vld [tilespmem:s16+$0x5100]  }
0x55: {  	v3 =	vld [tilespmem:s16+$0x5900];
	_ =	sdelay $0x1  }
0x56: {  	s17 =	simm.s32 $0x10  }
0x57: {  	v4 =	vld [tilespmem:s17+$0x5100]  }
0x58: {  	v5 =	vld [tilespmem:s17+$0x5900]  }
0x59: {  	v2 =	vadd.f32 v3, v2;
	_ =	sdelay $0x1  }
0x5a: {  	v6 =	vmul.f32 $2.000000030e-01, v2  }
0x5b: {  	vm0 =	vge.f32 v2, $0.0e+00  }
0x5c: {  	v4 =	vadd.f32 v5, v4;
	v2 =	vsel vm0, v2, v6  }
0x5d: {  	s19 =	simm.s32 $0x20;
	v2 =	vsub.f32 v2, v1  }
0x5e: {  	v3 =	vld [tilespmem:s19+$0x5100];
	v7 =	vmul.f32 $2.000000030e-01, v4  }
0x5f: {  	v5 =	vld [tilespmem:s19+$0x5900];
	vm14 =	vge.f32 v4, $0.0e+00;
	v2 =	vmul.f32 $1.442695020e+00, v2  }
0x60: {  	v4 =	vsel vm14, v4, v7  }
0x61: {  	v4 =	vsub.f32 v4, v1;
	(erf) = vpow2.f32 v2;
	_ =	sdelay $0x1  }
0x62: {  	s20 =	simm.s32 $0x30;
	v4 =	vmul.f32 $1.442695020e+00, v4  }
0x63: {  	v5 =	vadd.f32 v5, v3;
	v3 =	vld [tilespmem:s20+$0x5900]  }
0x64: {  	v2 =	vld [tilespmem:s20+$0x5100];
	(erf) = vpow2.f32 v4  }
0x65: {  	v6 =	vmul.f32 $2.000000030e-01, v5  }
0x66: {  	vm15 =	vge.f32 v5, $0.0e+00  }
0x67: {  	s21 =	simm.s32 $0x100;
	v4 =	vsel vm15, v5, v6  }
.LBB2_7:
0x68: {  	s5 =	sshra.s32 s21, $0x2;
	v4 =	vsub.f32 v4, v1;
	p0 =	sne.s32 s21, $0x1FC0  }
.Ltmp2:
0x69: {  	s21 =	sadd.s32 $0x40, s21;
	v5 =	vadd.f32 v3, v2;
	v2 =	vld [tilespmem:s5+$0x5100];
	v6 =	vpop (erf);
	(pc) =	sbr.rel @p0 .LBB2_7-.Ltmp2, $4  }
0x6a: {  	v3 =	vld [tilespmem:s5+$0x5900];
	v4 =	vmul.f32 $1.442695020e+00, v4;
	[tilespmem:s16+$0x6100] =	vst v6;
	s16 =	smov.u32 s17;
	s17 =	smov.u32 s19;
	s19 =	smov.u32 s20  }
0x6b: {  	s20 =	smov.u32 s5;
	v6 =	vmul.f32 $2.000000030e-01, v5  }
0x6c: {  	vm0 =	vge.f32 v5, $0.0e+00;
	(erf) = vpow2.f32 v4  }
0x6d: {  	v4 =	vsel vm0, v5, v6  }
0x6e: {  	_ = 	snop  }
0x6f: {  	v2 =	vadd.f32 v3, v2;
	_ =	sdelay $0x1  }
0x70: {  	v3 =	vmul.f32 $2.000000030e-01, v2  }
0x71: {  	vm0 =	vge.f32 v2, $0.0e+00  }
0x72: {  	v4 =	vsub.f32 v4, v1;
	v2 =	vsel vm0, v2, v3  }
0x73: {  	v2 =	vsub.f32 v2, v1  }
0x74: {  	v3 =	vmul.f32 $1.442695020e+00, v4  }
0x75: {  	v2 =	vmul.f32 $1.442695020e+00, v2  }
0x76: {  	(erf) = vpow2.f32 v3  }
0x77: {  	(erf) = vpow2.f32 v2;
	_ =	sdelay $0x5  }
0x78: {  	v2 =	vpop (erf)  }
0x79: {  	v3 =	vpop (erf);
	[tilespmem:s16+$0x6100] =	vst v2  }
0x7a: {  	[tilespmem:s17+$0x6100] =	vst v3;
	v2 =	vpop (erf)  }
0x7b: {  	[tilespmem:s19+$0x6100] =	vst v2;
	v2 =	vpop (erf)  }
0x7c: {  	[tilespmem:s20+$0x6100] =	vst v2  }
0x7d: {  	[spmem:s4] =	stream.indirect.scatter.add.f32 [tilespmem:s10], [sflag:$0x3], $0x10, s15, s29, $0xb8;
	[tilespmem:$0x1C610] =	vst v63  }
0x7e: {  	_ =	swait.ge [sflag:s28], $0x800  }
0x7f: {  	[sflag:s28] =	ssyncset.done $0x0  }
0x80: {  	[sflag:s28] =	ssyncadd.s32 $0xFFFFF800  }
0x81: {  	_ =	swait.ge [sflag:s11], $0x2000  }
0x82: {  	[sflag:s11] =	ssyncset.done $0x0  }
0x83: {  	s16 =	simm.s32 $0x6920;
	[sflag:s11] =	ssyncadd.s32 $0xFFFFE000  }
0x84: {  	s5 =	simm.s32 $0x0;
	s17 =	simm.s32 $0x6920;
	s19 =	simm.s32 $0x40;
	v2 =	vld [tilespmem:s16+$0xFFFFFFF0]  }
.LBB2_9:
0x85: {  	p0 =	sne.s32 s19, $0x1FC0;
	v3 =	vld [tilespmem:s5+$0x6100]  }
0x86: {  	v4 =	vld [tilespmem:s16+$0x10]  }
0x87: {  	v5 =	vld [tilespmem:s16+$0xFFFFFFE0]  }
0x88: {  	v6 =	vld [tilespmem:s16+$0x0];
	_ =	sdelay $0x1  }
0x89: {  	v7 =	vbroadcast v3, $0x0;
	v3 =	vbroadcast v3, $0x1;
	_ =	sdelay $0x1  }
0x8a: {  	v5 =	vmul.f32 v7, v5;
	v2 =	vmul.f32 v2, v7  }
.Ltmp3:
0x8b: {  	v6 =	vmul.f32 v6, v3;
	v3 =	vmul.f32 v4, v3;
	(pc) =	sbr.rel @p0 .LBB2_9-.Ltmp3, $4  }
0x8c: {  	[tilespmem:s16+$0xFFFFFFE0] =	vst v5  }
0x8d: {  	[tilespmem:s16+$0xFFFFFFF0] =	vst v2  }
0x8e: {  	s16 =	sadd.s32 $0x40, s16;
	[tilespmem:s17+$0x0] =	vst v6  }
0x8f: {  	s5 =	sshra.s32 s19, $0x2;
	s19 =	sadd.s32 $0x40, s19;
	v2 =	vld [tilespmem:s16+$0xFFFFFFF0];
	[tilespmem:s17+$0x10] =	vst v3;
	s17 =	smov.u32 s16  }
0x90: {  	v3 =	vld [tilespmem:s5+$0x6100];
	_ =	sdelay $0x1  }
0x91: {  	v4 =	vld [tilespmem:s16+$0xFFFFFFE0];
	_ =	sdelay $0x1  }
0x92: {  	v5 =	vld [tilespmem:s16+$0x0]  }
0x93: {  	v6 =	vld [tilespmem:s16+$0x10];
	v7 =	vbroadcast v3, $0x0;
	_ =	sdelay $0x1  }
0x94: {  	s14 =	sadd.s32 $0x1, s14;
	v3 =	vbroadcast v3, $0x1;
	v4 =	vmul.f32 v7, v4  }
0x95: {  	p0 =	sne.s32 s14, $0x51;
	v2 =	vmul.f32 v2, v7  }
.Ltmp4:
0x96: {  	v5 =	vmul.f32 v5, v3;
	[tilespmem:s16+$0xFFFFFFE0] =	vst v4;
	(pc) =	sbr.rel @p0 .LBB2_6-.Ltmp4, $4  }
0x97: {  	v3 =	vmul.f32 v6, v3;
	[tilespmem:s16+$0xFFFFFFF0] =	vst v2  }
0x98: {  	[tilespmem:s17+$0x0] =	vst v5  }
0x99: {  	[tilespmem:s17+$0x10] =	vst v3  }
0x9a: {  	[spmem:s3] =	stream.indirect.scatter.add.f32 [tilespmem:s30], [sflag:$0x2], $0x40, s15, s29, $0xb8;
	[tilespmem:$0x1C610] =	vst v63  }
0x9b: {  	_ =	swait.ge [sflag:s12], $0x2000  }
0x9c: {  	[sflag:s12] =	ssyncset.done $0x0  }
0x9d: {  	s5 =	stileid.u32;
	[sflag:s12] =	ssyncadd.s32 $0xFFFFE000  }
0x9e: {  	s5 =	sshll.u32 s5, $0x6;
	[bflag:$0x0] =	sbarrier.arrive $0xFFFF  }
0x9f: {  	s15 =	sshrl.u32 s22, $0x3;
	s14 =	sor.u32 $0x1C03, s5;
	s21 =	rddreg [dreg:$0x5]  }
0xa0: {  	[hbm:s21], [sflag:s14] =	dma.local [spmem:s15], $0x9C0  }
0xa1: {  	_ =	swait.ge [sflag:s28], $0x9C0  }
0xa2: {  	[sflag:s28] =	ssyncset.done $0x0  }
0xa3: {  	s16 =	sshrl.u32 s23, $0x3;
	s25 =	rddreg [dreg:$0x6];
	[sflag:s28] =	ssyncadd.s32 $0xFFFFF640  }
0xa4: {  	[hbm:s25], [sflag:s14] =	dma.local [spmem:s16], $0xA00  }
0xa5: {  	_ =	swait.ge [sflag:s28], $0xA00  }
0xa6: {  	[sflag:s28] =	ssyncset.done $0x0  }
0xa7: {  	s26 =	sshrl.u32 s24, $0x3;
	s17 =	rddreg [dreg:$0x11];
	[sflag:s28] =	ssyncadd.s32 $0xFFFFF600  }
0xa8: {  	[hbm:s17], [sflag:s14] =	dma.local [spmem:s26], $0x4F0  }
0xa9: {  	_ =	swait.ge [sflag:s28], $0x4F0  }
0xaa: {  	[sflag:s28] =	ssyncset.done $0x0  }
0xab: {  	[sflag:s28] =	ssyncadd.s32 $0xFFFFFB10  }
0xac: {  	[spmem:s22] =	stream.linear.scatter [tilespmem:s31], [sflag:$0x3], $0x4E00, $0x38;
	[tilespmem:$0x1C610] =	vst v63  }
0xad: {  	_ =	swait.ge [sflag:s28], $0x4E00  }
0xae: {  	[sflag:s28] =	ssyncset.done $0x0  }
0xaf: {  	[sflag:s28] =	ssyncadd.s32 $0xFFFFB200  }
0xb0: {  	[spmem:s23] =	stream.linear.scatter [tilespmem:s31], [sflag:$0x3], $0x5000, $0x38;
	[tilespmem:$0x1C610] =	vst v63  }
0xb1: {  	_ =	swait.ge [sflag:s28], $0x5000  }
0xb2: {  	[sflag:s28] =	ssyncset.done $0x0  }
0xb3: {  	[sflag:s28] =	ssyncadd.s32 $0xFFFFB000  }
0xb4: {  	s17 =	simm.s32 $0x0;
	[bflag:$0x0] =	sbarrier.arrive $0xFFFF  }
.LBB2_12:
0xb5: {  	p0 =	seq.s32 s17, $0x0  }
0xb6: {  	s5 =	simm.s32 @!p0 $0x2  }
0xb7: {  	_ =	swait.ge @!p0 [sflag:s5], $0x2000  }
0xb8: {  	[sflag:s5] =	ssyncset.done @!p0 $0x0  }
0xb9: {  	s26 =	sshll.u32 s17, $0x7;
	[sflag:s5] =	ssyncadd.s32 @!p0 $0xFFFFE000  }
0xba: {  	[tilespmem:s30], [sflag:$0x1] =	stream.indirect.gather [hbm4b:s8+s29], $0x40, s26, s29, $0xb8;
	[tilespmem:$0x1C610] =	vst v63  }
0xbb: {  	_ = 	snop  }
0xbc: {  	[tilespmem:s1], [sflag:$0x3] =	stream.indirect.gather [hbm4b:s0+s29], $0x10, s26, s29, $0xb8;
	[tilespmem:$0x1C610] =	vst v63  }
0xbd: {  	_ =	swait.ge [sflag:s28], $0x800  }
0xbe: {  	[sflag:s28] =	ssyncset.done $0x0  }
0xbf: {  	s19 =	sadd.s32 $0x2880, s26;
	[sflag:s28] =	ssyncadd.s32 $0xFFFFF800  }
0xc0: {  	[tilespmem:s2], [sflag:$0x3] =	stream.indirect.gather [hbm4b:s6+s29], $0x10, s19, s29, $0xb8;
	[tilespmem:$0x1C610] =	vst v63  }
0xc1: {  	_ =	swait.ge [sflag:s28], $0x800  }
0xc2: {  	[sflag:s28] =	ssyncset.done $0x0  }
0xc3: {  	s20 =	simm.s32 $0x0;
	[sflag:s28] =	ssyncadd.s32 $0xFFFFF800  }
0xc4: {  	v2 =	vld [tilespmem:s20+$0x5100]  }
0xc5: {  	v3 =	vld [tilespmem:s20+$0x5900];
	_ =	sdelay $0x1  }
0xc6: {  	s21 =	simm.s32 $0x10  }
0xc7: {  	v4 =	vld [tilespmem:s21+$0x5100]  }
0xc8: {  	v5 =	vld [tilespmem:s21+$0x5900]  }
0xc9: {  	v2 =	vadd.f32 v3, v2;
	_ =	sdelay $0x1  }
0xca: {  	v6 =	vmul.f32 $2.000000030e-01, v2  }
0xcb: {  	vm0 =	vge.f32 v2, $0.0e+00  }
0xcc: {  	v4 =	vadd.f32 v5, v4;
	v2 =	vsel vm0, v2, v6  }
0xcd: {  	s25 =	simm.s32 $0x20;
	v2 =	vsub.f32 v2, v1  }
0xce: {  	v3 =	vld [tilespmem:s25+$0x5100];
	v7 =	vmul.f32 $2.000000030e-01, v4  }
0xcf: {  	v5 =	vld [tilespmem:s25+$0x5900];
	vm14 =	vge.f32 v4, $0.0e+00;
	v2 =	vmul.f32 $1.442695020e+00, v2  }
0xd0: {  	v4 =	vsel vm14, v4, v7  }
0xd1: {  	v4 =	vsub.f32 v4, v1;
	(erf) = vpow2.f32 v2;
	_ =	sdelay $0x1  }
0xd2: {  	s26 =	simm.s32 $0x30;
	v4 =	vmul.f32 $1.442695020e+00, v4  }
0xd3: {  	v5 =	vadd.f32 v5, v3;
	v3 =	vld [tilespmem:s26+$0x5900]  }
0xd4: {  	v2 =	vld [tilespmem:s26+$0x5100];
	(erf) = vpow2.f32 v4  }
0xd5: {  	v6 =	vmul.f32 $2.000000030e-01, v5  }
0xd6: {  	vm15 =	vge.f32 v5, $0.0e+00  }
0xd7: {  	s5 =	simm.s32 $0x100;
	v4 =	vsel vm15, v5, v6  }
.LBB2_13:
0xd8: {  	s24 =	sshra.s32 s5, $0x2;
	v4 =	vsub.f32 v4, v1;
	p0 =	sne.s32 s5, $0x1FC0  }
.Ltmp5:
0xd9: {  	s5 =	sadd.s32 $0x40, s5;
	v5 =	vadd.f32 v3, v2;
	v2 =	vld [tilespmem:s24+$0x5100];
	v6 =	vpop (erf);
	(pc) =	sbr.rel @p0 .LBB2_13-.Ltmp5, $4  }
0xda: {  	v3 =	vld [tilespmem:s24+$0x5900];
	v4 =	vmul.f32 $1.442695020e+00, v4;
	[tilespmem:s20+$0x6100] =	vst v6;
	s20 =	smov.u32 s21;
	s21 =	smov.u32 s25;
	s25 =	smov.u32 s26  }
0xdb: {  	s26 =	smov.u32 s24;
	v6 =	vmul.f32 $2.000000030e-01, v5  }
0xdc: {  	vm0 =	vge.f32 v5, $0.0e+00;
	(erf) = vpow2.f32 v4  }
0xdd: {  	v4 =	vsel vm0, v5, v6  }
0xde: {  	_ = 	snop  }
0xdf: {  	v2 =	vadd.f32 v3, v2;
	_ =	sdelay $0x1  }
0xe0: {  	v3 =	vmul.f32 $2.000000030e-01, v2  }
0xe1: {  	vm0 =	vge.f32 v2, $0.0e+00  }
0xe2: {  	v4 =	vsub.f32 v4, v1;
	v2 =	vsel vm0, v2, v3  }
0xe3: {  	v2 =	vsub.f32 v2, v1  }
0xe4: {  	v3 =	vmul.f32 $1.442695020e+00, v4  }
0xe5: {  	v2 =	vmul.f32 $1.442695020e+00, v2  }
0xe6: {  	(erf) = vpow2.f32 v3  }
0xe7: {  	(erf) = vpow2.f32 v2;
	_ =	sdelay $0x5  }
0xe8: {  	v2 =	vpop (erf)  }
0xe9: {  	v3 =	vpop (erf);
	[tilespmem:s20+$0x6100] =	vst v2  }
0xea: {  	[tilespmem:s21+$0x6100] =	vst v3;
	v2 =	vpop (erf)  }
0xeb: {  	[tilespmem:s25+$0x6100] =	vst v2;
	v2 =	vpop (erf)  }
0xec: {  	[tilespmem:s26+$0x6100] =	vst v2  }
0xed: {  	_ =	swait.ge [sflag:s11], $0x2000  }
0xee: {  	[sflag:s11] =	ssyncset.done $0x0  }
0xef: {  	s20 =	simm.s32 $0x6920;
	[sflag:s11] =	ssyncadd.s32 $0xFFFFE000  }
0xf0: {  	s5 =	simm.s32 $0x0;
	s21 =	simm.s32 $0x6920;
	s25 =	simm.s32 $0x40;
	v2 =	vld [tilespmem:s20+$0xFFFFFFF0]  }
.LBB2_15:
0xf1: {  	p0 =	sne.s32 s25, $0x1FC0;
	v3 =	vld [tilespmem:s5+$0x6100]  }
0xf2: {  	v4 =	vld [tilespmem:s20+$0x10]  }
0xf3: {  	v5 =	vld [tilespmem:s20+$0xFFFFFFE0]  }
0xf4: {  	v6 =	vld [tilespmem:s20+$0x0];
	_ =	sdelay $0x1  }
0xf5: {  	v7 =	vbroadcast v3, $0x2;
	v3 =	vbroadcast v3, $0x3;
	_ =	sdelay $0x1  }
0xf6: {  	v5 =	vmul.f32 v7, v5;
	v2 =	vmul.f32 v2, v7  }
.Ltmp6:
0xf7: {  	v6 =	vmul.f32 v6, v3;
	v3 =	vmul.f32 v4, v3;
	(pc) =	sbr.rel @p0 .LBB2_15-.Ltmp6, $4  }
0xf8: {  	[tilespmem:s20+$0xFFFFFFE0] =	vst v5  }
0xf9: {  	[tilespmem:s20+$0xFFFFFFF0] =	vst v2  }
0xfa: {  	s20 =	sadd.s32 $0x40, s20;
	[tilespmem:s21+$0x0] =	vst v6  }
0xfb: {  	s5 =	sshra.s32 s25, $0x2;
	s25 =	sadd.s32 $0x40, s25;
	v2 =	vld [tilespmem:s20+$0xFFFFFFF0];
	[tilespmem:s21+$0x10] =	vst v3;
	s21 =	smov.u32 s20  }
0xfc: {  	v3 =	vld [tilespmem:s5+$0x6100];
	_ =	sdelay $0x1  }
0xfd: {  	v4 =	vld [tilespmem:s20+$0xFFFFFFE0];
	_ =	sdelay $0x1  }
0xfe: {  	v5 =	vld [tilespmem:s20+$0x0]  }
0xff: {  	v6 =	vld [tilespmem:s20+$0x10];
	v7 =	vbroadcast v3, $0x2;
	_ =	sdelay $0x1  }
0x100: {  	s17 =	sadd.s32 $0x1, s17;
	v3 =	vbroadcast v3, $0x3;
	v4 =	vmul.f32 v7, v4  }
0x101: {  	p0 =	sne.s32 s17, $0x51;
	v2 =	vmul.f32 v2, v7  }
.Ltmp7:
0x102: {  	v5 =	vmul.f32 v5, v3;
	[tilespmem:s20+$0xFFFFFFE0] =	vst v4;
	(pc) =	sbr.rel @p0 .LBB2_12-.Ltmp7, $4  }
0x103: {  	v3 =	vmul.f32 v6, v3;
	[tilespmem:s20+$0xFFFFFFF0] =	vst v2  }
0x104: {  	[tilespmem:s21+$0x0] =	vst v5  }
0x105: {  	[tilespmem:s21+$0x10] =	vst v3  }
0x106: {  	[spmem:s3] =	stream.indirect.scatter.add.f32 [tilespmem:s30], [sflag:$0x2], $0x40, s19, s29, $0xb8;
	[tilespmem:$0x1C610] =	vst v63  }
0x107: {  	_ =	swait.ge [sflag:s12], $0x2000  }
0x108: {  	[sflag:s12] =	ssyncset.done $0x0  }
0x109: {  	[sflag:s12] =	ssyncadd.s32 $0xFFFFE000  }
0x10a: {  	[bflag:$0x0] =	sbarrier.arrive $0xFFFF  }
0x10b: {  	s5 =	rddreg [dreg:$0x7]  }
0x10c: {  	[hbm:s5], [sflag:s14] =	dma.local [spmem:s15], $0x9C0  }
0x10d: {  	_ =	swait.ge [sflag:s28], $0x9C0  }
0x10e: {  	[sflag:s28] =	ssyncset.done $0x0  }
0x10f: {  	s26 =	rddreg [dreg:$0x8];
	[sflag:s28] =	ssyncadd.s32 $0xFFFFF640  }
0x110: {  	[hbm:s26], [sflag:s14] =	dma.local [spmem:s16], $0xA00  }
0x111: {  	_ =	swait.ge [sflag:s28], $0xA00  }
0x112: {  	[sflag:s28] =	ssyncset.done $0x0  }
0x113: {  	[sflag:s28] =	ssyncadd.s32 $0xFFFFF600  }
0x114: {  	[spmem:s22] =	stream.linear.scatter [tilespmem:s31], [sflag:$0x3], $0x4E00, $0x38;
	[tilespmem:$0x1C610] =	vst v63  }
0x115: {  	_ =	swait.ge [sflag:s28], $0x4E00  }
0x116: {  	[sflag:s28] =	ssyncset.done $0x0  }
0x117: {  	[sflag:s28] =	ssyncadd.s32 $0xFFFFB200  }
0x118: {  	[spmem:s23] =	stream.linear.scatter [tilespmem:s31], [sflag:$0x3], $0x5000, $0x38;
	[tilespmem:$0x1C610] =	vst v63  }
0x119: {  	_ =	swait.ge [sflag:s28], $0x5000  }
0x11a: {  	[sflag:s28] =	ssyncset.done $0x0  }
0x11b: {  	[sflag:s28] =	ssyncadd.s32 $0xFFFFB000  }
0x11c: {  	s17 =	simm.s32 $0x0;
	[bflag:$0x0] =	sbarrier.arrive $0xFFFF  }
.LBB2_18:
0x11d: {  	p0 =	seq.s32 s17, $0x0  }
0x11e: {  	s5 =	simm.s32 @!p0 $0x2  }
0x11f: {  	_ =	swait.ge @!p0 [sflag:s5], $0x2000  }
0x120: {  	[sflag:s5] =	ssyncset.done @!p0 $0x0  }
0x121: {  	s26 =	sshll.u32 s17, $0x7;
	[sflag:s5] =	ssyncadd.s32 @!p0 $0xFFFFE000  }
0x122: {  	[tilespmem:s30], [sflag:$0x1] =	stream.indirect.gather [hbm4b:s9+s29], $0x40, s26, s29, $0xb8;
	[tilespmem:$0x1C610] =	vst v63  }
0x123: {  	_ = 	snop  }
0x124: {  	[tilespmem:s1], [sflag:$0x3] =	stream.indirect.gather [hbm4b:s0+s29], $0x10, s26, s29, $0xb8;
	[tilespmem:$0x1C610] =	vst v63  }
0x125: {  	_ =	swait.ge [sflag:s28], $0x800  }
0x126: {  	[sflag:s28] =	ssyncset.done $0x0  }
0x127: {  	s19 =	sadd.s32 $0x2880, s26;
	[sflag:s28] =	ssyncadd.s32 $0xFFFFF800  }
0x128: {  	[tilespmem:s2], [sflag:$0x3] =	stream.indirect.gather [hbm4b:s6+s29], $0x10, s19, s29, $0xb8;
	[tilespmem:$0x1C610] =	vst v63  }
0x129: {  	_ =	swait.ge [sflag:s28], $0x800  }
0x12a: {  	[sflag:s28] =	ssyncset.done $0x0  }
0x12b: {  	s20 =	simm.s32 $0x0;
	[sflag:s28] =	ssyncadd.s32 $0xFFFFF800  }
0x12c: {  	v2 =	vld [tilespmem:s20+$0x5100]  }
0x12d: {  	v3 =	vld [tilespmem:s20+$0x5900];
	_ =	sdelay $0x1  }
0x12e: {  	s21 =	simm.s32 $0x10  }
0x12f: {  	v4 =	vld [tilespmem:s21+$0x5100]  }
0x130: {  	v5 =	vld [tilespmem:s21+$0x5900]  }
0x131: {  	v2 =	vadd.f32 v3, v2;
	_ =	sdelay $0x1  }
0x132: {  	v6 =	vmul.f32 $2.000000030e-01, v2  }
0x133: {  	vm0 =	vge.f32 v2, $0.0e+00  }
0x134: {  	v4 =	vadd.f32 v5, v4;
	v2 =	vsel vm0, v2, v6  }
0x135: {  	s25 =	simm.s32 $0x20;
	v2 =	vsub.f32 v2, v1  }
0x136: {  	v3 =	vld [tilespmem:s25+$0x5100];
	v7 =	vmul.f32 $2.000000030e-01, v4  }
0x137: {  	v5 =	vld [tilespmem:s25+$0x5900];
	vm14 =	vge.f32 v4, $0.0e+00;
	v2 =	vmul.f32 $1.442695020e+00, v2  }
0x138: {  	v4 =	vsel vm14, v4, v7  }
0x139: {  	v4 =	vsub.f32 v4, v1;
	(erf) = vpow2.f32 v2;
	_ =	sdelay $0x1  }
0x13a: {  	s26 =	simm.s32 $0x30;
	v4 =	vmul.f32 $1.442695020e+00, v4  }
0x13b: {  	v5 =	vadd.f32 v5, v3;
	v3 =	vld [tilespmem:s26+$0x5900]  }
0x13c: {  	v2 =	vld [tilespmem:s26+$0x5100];
	(erf) = vpow2.f32 v4  }
0x13d: {  	v6 =	vmul.f32 $2.000000030e-01, v5  }
0x13e: {  	vm15 =	vge.f32 v5, $0.0e+00  }
0x13f: {  	s5 =	simm.s32 $0x100;
	v4 =	vsel vm15, v5, v6  }
.LBB2_19:
0x140: {  	s24 =	sshra.s32 s5, $0x2;
	v4 =	vsub.f32 v4, v1;
	p0 =	sne.s32 s5, $0x1FC0  }
.Ltmp8:
0x141: {  	s5 =	sadd.s32 $0x40, s5;
	v5 =	vadd.f32 v3, v2;
	v2 =	vld [tilespmem:s24+$0x5100];
	v6 =	vpop (erf);
	(pc) =	sbr.rel @p0 .LBB2_19-.Ltmp8, $4  }
0x142: {  	v3 =	vld [tilespmem:s24+$0x5900];
	v4 =	vmul.f32 $1.442695020e+00, v4;
	[tilespmem:s20+$0x6100] =	vst v6;
	s20 =	smov.u32 s21;
	s21 =	smov.u32 s25;
	s25 =	smov.u32 s26  }
0x143: {  	s26 =	smov.u32 s24;
	v6 =	vmul.f32 $2.000000030e-01, v5  }
0x144: {  	vm0 =	vge.f32 v5, $0.0e+00;
	(erf) = vpow2.f32 v4  }
0x145: {  	v4 =	vsel vm0, v5, v6  }
0x146: {  	_ = 	snop  }
0x147: {  	v2 =	vadd.f32 v3, v2;
	_ =	sdelay $0x1  }
0x148: {  	v3 =	vmul.f32 $2.000000030e-01, v2  }
0x149: {  	vm0 =	vge.f32 v2, $0.0e+00  }
0x14a: {  	v4 =	vsub.f32 v4, v1;
	v2 =	vsel vm0, v2, v3  }
0x14b: {  	v2 =	vsub.f32 v2, v1  }
0x14c: {  	v3 =	vmul.f32 $1.442695020e+00, v4  }
0x14d: {  	v2 =	vmul.f32 $1.442695020e+00, v2  }
0x14e: {  	(erf) = vpow2.f32 v3  }
0x14f: {  	(erf) = vpow2.f32 v2;
	_ =	sdelay $0x5  }
0x150: {  	v2 =	vpop (erf)  }
0x151: {  	v3 =	vpop (erf);
	[tilespmem:s20+$0x6100] =	vst v2  }
0x152: {  	[tilespmem:s21+$0x6100] =	vst v3;
	v2 =	vpop (erf)  }
0x153: {  	[tilespmem:s25+$0x6100] =	vst v2;
	v2 =	vpop (erf)  }
0x154: {  	[tilespmem:s26+$0x6100] =	vst v2  }
0x155: {  	_ =	swait.ge [sflag:s11], $0x2000  }
0x156: {  	[sflag:s11] =	ssyncset.done $0x0  }
0x157: {  	s20 =	simm.s32 $0x6920;
	[sflag:s11] =	ssyncadd.s32 $0xFFFFE000  }
0x158: {  	s5 =	simm.s32 $0x0;
	s21 =	simm.s32 $0x6920;
	s25 =	simm.s32 $0x40;
	v2 =	vld [tilespmem:s20+$0xFFFFFFF0]  }
.LBB2_21:
0x159: {  	p0 =	sne.s32 s25, $0x1FC0;
	v3 =	vld [tilespmem:s5+$0x6100]  }
0x15a: {  	v4 =	vld [tilespmem:s20+$0x10]  }
0x15b: {  	v5 =	vld [tilespmem:s20+$0xFFFFFFE0]  }
0x15c: {  	v6 =	vld [tilespmem:s20+$0x0];
	_ =	sdelay $0x1  }
0x15d: {  	v7 =	vbroadcast v3, $0x4;
	v3 =	vbroadcast v3, $0x5;
	_ =	sdelay $0x1  }
0x15e: {  	v5 =	vmul.f32 v7, v5;
	v2 =	vmul.f32 v2, v7  }
.Ltmp9:
0x15f: {  	v6 =	vmul.f32 v6, v3;
	v3 =	vmul.f32 v4, v3;
	(pc) =	sbr.rel @p0 .LBB2_21-.Ltmp9, $4  }
0x160: {  	[tilespmem:s20+$0xFFFFFFE0] =	vst v5  }
0x161: {  	[tilespmem:s20+$0xFFFFFFF0] =	vst v2  }
0x162: {  	s20 =	sadd.s32 $0x40, s20;
	[tilespmem:s21+$0x0] =	vst v6  }
0x163: {  	s5 =	sshra.s32 s25, $0x2;
	s25 =	sadd.s32 $0x40, s25;
	v2 =	vld [tilespmem:s20+$0xFFFFFFF0];
	[tilespmem:s21+$0x10] =	vst v3;
	s21 =	smov.u32 s20  }
0x164: {  	v3 =	vld [tilespmem:s5+$0x6100];
	_ =	sdelay $0x1  }
0x165: {  	v4 =	vld [tilespmem:s20+$0xFFFFFFE0];
	_ =	sdelay $0x1  }
0x166: {  	v5 =	vld [tilespmem:s20+$0x0]  }
0x167: {  	v6 =	vld [tilespmem:s20+$0x10];
	v7 =	vbroadcast v3, $0x4;
	_ =	sdelay $0x1  }
0x168: {  	s17 =	sadd.s32 $0x1, s17;
	v3 =	vbroadcast v3, $0x5;
	v4 =	vmul.f32 v7, v4  }
0x169: {  	p0 =	sne.s32 s17, $0x51;
	v2 =	vmul.f32 v2, v7  }
.Ltmp10:
0x16a: {  	v5 =	vmul.f32 v5, v3;
	[tilespmem:s20+$0xFFFFFFE0] =	vst v4;
	(pc) =	sbr.rel @p0 .LBB2_18-.Ltmp10, $4  }
0x16b: {  	v3 =	vmul.f32 v6, v3;
	[tilespmem:s20+$0xFFFFFFF0] =	vst v2  }
0x16c: {  	[tilespmem:s21+$0x0] =	vst v5  }
0x16d: {  	[tilespmem:s21+$0x10] =	vst v3  }
0x16e: {  	[spmem:s3] =	stream.indirect.scatter.add.f32 [tilespmem:s30], [sflag:$0x2], $0x40, s19, s29, $0xb8;
	[tilespmem:$0x1C610] =	vst v63  }
0x16f: {  	_ =	swait.ge [sflag:s12], $0x2000  }
0x170: {  	[sflag:s12] =	ssyncset.done $0x0  }
0x171: {  	[sflag:s12] =	ssyncadd.s32 $0xFFFFE000  }
0x172: {  	[bflag:$0x0] =	sbarrier.arrive $0xFFFF  }
0x173: {  	s5 =	rddreg [dreg:$0x9]  }
0x174: {  	[hbm:s5], [sflag:s14] =	dma.local [spmem:s15], $0x9C0  }
0x175: {  	_ =	swait.ge [sflag:s28], $0x9C0  }
0x176: {  	[sflag:s28] =	ssyncset.done $0x0  }
0x177: {  	s26 =	rddreg [dreg:$0xa];
	[sflag:s28] =	ssyncadd.s32 $0xFFFFF640  }
0x178: {  	[hbm:s26], [sflag:s14] =	dma.local [spmem:s16], $0xA00  }
0x179: {  	_ =	swait.ge [sflag:s28], $0xA00  }
0x17a: {  	[sflag:s28] =	ssyncset.done $0x0  }
0x17b: {  	[sflag:s28] =	ssyncadd.s32 $0xFFFFF600  }
0x17c: {  	[spmem:s22] =	stream.linear.scatter [tilespmem:s31], [sflag:$0x3], $0x4E00, $0x38;
	[tilespmem:$0x1C610] =	vst v63  }
0x17d: {  	_ =	swait.ge [sflag:s28], $0x4E00  }
0x17e: {  	[sflag:s28] =	ssyncset.done $0x0  }
0x17f: {  	[sflag:s28] =	ssyncadd.s32 $0xFFFFB200  }
0x180: {  	[spmem:s23] =	stream.linear.scatter [tilespmem:s31], [sflag:$0x3], $0x5000, $0x38;
	[tilespmem:$0x1C610] =	vst v63  }
0x181: {  	_ =	swait.ge [sflag:s28], $0x5000  }
0x182: {  	[sflag:s28] =	ssyncset.done $0x0  }
0x183: {  	[sflag:s28] =	ssyncadd.s32 $0xFFFFB000  }
0x184: {  	s17 =	simm.s32 $0x0;
	[bflag:$0x0] =	sbarrier.arrive $0xFFFF  }
.LBB2_24:
0x185: {  	p0 =	seq.s32 s17, $0x0  }
0x186: {  	s5 =	simm.s32 @!p0 $0x2  }
0x187: {  	_ =	swait.ge @!p0 [sflag:s5], $0x2000  }
0x188: {  	[sflag:s5] =	ssyncset.done @!p0 $0x0  }
0x189: {  	s26 =	sshll.u32 s17, $0x7;
	[sflag:s5] =	ssyncadd.s32 @!p0 $0xFFFFE000  }
0x18a: {  	[tilespmem:s30], [sflag:$0x1] =	stream.indirect.gather [hbm4b:s18+s29], $0x40, s26, s29, $0xb8;
	[tilespmem:$0x1C610] =	vst v63  }
0x18b: {  	_ = 	snop  }
0x18c: {  	[tilespmem:s1], [sflag:$0x3] =	stream.indirect.gather [hbm4b:s0+s29], $0x10, s26, s29, $0xb8;
	[tilespmem:$0x1C610] =	vst v63  }
0x18d: {  	_ =	swait.ge [sflag:s28], $0x800  }
0x18e: {  	[sflag:s28] =	ssyncset.done $0x0  }
0x18f: {  	s19 =	sadd.s32 $0x2880, s26;
	[sflag:s28] =	ssyncadd.s32 $0xFFFFF800  }
0x190: {  	[tilespmem:s2], [sflag:$0x3] =	stream.indirect.gather [hbm4b:s6+s29], $0x10, s19, s29, $0xb8;
	[tilespmem:$0x1C610] =	vst v63  }
0x191: {  	_ =	swait.ge [sflag:s28], $0x800  }
0x192: {  	[sflag:s28] =	ssyncset.done $0x0  }
0x193: {  	s20 =	simm.s32 $0x0;
	[sflag:s28] =	ssyncadd.s32 $0xFFFFF800  }
0x194: {  	v2 =	vld [tilespmem:s20+$0x5100]  }
0x195: {  	v3 =	vld [tilespmem:s20+$0x5900];
	_ =	sdelay $0x1  }
0x196: {  	s21 =	simm.s32 $0x10  }
0x197: {  	v4 =	vld [tilespmem:s21+$0x5100]  }
0x198: {  	v5 =	vld [tilespmem:s21+$0x5900]  }
0x199: {  	v2 =	vadd.f32 v3, v2;
	_ =	sdelay $0x1  }
0x19a: {  	v6 =	vmul.f32 $2.000000030e-01, v2  }
0x19b: {  	vm0 =	vge.f32 v2, $0.0e+00  }
0x19c: {  	v4 =	vadd.f32 v5, v4;
	v2 =	vsel vm0, v2, v6  }
0x19d: {  	s25 =	simm.s32 $0x20;
	v2 =	vsub.f32 v2, v1  }
0x19e: {  	v3 =	vld [tilespmem:s25+$0x5100];
	v7 =	vmul.f32 $2.000000030e-01, v4  }
0x19f: {  	v5 =	vld [tilespmem:s25+$0x5900];
	vm14 =	vge.f32 v4, $0.0e+00;
	v2 =	vmul.f32 $1.442695020e+00, v2  }
0x1a0: {  	v4 =	vsel vm14, v4, v7  }
0x1a1: {  	v4 =	vsub.f32 v4, v1;
	(erf) = vpow2.f32 v2;
	_ =	sdelay $0x1  }
0x1a2: {  	s26 =	simm.s32 $0x30;
	v4 =	vmul.f32 $1.442695020e+00, v4  }
0x1a3: {  	v5 =	vadd.f32 v5, v3;
	v3 =	vld [tilespmem:s26+$0x5900]  }
0x1a4: {  	v2 =	vld [tilespmem:s26+$0x5100];
	(erf) = vpow2.f32 v4  }
0x1a5: {  	v6 =	vmul.f32 $2.000000030e-01, v5  }
0x1a6: {  	vm15 =	vge.f32 v5, $0.0e+00  }
0x1a7: {  	s5 =	simm.s32 $0x100;
	v4 =	vsel vm15, v5, v6  }
.LBB2_25:
0x1a8: {  	s24 =	sshra.s32 s5, $0x2;
	v4 =	vsub.f32 v4, v1;
	p0 =	sne.s32 s5, $0x1FC0  }
.Ltmp11:
0x1a9: {  	s5 =	sadd.s32 $0x40, s5;
	v5 =	vadd.f32 v3, v2;
	v2 =	vld [tilespmem:s24+$0x5100];
	v6 =	vpop (erf);
	(pc) =	sbr.rel @p0 .LBB2_25-.Ltmp11, $4  }
0x1aa: {  	v3 =	vld [tilespmem:s24+$0x5900];
	v4 =	vmul.f32 $1.442695020e+00, v4;
	[tilespmem:s20+$0x6100] =	vst v6;
	s20 =	smov.u32 s21;
	s21 =	smov.u32 s25;
	s25 =	smov.u32 s26  }
0x1ab: {  	s26 =	smov.u32 s24;
	v6 =	vmul.f32 $2.000000030e-01, v5  }
0x1ac: {  	vm0 =	vge.f32 v5, $0.0e+00;
	(erf) = vpow2.f32 v4  }
0x1ad: {  	v4 =	vsel vm0, v5, v6  }
0x1ae: {  	_ = 	snop  }
0x1af: {  	v2 =	vadd.f32 v3, v2;
	_ =	sdelay $0x1  }
0x1b0: {  	v3 =	vmul.f32 $2.000000030e-01, v2  }
0x1b1: {  	vm0 =	vge.f32 v2, $0.0e+00  }
0x1b2: {  	v4 =	vsub.f32 v4, v1;
	v2 =	vsel vm0, v2, v3  }
0x1b3: {  	v2 =	vsub.f32 v2, v1  }
0x1b4: {  	v3 =	vmul.f32 $1.442695020e+00, v4  }
0x1b5: {  	v2 =	vmul.f32 $1.442695020e+00, v2  }
0x1b6: {  	(erf) = vpow2.f32 v3  }
0x1b7: {  	(erf) = vpow2.f32 v2;
	_ =	sdelay $0x5  }
0x1b8: {  	v2 =	vpop (erf)  }
0x1b9: {  	v3 =	vpop (erf);
	[tilespmem:s20+$0x6100] =	vst v2  }
0x1ba: {  	[tilespmem:s21+$0x6100] =	vst v3;
	v2 =	vpop (erf)  }
0x1bb: {  	[tilespmem:s25+$0x6100] =	vst v2;
	v2 =	vpop (erf)  }
0x1bc: {  	[tilespmem:s26+$0x6100] =	vst v2  }
0x1bd: {  	_ =	swait.ge [sflag:s11], $0x2000  }
0x1be: {  	[sflag:s11] =	ssyncset.done $0x0  }
0x1bf: {  	s20 =	simm.s32 $0x6920;
	[sflag:s11] =	ssyncadd.s32 $0xFFFFE000  }
0x1c0: {  	s5 =	simm.s32 $0x0;
	s21 =	simm.s32 $0x6920;
	s25 =	simm.s32 $0x40;
	v2 =	vld [tilespmem:s20+$0xFFFFFFF0]  }
.LBB2_27:
0x1c1: {  	p0 =	sne.s32 s25, $0x1FC0;
	v3 =	vld [tilespmem:s5+$0x6100]  }
0x1c2: {  	v4 =	vld [tilespmem:s20+$0x10]  }
0x1c3: {  	v5 =	vld [tilespmem:s20+$0xFFFFFFE0]  }
0x1c4: {  	v6 =	vld [tilespmem:s20+$0x0];
	_ =	sdelay $0x1  }
0x1c5: {  	v7 =	vbroadcast v3, $0x6;
	v3 =	vbroadcast v3, $0x7;
	_ =	sdelay $0x1  }
0x1c6: {  	v5 =	vmul.f32 v7, v5;
	v2 =	vmul.f32 v2, v7  }
.Ltmp12:
0x1c7: {  	v6 =	vmul.f32 v6, v3;
	v3 =	vmul.f32 v4, v3;
	(pc) =	sbr.rel @p0 .LBB2_27-.Ltmp12, $4  }
0x1c8: {  	[tilespmem:s20+$0xFFFFFFE0] =	vst v5  }
0x1c9: {  	[tilespmem:s20+$0xFFFFFFF0] =	vst v2  }
0x1ca: {  	s20 =	sadd.s32 $0x40, s20;
	[tilespmem:s21+$0x0] =	vst v6  }
0x1cb: {  	s5 =	sshra.s32 s25, $0x2;
	s25 =	sadd.s32 $0x40, s25;
	v2 =	vld [tilespmem:s20+$0xFFFFFFF0];
	[tilespmem:s21+$0x10] =	vst v3;
	s21 =	smov.u32 s20  }
0x1cc: {  	v3 =	vld [tilespmem:s5+$0x6100];
	_ =	sdelay $0x1  }
0x1cd: {  	v4 =	vld [tilespmem:s20+$0xFFFFFFE0];
	_ =	sdelay $0x1  }
0x1ce: {  	v5 =	vld [tilespmem:s20+$0x0]  }
0x1cf: {  	v6 =	vld [tilespmem:s20+$0x10];
	v7 =	vbroadcast v3, $0x6;
	_ =	sdelay $0x1  }
0x1d0: {  	s17 =	sadd.s32 $0x1, s17;
	v3 =	vbroadcast v3, $0x7;
	v4 =	vmul.f32 v7, v4  }
0x1d1: {  	p0 =	sne.s32 s17, $0x51;
	v2 =	vmul.f32 v2, v7  }
.Ltmp13:
0x1d2: {  	v5 =	vmul.f32 v5, v3;
	[tilespmem:s20+$0xFFFFFFE0] =	vst v4;
	(pc) =	sbr.rel @p0 .LBB2_24-.Ltmp13, $4  }
0x1d3: {  	v3 =	vmul.f32 v6, v3;
	[tilespmem:s20+$0xFFFFFFF0] =	vst v2  }
0x1d4: {  	[tilespmem:s21+$0x0] =	vst v5  }
0x1d5: {  	[tilespmem:s21+$0x10] =	vst v3  }
0x1d6: {  	[spmem:s3] =	stream.indirect.scatter.add.f32 [tilespmem:s30], [sflag:$0x2], $0x40, s19, s29, $0xb8;
	[tilespmem:$0x1C610] =	vst v63  }
0x1d7: {  	_ =	swait.ge [sflag:s12], $0x2000  }
0x1d8: {  	[sflag:s12] =	ssyncset.done $0x0  }
0x1d9: {  	[sflag:s12] =	ssyncadd.s32 $0xFFFFE000  }
0x1da: {  	[bflag:$0x0] =	sbarrier.arrive $0xFFFF  }
0x1db: {  	s5 =	rddreg [dreg:$0xb]  }
0x1dc: {  	[hbm:s5], [sflag:s14] =	dma.local [spmem:s15], $0x9C0  }
0x1dd: {  	_ =	swait.ge [sflag:s28], $0x9C0  }
0x1de: {  	[sflag:s28] =	ssyncset.done $0x0  }
0x1df: {  	s25 =	rddreg [dreg:$0xc];
	[sflag:s28] =	ssyncadd.s32 $0xFFFFF640  }
0x1e0: {  	[hbm:s25], [sflag:s14] =	dma.local [spmem:s16], $0xA00  }
0x1e1: {  	_ =	swait.ge [sflag:s28], $0xA00  }
0x1e2: {  	s13 =	sadd.s32 $0x1, s13;
	s26 =	rddreg [dreg:$0x12]  }
0x1e3: {  	p0 =	sne.s32 s13, s26  }
.Ltmp14:
0x1e4: {  	_ = 	snop;
	(pc) =	sbr.rel @p0 .LBB2_1-.Ltmp14, $3  }
0x1e5: {  	_ =	sdelay $0x1  }
0x1e6: {  	[sflag:s28] =	ssyncset.done $0x0  }
0x1e7: {  	s24 =	rddreg [dreg:$0x10];
	[sflag:s28] =	ssyncadd.s32 $0xFFFFF600  }
0x1e8: {  	_ =	sfence.sel $0x180000  }
0x1e9: {  	[bflag:$0x0] =	sbarrier.arrive $0xFFFF  }
0x1ea: {  	_ =	strace $0x90000047  }
0x1eb: {  	s0 =	stileid.u32;
	[bflag:$0x2] =	sbarrier.arrive $0xFFFF  }
0x1ec: {  	p0 =	sne.s32 s0, $0x0;
	s0 =	rddreg [dreg:$0x4]  }
0x1ed: {  	s0 =	sadd.s32 @!p0 $0x100000, s0  }
0x1ee: {  	[sflag:s0] =	ssyncadd.tile.s32 @!p0 $0x1;
	_ =	shalt  }
.Lfunc_end2:
_tile_overlayer_lowered:
.L_overlay_start_2:
0x1ef: {  	(tag) =	ssettag $0x2  }
0x1f0: {  	s0 =	rddreg [dreg:$0x0];
	s2 =	stileid.u32  }
0x1f1: {  	s1 =	rddreg [dreg:$0x1];
	p0 =	sne.s32 s2, $0x0  }
0x1f2: {  	s3 =	rddreg [dreg:$0x2];
	[bflag:$0x3] =	sbarrier.arrive $0xFFFF;
	s2 =	simm.s32 @!p0 $0x1C03  }
0x1f3: {  	[timem:s3], [sflag:s2] =	dma.local @!p0 [hbm:s0], s1  }
0x1f4: {  	s0 =	simm.s32 @!p0 $0x3  }
0x1f5: {  	_ =	swait.ge @!p0 [sflag:s0], s1  }
0x1f6: {  	s1 =	ssub.s32 @!p0 $0x0, s1;
	[sflag:s0] =	ssyncset.done @!p0 $0x0  }
0x1f7: {  	[sflag:s0] =	ssyncadd.s32 @!p0 s1  }
0x1f8: {  	[bflag:$0x3] =	sbarrier.arrive $0xFFFF  }
0x1f9: {  	_ =	shalt  }

</sc_bundles>
